<compile_context>
chip_gen: v7x
topology: tpu7x:2x2x1
jax: 0.10.2.dev20260603
libtpu: 0.0.44.dev20260713+nightly
codegen_flags: <defaults>
</compile_context>

<pallas_src>
import jax
import jax.numpy as jnp
from jax import lax
from jax.experimental import pallas as pl
from jax.experimental.pallas import tpu as pltpu
from jax.experimental.pallas import tpu_sc as plsc

NC = 2
NS = 16
NW = NC * NS
L = 16

B = 320000
D = 128
E = B // NW
C = 128
NCHUNK = E // C
TAIL = E - NCHUNK * C
K = D // L
NBUF = 3


def _dot_decode_body(z_hbm, src_hbm, dst_hbm, out_hbm,
                     idx_s, idx_d, out_v,
                     rs0, rd0, rs1, rd1, rs2, rd2,
                     sem0, sem1, sem2):
    wid = lax.axis_index("s") * NC + lax.axis_index("c")
    base = pl.multiple_of(wid * E, 8)

    pltpu.sync_copy(src_hbm.at[pl.ds(base, E)], idx_s)
    pltpu.sync_copy(dst_hbm.at[pl.ds(base, E)], idx_d)

    bufs = ((rs0, rd0, sem0), (rs1, rd1, sem1), (rs2, rd2, sem2))

    def issue(c, b, n=C):
        rs, rd, sem = bufs[b]
        h = n // 2
        for j in range(2):
            off = pl.multiple_of(c * C + j * h, 8)
            pltpu.async_copy(z_hbm.at[idx_s.at[pl.ds(off, h)]],
                             rs.at[pl.ds(j * h, h)], sem)
            pltpu.async_copy(z_hbm.at[idx_d.at[pl.ds(off, h)]],
                             rd.at[pl.ds(j * h, h)], sem)

    def wait(c, b, n=C):
        rs, rd, sem = bufs[b]
        h = n // 2
        for j in range(2):
            off = pl.multiple_of(c * C + j * h, 8)
            pltpu.make_async_copy(z_hbm.at[idx_s.at[pl.ds(off, h)]],
                                  rs.at[pl.ds(j * h, h)], sem).wait()
            pltpu.make_async_copy(z_hbm.at[idx_d.at[pl.ds(off, h)]],
                                  rd.at[pl.ds(j * h, h)], sem).wait()

    lane = lax.iota(jnp.int32, L)
    lane15 = lane == (L - 1)

    def edge_body(rs, rd, row, obase):
        prods = [rs[row, pl.ds(k * L, L)] * rd[row, pl.ds(k * L, L)]
                 for k in range(K)]
        while len(prods) > 1:
            prods = [a + b for a, b in zip(prods[0::2], prods[1::2])]
        cum = plsc.cumsum(prods[0])
        sig = 1.0 / (1.0 + jnp.exp(-cum))
        plsc.store_compressed(out_v.at[pl.ds(obase, L)], sig, mask=lane15)

    def compute(c, b, n=C):
        rs, rd, _ = bufs[b]

        @plsc.parallel_loop(0, n, unroll=4)
        def _(e):
            edge_body(rs, rd, e, c * C + e)

    for b in range(NBUF):
        issue(b, b)

    def outer(i, _):
        for b in range(NBUF):
            c = NBUF * i + b
            wait(c, b)
            compute(c, b)

            @pl.when(c + NBUF < NCHUNK)
            def _():
                issue(c + NBUF, b)
        return 0

    lax.fori_loop(0, NCHUNK // NBUF, outer, 0)

    issue(NCHUNK, 0, n=TAIL)
    wait(NCHUNK, 0, n=TAIL)
    compute(NCHUNK, 0, n=TAIL)

    pltpu.sync_copy(out_v.at[pl.ds(0, E)], out_hbm.at[pl.ds(base, E)])


@jax.jit
def kernel(z, edge_index):
    mesh = plsc.VectorSubcoreMesh(core_axis_name="c", subcore_axis_name="s")
    f = pl.kernel(
        _dot_decode_body,
        out_type=jax.ShapeDtypeStruct((B,), jnp.float32),
        mesh=mesh,
        compiler_params=pltpu.CompilerParams(needs_layout_passes=False),
        scratch_types=[
            pltpu.VMEM((E,), jnp.int32),
            pltpu.VMEM((E,), jnp.int32),
            pltpu.VMEM((E + L,), jnp.float32),
            *([pltpu.VMEM((C, D), jnp.float32)] * (2 * NBUF)),
            *([pltpu.SemaphoreType.DMA] * NBUF),
        ],
    )
    return f(z, edge_index[0], edge_index[1])

# --- scband reference (transcript-rebuilt; emitter-appended) ---
"""Pipeline reference for scband-my-gae-27436251087299 (READ-ONLY COPY).

The authoritative reference and input builder live on the scoring server;
editing this copy changes nothing except your own understanding.
"""

import jax, jax.numpy as jnp
import numpy as np


def setup_inputs(seed: int = 0) -> dict:
    key = jax.random.key(seed)
    k1, k2 = jax.random.split(key)
    z = jax.random.normal(k1, (10000, 128), dtype=jnp.float32)
    edge_index = jax.random.randint(k2, (2, 320000), 0, 10000, dtype=jnp.int64 if jax.config.jax_enable_x64 else jnp.int32).astype(jnp.int32)
    return {"z": z, "edge_index": edge_index}


def reference(z, edge_index):
    # InnerProductDecoder.forward(z, edge_index, sigmoid=True)
    # value = (z[edge_index[0]] * z[edge_index[1]]).sum(dim=1); sigmoid(value)
    src = jnp.take(z, edge_index[0], axis=0)
    dst = jnp.take(z, edge_index[1], axis=0)
    value = jnp.sum(src * dst, axis=1)
    return jax.nn.sigmoid(value)

if __name__ == "__main__":
    import jax
    _d = setup_inputs()
    print(jax.jit(kernel)(*tuple(_d.values())))

</pallas_src>

<mosaic_0001>
#map = affine_map<(d0, d1) -> (0, 0)>
#map1 = affine_map<(d0, d1) -> (0)>
module attributes {stable_mosaic.version = 14 : i64} {
  func.func @_dot_decode_body(%arg0: i32, %arg1: i32, %arg2: memref<10000x128xf32, #tpu.memory_space<hbm>>, %arg3: memref<320000xi32, #tpu.memory_space<hbm>>, %arg4: memref<320000xi32, #tpu.memory_space<hbm>>, %arg5: memref<320000xf32, #tpu.memory_space<hbm>>, %arg6: memref<10000xi32, #tpu.memory_space<vmem>>, %arg7: memref<10000xi32, #tpu.memory_space<vmem>>, %arg8: memref<10016xf32, #tpu.memory_space<vmem>>, %arg9: memref<128x128xf32, #tpu.memory_space<vmem>>, %arg10: memref<128x128xf32, #tpu.memory_space<vmem>>, %arg11: memref<128x128xf32, #tpu.memory_space<vmem>>, %arg12: memref<128x128xf32, #tpu.memory_space<vmem>>, %arg13: memref<128x128xf32, #tpu.memory_space<vmem>>, %arg14: memref<128x128xf32, #tpu.memory_space<vmem>>, %arg15: memref<!tpu.dma_semaphore, #tpu.memory_space<semaphore_mem>>, %arg16: memref<!tpu.dma_semaphore, #tpu.memory_space<semaphore_mem>>, %arg17: memref<!tpu.dma_semaphore, #tpu.memory_space<semaphore_mem>>) attributes {dimension_semantics = [#tpu.dimension_semantics<core_parallel>, #tpu.dimension_semantics<subcore_parallel>], iteration_bounds = array<i64: 2, 16>, scalar_prefetch = 0 : i64, scratch_operands = 12 : i64, tpu.core_type = #tpu.core_type<sc_vector_subcore>, window_params = [{transform_indices = #map}, {transform_indices = #map1}, {transform_indices = #map1}, {transform_indices = #map1}]} {
    %mul3A = arith.constant 2 : i32
    %mul3A_0 = arith.muli %arg1, %mul3A : i32
    %add3A = arith.addi %mul3A_0, %arg0 : i32
    %mul3A_1 = arith.constant 10000 : i32
    %mul3A_2 = arith.muli %add3A, %mul3A_1 : i32
    %multiple_of3A = tpu.assume_multiple %mul3A_2, 8 : i32
    "tpu.region"() ({
      %run_scoped3A = tpu.sem_alloc : memref<!tpu.dma_semaphore, #tpu.memory_space<semaphore_mem>>
      %dma_start3A_171 = tpu.memref_slice %arg3[%multiple_of3A] : memref<320000xi32, #tpu.memory_space<hbm>> -> memref<10000xi32, #tpu.memory_space<hbm>>
      %dma_start3A_172 = tpu.memref_slice %arg3[%multiple_of3A] : memref<320000xi32, #tpu.memory_space<hbm>> -> memref<10000xi32, #tpu.memory_space<hbm>>
      tpu.enqueue_dma source(%dma_start3A_172 : memref<10000xi32, #tpu.memory_space<hbm>>) target(%arg6 : memref<10000xi32, #tpu.memory_space<vmem>>) target_semaphore(%run_scoped3A : memref<!tpu.dma_semaphore, #tpu.memory_space<semaphore_mem>>)
      %dma_wait3A_173 = tpu.memref_slice %arg3[%multiple_of3A] : memref<320000xi32, #tpu.memory_space<hbm>> -> memref<10000xi32, #tpu.memory_space<hbm>>
      %dma_wait3A_174 = tpu.memref_slice %arg3[%multiple_of3A] : memref<320000xi32, #tpu.memory_space<hbm>> -> memref<10000xi32, #tpu.memory_space<hbm>>
      tpu.wait_dma2 semaphore(%run_scoped3A : memref<!tpu.dma_semaphore, #tpu.memory_space<semaphore_mem>>) src(%dma_wait3A_174 : memref<10000xi32, #tpu.memory_space<hbm>>) dst(%arg6 : memref<10000xi32, #tpu.memory_space<vmem>>)
      tpu.yield
    }) : () -> ()
    "tpu.region"() ({
      %run_scoped3A = tpu.sem_alloc : memref<!tpu.dma_semaphore, #tpu.memory_space<semaphore_mem>>
      %dma_start3A_171 = tpu.memref_slice %arg4[%multiple_of3A] : memref<320000xi32, #tpu.memory_space<hbm>> -> memref<10000xi32, #tpu.memory_space<hbm>>
      %dma_start3A_172 = tpu.memref_slice %arg4[%multiple_of3A] : memref<320000xi32, #tpu.memory_space<hbm>> -> memref<10000xi32, #tpu.memory_space<hbm>>
      tpu.enqueue_dma source(%dma_start3A_172 : memref<10000xi32, #tpu.memory_space<hbm>>) target(%arg7 : memref<10000xi32, #tpu.memory_space<vmem>>) target_semaphore(%run_scoped3A : memref<!tpu.dma_semaphore, #tpu.memory_space<semaphore_mem>>)
      %dma_wait3A_173 = tpu.memref_slice %arg4[%multiple_of3A] : memref<320000xi32, #tpu.memory_space<hbm>> -> memref<10000xi32, #tpu.memory_space<hbm>>
      %dma_wait3A_174 = tpu.memref_slice %arg4[%multiple_of3A] : memref<320000xi32, #tpu.memory_space<hbm>> -> memref<10000xi32, #tpu.memory_space<hbm>>
      tpu.wait_dma2 semaphore(%run_scoped3A : memref<!tpu.dma_semaphore, #tpu.memory_space<semaphore_mem>>) src(%dma_wait3A_174 : memref<10000xi32, #tpu.memory_space<hbm>>) dst(%arg7 : memref<10000xi32, #tpu.memory_space<vmem>>)
      tpu.yield
    }) : () -> ()
    %iota3A = tpu.iota {dimensions = array<i32: 0>} : vector<16xi32>
    %eq3A = arith.constant 15 : i32
    %eq3A_3 = vector.broadcast %eq3A : i32 to vector<16xi32>
    %eq3A_4 = arith.cmpi eq, %iota3A, %eq3A_3 : vector<16xi32>
    %multiple_of3A_5 = arith.constant 0 : i32
    %multiple_of3A_6 = tpu.assume_multiple %multiple_of3A_5, 8 : i32
    %dma_start3A = arith.constant 0 : i32
    %dma_start3A_7 = arith.constant 0 : i32
    %dma_start3A_8 = tpu.memref_slice %arg9[%dma_start3A, %dma_start3A_7] : memref<128x128xf32, #tpu.memory_space<vmem>> -> memref<64x128xf32, #tpu.memory_space<vmem>>
    %dma_start3A_9 = tpu.memref_slice %arg6[%multiple_of3A_6] : memref<10000xi32, #tpu.memory_space<vmem>> -> memref<64xi32, #tpu.memory_space<vmem>>
    %dma_start3A_10 = arith.constant 0 : i32
    %dma_start3A_11 = arith.constant 0 : i32
    %dma_start3A_12 = tpu.memref_slice %arg2[%dma_start3A_10, %dma_start3A_11] : memref<10000x128xf32, #tpu.memory_space<hbm>> -> memref<10000x128xf32, #tpu.memory_space<hbm>>
    tpu.enqueue_indirect_dma source(%dma_start3A_12 : memref<10000x128xf32, #tpu.memory_space<hbm>>) target(%dma_start3A_8 : memref<64x128xf32, #tpu.memory_space<vmem>>) offsets(%dma_start3A_9 : memref<64xi32, #tpu.memory_space<vmem>>) semaphore(%arg15 : memref<!tpu.dma_semaphore, #tpu.memory_space<semaphore_mem>>)
    %dma_start3A_13 = arith.constant 0 : i32
    %dma_start3A_14 = arith.constant 0 : i32
    %dma_start3A_15 = tpu.memref_slice %arg10[%dma_start3A_13, %dma_start3A_14] : memref<128x128xf32, #tpu.memory_space<vmem>> -> memref<64x128xf32, #tpu.memory_space<vmem>>
    %dma_start3A_16 = tpu.memref_slice %arg7[%multiple_of3A_6] : memref<10000xi32, #tpu.memory_space<vmem>> -> memref<64xi32, #tpu.memory_space<vmem>>
    %dma_start3A_17 = arith.constant 0 : i32
    %dma_start3A_18 = arith.constant 0 : i32
    %dma_start3A_19 = tpu.memref_slice %arg2[%dma_start3A_17, %dma_start3A_18] : memref<10000x128xf32, #tpu.memory_space<hbm>> -> memref<10000x128xf32, #tpu.memory_space<hbm>>
    tpu.enqueue_indirect_dma source(%dma_start3A_19 : memref<10000x128xf32, #tpu.memory_space<hbm>>) target(%dma_start3A_15 : memref<64x128xf32, #tpu.memory_space<vmem>>) offsets(%dma_start3A_16 : memref<64xi32, #tpu.memory_space<vmem>>) semaphore(%arg15 : memref<!tpu.dma_semaphore, #tpu.memory_space<semaphore_mem>>)
    %multiple_of3A_20 = arith.constant 64 : i32
    %multiple_of3A_21 = tpu.assume_multiple %multiple_of3A_20, 8 : i32
    %dma_start3A_22 = arith.constant 64 : i32
    %dma_start3A_23 = arith.constant 0 : i32
    %dma_start3A_24 = tpu.memref_slice %arg9[%dma_start3A_22, %dma_start3A_23] : memref<128x128xf32, #tpu.memory_space<vmem>> -> memref<64x128xf32, #tpu.memory_space<vmem>>
    %dma_start3A_25 = tpu.memref_slice %arg6[%multiple_of3A_21] : memref<10000xi32, #tpu.memory_space<vmem>> -> memref<64xi32, #tpu.memory_space<vmem>>
    %dma_start3A_26 = arith.constant 0 : i32
    %dma_start3A_27 = arith.constant 0 : i32
    %dma_start3A_28 = tpu.memref_slice %arg2[%dma_start3A_26, %dma_start3A_27] : memref<10000x128xf32, #tpu.memory_space<hbm>> -> memref<10000x128xf32, #tpu.memory_space<hbm>>
    tpu.enqueue_indirect_dma source(%dma_start3A_28 : memref<10000x128xf32, #tpu.memory_space<hbm>>) target(%dma_start3A_24 : memref<64x128xf32, #tpu.memory_space<vmem>>) offsets(%dma_start3A_25 : memref<64xi32, #tpu.memory_space<vmem>>) semaphore(%arg15 : memref<!tpu.dma_semaphore, #tpu.memory_space<semaphore_mem>>)
    %dma_start3A_29 = arith.constant 64 : i32
    %dma_start3A_30 = arith.constant 0 : i32
    %dma_start3A_31 = tpu.memref_slice %arg10[%dma_start3A_29, %dma_start3A_30] : memref<128x128xf32, #tpu.memory_space<vmem>> -> memref<64x128xf32, #tpu.memory_space<vmem>>
    %dma_start3A_32 = tpu.memref_slice %arg7[%multiple_of3A_21] : memref<10000xi32, #tpu.memory_space<vmem>> -> memref<64xi32, #tpu.memory_space<vmem>>
    %dma_start3A_33 = arith.constant 0 : i32
    %dma_start3A_34 = arith.constant 0 : i32
    %dma_start3A_35 = tpu.memref_slice %arg2[%dma_start3A_33, %dma_start3A_34] : memref<10000x128xf32, #tpu.memory_space<hbm>> -> memref<10000x128xf32, #tpu.memory_space<hbm>>
    tpu.enqueue_indirect_dma source(%dma_start3A_35 : memref<10000x128xf32, #tpu.memory_space<hbm>>) target(%dma_start3A_31 : memref<64x128xf32, #tpu.memory_space<vmem>>) offsets(%dma_start3A_32 : memref<64xi32, #tpu.memory_space<vmem>>) semaphore(%arg15 : memref<!tpu.dma_semaphore, #tpu.memory_space<semaphore_mem>>)
    %multiple_of3A_36 = arith.constant 128 : i32
    %multiple_of3A_37 = tpu.assume_multiple %multiple_of3A_36, 8 : i32
    %dma_start3A_38 = arith.constant 0 : i32
    %dma_start3A_39 = arith.constant 0 : i32
    %dma_start3A_40 = tpu.memref_slice %arg11[%dma_start3A_38, %dma_start3A_39] : memref<128x128xf32, #tpu.memory_space<vmem>> -> memref<64x128xf32, #tpu.memory_space<vmem>>
    %dma_start3A_41 = tpu.memref_slice %arg6[%multiple_of3A_37] : memref<10000xi32, #tpu.memory_space<vmem>> -> memref<64xi32, #tpu.memory_space<vmem>>
    %dma_start3A_42 = arith.constant 0 : i32
    %dma_start3A_43 = arith.constant 0 : i32
    %dma_start3A_44 = tpu.memref_slice %arg2[%dma_start3A_42, %dma_start3A_43] : memref<10000x128xf32, #tpu.memory_space<hbm>> -> memref<10000x128xf32, #tpu.memory_space<hbm>>
    tpu.enqueue_indirect_dma source(%dma_start3A_44 : memref<10000x128xf32, #tpu.memory_space<hbm>>) target(%dma_start3A_40 : memref<64x128xf32, #tpu.memory_space<vmem>>) offsets(%dma_start3A_41 : memref<64xi32, #tpu.memory_space<vmem>>) semaphore(%arg16 : memref<!tpu.dma_semaphore, #tpu.memory_space<semaphore_mem>>)
    %dma_start3A_45 = arith.constant 0 : i32
    %dma_start3A_46 = arith.constant 0 : i32
    %dma_start3A_47 = tpu.memref_slice %arg12[%dma_start3A_45, %dma_start3A_46] : memref<128x128xf32, #tpu.memory_space<vmem>> -> memref<64x128xf32, #tpu.memory_space<vmem>>
    %dma_start3A_48 = tpu.memref_slice %arg7[%multiple_of3A_37] : memref<10000xi32, #tpu.memory_space<vmem>> -> memref<64xi32, #tpu.memory_space<vmem>>
    %dma_start3A_49 = arith.constant 0 : i32
    %dma_start3A_50 = arith.constant 0 : i32
    %dma_start3A_51 = tpu.memref_slice %arg2[%dma_start3A_49, %dma_start3A_50] : memref<10000x128xf32, #tpu.memory_space<hbm>> -> memref<10000x128xf32, #tpu.memory_space<hbm>>
    tpu.enqueue_indirect_dma source(%dma_start3A_51 : memref<10000x128xf32, #tpu.memory_space<hbm>>) target(%dma_start3A_47 : memref<64x128xf32, #tpu.memory_space<vmem>>) offsets(%dma_start3A_48 : memref<64xi32, #tpu.memory_space<vmem>>) semaphore(%arg16 : memref<!tpu.dma_semaphore, #tpu.memory_space<semaphore_mem>>)
    %multiple_of3A_52 = arith.constant 192 : i32
    %multiple_of3A_53 = tpu.assume_multiple %multiple_of3A_52, 8 : i32
    %dma_start3A_54 = arith.constant 64 : i32
    %dma_start3A_55 = arith.constant 0 : i32
    %dma_start3A_56 = tpu.memref_slice %arg11[%dma_start3A_54, %dma_start3A_55] : memref<128x128xf32, #tpu.memory_space<vmem>> -> memref<64x128xf32, #tpu.memory_space<vmem>>
    %dma_start3A_57 = tpu.memref_slice %arg6[%multiple_of3A_53] : memref<10000xi32, #tpu.memory_space<vmem>> -> memref<64xi32, #tpu.memory_space<vmem>>
    %dma_start3A_58 = arith.constant 0 : i32
    %dma_start3A_59 = arith.constant 0 : i32
    %dma_start3A_60 = tpu.memref_slice %arg2[%dma_start3A_58, %dma_start3A_59] : memref<10000x128xf32, #tpu.memory_space<hbm>> -> memref<10000x128xf32, #tpu.memory_space<hbm>>
    tpu.enqueue_indirect_dma source(%dma_start3A_60 : memref<10000x128xf32, #tpu.memory_space<hbm>>) target(%dma_start3A_56 : memref<64x128xf32, #tpu.memory_space<vmem>>) offsets(%dma_start3A_57 : memref<64xi32, #tpu.memory_space<vmem>>) semaphore(%arg16 : memref<!tpu.dma_semaphore, #tpu.memory_space<semaphore_mem>>)
    %dma_start3A_61 = arith.constant 64 : i32
    %dma_start3A_62 = arith.constant 0 : i32
    %dma_start3A_63 = tpu.memref_slice %arg12[%dma_start3A_61, %dma_start3A_62] : memref<128x128xf32, #tpu.memory_space<vmem>> -> memref<64x128xf32, #tpu.memory_space<vmem>>
    %dma_start3A_64 = tpu.memref_slice %arg7[%multiple_of3A_53] : memref<10000xi32, #tpu.memory_space<vmem>> -> memref<64xi32, #tpu.memory_space<vmem>>
    %dma_start3A_65 = arith.constant 0 : i32
    %dma_start3A_66 = arith.constant 0 : i32
    %dma_start3A_67 = tpu.memref_slice %arg2[%dma_start3A_65, %dma_start3A_66] : memref<10000x128xf32, #tpu.memory_space<hbm>> -> memref<10000x128xf32, #tpu.memory_space<hbm>>
    tpu.enqueue_indirect_dma source(%dma_start3A_67 : memref<10000x128xf32, #tpu.memory_space<hbm>>) target(%dma_start3A_63 : memref<64x128xf32, #tpu.memory_space<vmem>>) offsets(%dma_start3A_64 : memref<64xi32, #tpu.memory_space<vmem>>) semaphore(%arg16 : memref<!tpu.dma_semaphore, #tpu.memory_space<semaphore_mem>>)
    %multiple_of3A_68 = arith.constant 256 : i32
    %multiple_of3A_69 = tpu.assume_multiple %multiple_of3A_68, 8 : i32
    %dma_start3A_70 = arith.constant 0 : i32
    %dma_start3A_71 = arith.constant 0 : i32
    %dma_start3A_72 = tpu.memref_slice %arg13[%dma_start3A_70, %dma_start3A_71] : memref<128x128xf32, #tpu.memory_space<vmem>> -> memref<64x128xf32, #tpu.memory_space<vmem>>
    %dma_start3A_73 = tpu.memref_slice %arg6[%multiple_of3A_69] : memref<10000xi32, #tpu.memory_space<vmem>> -> memref<64xi32, #tpu.memory_space<vmem>>
    %dma_start3A_74 = arith.constant 0 : i32
    %dma_start3A_75 = arith.constant 0 : i32
    %dma_start3A_76 = tpu.memref_slice %arg2[%dma_start3A_74, %dma_start3A_75] : memref<10000x128xf32, #tpu.memory_space<hbm>> -> memref<10000x128xf32, #tpu.memory_space<hbm>>
    tpu.enqueue_indirect_dma source(%dma_start3A_76 : memref<10000x128xf32, #tpu.memory_space<hbm>>) target(%dma_start3A_72 : memref<64x128xf32, #tpu.memory_space<vmem>>) offsets(%dma_start3A_73 : memref<64xi32, #tpu.memory_space<vmem>>) semaphore(%arg17 : memref<!tpu.dma_semaphore, #tpu.memory_space<semaphore_mem>>)
    %dma_start3A_77 = arith.constant 0 : i32
    %dma_start3A_78 = arith.constant 0 : i32
    %dma_start3A_79 = tpu.memref_slice %arg14[%dma_start3A_77, %dma_start3A_78] : memref<128x128xf32, #tpu.memory_space<vmem>> -> memref<64x128xf32, #tpu.memory_space<vmem>>
    %dma_start3A_80 = tpu.memref_slice %arg7[%multiple_of3A_69] : memref<10000xi32, #tpu.memory_space<vmem>> -> memref<64xi32, #tpu.memory_space<vmem>>
    %dma_start3A_81 = arith.constant 0 : i32
    %dma_start3A_82 = arith.constant 0 : i32
    %dma_start3A_83 = tpu.memref_slice %arg2[%dma_start3A_81, %dma_start3A_82] : memref<10000x128xf32, #tpu.memory_space<hbm>> -> memref<10000x128xf32, #tpu.memory_space<hbm>>
    tpu.enqueue_indirect_dma source(%dma_start3A_83 : memref<10000x128xf32, #tpu.memory_space<hbm>>) target(%dma_start3A_79 : memref<64x128xf32, #tpu.memory_space<vmem>>) offsets(%dma_start3A_80 : memref<64xi32, #tpu.memory_space<vmem>>) semaphore(%arg17 : memref<!tpu.dma_semaphore, #tpu.memory_space<semaphore_mem>>)
    %multiple_of3A_84 = arith.constant 320 : i32
    %multiple_of3A_85 = tpu.assume_multiple %multiple_of3A_84, 8 : i32
    %dma_start3A_86 = arith.constant 64 : i32
    %dma_start3A_87 = arith.constant 0 : i32
    %dma_start3A_88 = tpu.memref_slice %arg13[%dma_start3A_86, %dma_start3A_87] : memref<128x128xf32, #tpu.memory_space<vmem>> -> memref<64x128xf32, #tpu.memory_space<vmem>>
    %dma_start3A_89 = tpu.memref_slice %arg6[%multiple_of3A_85] : memref<10000xi32, #tpu.memory_space<vmem>> -> memref<64xi32, #tpu.memory_space<vmem>>
    %dma_start3A_90 = arith.constant 0 : i32
    %dma_start3A_91 = arith.constant 0 : i32
    %dma_start3A_92 = tpu.memref_slice %arg2[%dma_start3A_90, %dma_start3A_91] : memref<10000x128xf32, #tpu.memory_space<hbm>> -> memref<10000x128xf32, #tpu.memory_space<hbm>>
    tpu.enqueue_indirect_dma source(%dma_start3A_92 : memref<10000x128xf32, #tpu.memory_space<hbm>>) target(%dma_start3A_88 : memref<64x128xf32, #tpu.memory_space<vmem>>) offsets(%dma_start3A_89 : memref<64xi32, #tpu.memory_space<vmem>>) semaphore(%arg17 : memref<!tpu.dma_semaphore, #tpu.memory_space<semaphore_mem>>)
    %dma_start3A_93 = arith.constant 64 : i32
    %dma_start3A_94 = arith.constant 0 : i32
    %dma_start3A_95 = tpu.memref_slice %arg14[%dma_start3A_93, %dma_start3A_94] : memref<128x128xf32, #tpu.memory_space<vmem>> -> memref<64x128xf32, #tpu.memory_space<vmem>>
    %dma_start3A_96 = tpu.memref_slice %arg7[%multiple_of3A_85] : memref<10000xi32, #tpu.memory_space<vmem>> -> memref<64xi32, #tpu.memory_space<vmem>>
    %dma_start3A_97 = arith.constant 0 : i32
    %dma_start3A_98 = arith.constant 0 : i32
    %dma_start3A_99 = tpu.memref_slice %arg2[%dma_start3A_97, %dma_start3A_98] : memref<10000x128xf32, #tpu.memory_space<hbm>> -> memref<10000x128xf32, #tpu.memory_space<hbm>>
    tpu.enqueue_indirect_dma source(%dma_start3A_99 : memref<10000x128xf32, #tpu.memory_space<hbm>>) target(%dma_start3A_95 : memref<64x128xf32, #tpu.memory_space<vmem>>) offsets(%dma_start3A_96 : memref<64xi32, #tpu.memory_space<vmem>>) semaphore(%arg17 : memref<!tpu.dma_semaphore, #tpu.memory_space<semaphore_mem>>)
    %scan3A = arith.constant 0 : i32
    %scan3A_100 = arith.constant 0 : i32
    %scan3A_101 = arith.constant 26 : i32
    %scan3A_102 = arith.addi %scan3A_100, %scan3A_101 : i32
    %scan3A_103 = arith.constant 1 : i32
    %scan3A_104 = scf.for %scan3A_171 = %scan3A_100 to %scan3A_102 step %scan3A_103 iter_args(%scan3A_172 = %scan3A) -> (i32)  : i32 {
      %mul3A_173 = arith.constant 3 : i32
      %mul3A_174 = arith.muli %mul3A_173, %scan3A_171 : i32
      %add3A_175 = arith.constant 0 : i32
      %add3A_176 = arith.addi %mul3A_174, %add3A_175 : i32
      %mul3A_177 = arith.constant 128 : i32
      %mul3A_178 = arith.muli %add3A_176, %mul3A_177 : i32
      %add3A_179 = arith.constant 0 : i32
      %add3A_180 = arith.addi %mul3A_178, %add3A_179 : i32
      %multiple_of3A_181 = tpu.assume_multiple %add3A_180, 8 : i32
      %dma_wait3A_182 = arith.constant 0 : i32
      %dma_wait3A_183 = arith.constant 0 : i32
      %dma_wait3A_184 = tpu.memref_slice %arg9[%dma_wait3A_182, %dma_wait3A_183] : memref<128x128xf32, #tpu.memory_space<vmem>> -> memref<64x128xf32, #tpu.memory_space<vmem>>
      %dma_wait3A_185 = tpu.memref_slice %arg6[%multiple_of3A_181] : memref<10000xi32, #tpu.memory_space<vmem>> -> memref<64xi32, #tpu.memory_space<vmem>>
      %dma_wait3A_186 = arith.constant 0 : i32
      %dma_wait3A_187 = arith.constant 0 : i32
      %dma_wait3A_188 = tpu.memref_slice %arg2[%dma_wait3A_186, %dma_wait3A_187] : memref<10000x128xf32, #tpu.memory_space<hbm>> -> memref<10000x128xf32, #tpu.memory_space<hbm>>
      tpu.wait_indirect_dma semaphore(%arg15 : memref<!tpu.dma_semaphore, #tpu.memory_space<semaphore_mem>>) src(%dma_wait3A_188 : memref<10000x128xf32, #tpu.memory_space<hbm>>) dst(%dma_wait3A_184 : memref<64x128xf32, #tpu.memory_space<vmem>>)
      %dma_wait3A_189 = arith.constant 0 : i32
      %dma_wait3A_190 = arith.constant 0 : i32
      %dma_wait3A_191 = tpu.memref_slice %arg10[%dma_wait3A_189, %dma_wait3A_190] : memref<128x128xf32, #tpu.memory_space<vmem>> -> memref<64x128xf32, #tpu.memory_space<vmem>>
      %dma_wait3A_192 = tpu.memref_slice %arg7[%multiple_of3A_181] : memref<10000xi32, #tpu.memory_space<vmem>> -> memref<64xi32, #tpu.memory_space<vmem>>
      %dma_wait3A_193 = arith.constant 0 : i32
      %dma_wait3A_194 = arith.constant 0 : i32
      %dma_wait3A_195 = tpu.memref_slice %arg2[%dma_wait3A_193, %dma_wait3A_194] : memref<10000x128xf32, #tpu.memory_space<hbm>> -> memref<10000x128xf32, #tpu.memory_space<hbm>>
      tpu.wait_indirect_dma semaphore(%arg15 : memref<!tpu.dma_semaphore, #tpu.memory_space<semaphore_mem>>) src(%dma_wait3A_195 : memref<10000x128xf32, #tpu.memory_space<hbm>>) dst(%dma_wait3A_191 : memref<64x128xf32, #tpu.memory_space<vmem>>)
      %mul3A_196 = arith.constant 128 : i32
      %mul3A_197 = arith.muli %add3A_176, %mul3A_196 : i32
      %add3A_198 = arith.constant 64 : i32
      %add3A_199 = arith.addi %mul3A_197, %add3A_198 : i32
      %multiple_of3A_200 = tpu.assume_multiple %add3A_199, 8 : i32
      %dma_wait3A_201 = arith.constant 64 : i32
      %dma_wait3A_202 = arith.constant 0 : i32
      %dma_wait3A_203 = tpu.memref_slice %arg9[%dma_wait3A_201, %dma_wait3A_202] : memref<128x128xf32, #tpu.memory_space<vmem>> -> memref<64x128xf32, #tpu.memory_space<vmem>>
      %dma_wait3A_204 = tpu.memref_slice %arg6[%multiple_of3A_200] : memref<10000xi32, #tpu.memory_space<vmem>> -> memref<64xi32, #tpu.memory_space<vmem>>
      %dma_wait3A_205 = arith.constant 0 : i32
      %dma_wait3A_206 = arith.constant 0 : i32
      %dma_wait3A_207 = tpu.memref_slice %arg2[%dma_wait3A_205, %dma_wait3A_206] : memref<10000x128xf32, #tpu.memory_space<hbm>> -> memref<10000x128xf32, #tpu.memory_space<hbm>>
      tpu.wait_indirect_dma semaphore(%arg15 : memref<!tpu.dma_semaphore, #tpu.memory_space<semaphore_mem>>) src(%dma_wait3A_207 : memref<10000x128xf32, #tpu.memory_space<hbm>>) dst(%dma_wait3A_203 : memref<64x128xf32, #tpu.memory_space<vmem>>)
      %dma_wait3A_208 = arith.constant 64 : i32
      %dma_wait3A_209 = arith.constant 0 : i32
      %dma_wait3A_210 = tpu.memref_slice %arg10[%dma_wait3A_208, %dma_wait3A_209] : memref<128x128xf32, #tpu.memory_space<vmem>> -> memref<64x128xf32, #tpu.memory_space<vmem>>
      %dma_wait3A_211 = tpu.memref_slice %arg7[%multiple_of3A_200] : memref<10000xi32, #tpu.memory_space<vmem>> -> memref<64xi32, #tpu.memory_space<vmem>>
      %dma_wait3A_212 = arith.constant 0 : i32
      %dma_wait3A_213 = arith.constant 0 : i32
      %dma_wait3A_214 = tpu.memref_slice %arg2[%dma_wait3A_212, %dma_wait3A_213] : memref<10000x128xf32, #tpu.memory_space<hbm>> -> memref<10000x128xf32, #tpu.memory_space<hbm>>
      tpu.wait_indirect_dma semaphore(%arg15 : memref<!tpu.dma_semaphore, #tpu.memory_space<semaphore_mem>>) src(%dma_wait3A_214 : memref<10000x128xf32, #tpu.memory_space<hbm>>) dst(%dma_wait3A_210 : memref<64x128xf32, #tpu.memory_space<vmem>>)
      %parallel_loop3A_215 = arith.constant 0 : i32
      %parallel_loop3A_216 = arith.constant 128 : i32
      %parallel_loop3A_217 = arith.constant 1 : i32
      scf.for %parallel_loop3A_327 = %parallel_loop3A_215 to %parallel_loop3A_216 step %parallel_loop3A_217  : i32 {
        %parallel_loop3A_328 = arith.constant 128 : i32
        %parallel_loop3A_329 = arith.muli %add3A_176, %parallel_loop3A_328 : i32
        %parallel_loop3A_330 = arith.addi %parallel_loop3A_329, %parallel_loop3A_327 : i32
        %parallel_loop3A_331 = arith.index_cast %parallel_loop3A_327 : i32 to index
        %parallel_loop3A_332 = arith.constant 0 : index
        %parallel_loop3A_333 = tpu.vector_load %arg9[%parallel_loop3A_331, %parallel_loop3A_332] {strides = array<i32>} : memref<128x128xf32, #tpu.memory_space<vmem>>, vector<16xf32>,
        %parallel_loop3A_334 = arith.index_cast %parallel_loop3A_327 : i32 to index
        %parallel_loop3A_335 = arith.constant 0 : index
        %parallel_loop3A_336 = tpu.vector_load %arg10[%parallel_loop3A_334, %parallel_loop3A_335] {strides = array<i32>} : memref<128x128xf32, #tpu.memory_space<vmem>>, vector<16xf32>,
        %parallel_loop3A_337 = arith.mulf %parallel_loop3A_333, %parallel_loop3A_336 : vector<16xf32>
        %parallel_loop3A_338 = arith.index_cast %parallel_loop3A_327 : i32 to index
        %parallel_loop3A_339 = arith.constant 16 : index
        %parallel_loop3A_340 = tpu.vector_load %arg9[%parallel_loop3A_338, %parallel_loop3A_339] {strides = array<i32>} : memref<128x128xf32, #tpu.memory_space<vmem>>, vector<16xf32>,
        %parallel_loop3A_341 = arith.index_cast %parallel_loop3A_327 : i32 to index
        %parallel_loop3A_342 = arith.constant 16 : index
        %parallel_loop3A_343 = tpu.vector_load %arg10[%parallel_loop3A_341, %parallel_loop3A_342] {strides = array<i32>} : memref<128x128xf32, #tpu.memory_space<vmem>>, vector<16xf32>,
        %parallel_loop3A_344 = arith.mulf %parallel_loop3A_340, %parallel_loop3A_343 : vector<16xf32>
        %parallel_loop3A_345 = arith.index_cast %parallel_loop3A_327 : i32 to index
        %parallel_loop3A_346 = arith.constant 32 : index
        %parallel_loop3A_347 = tpu.vector_load %arg9[%parallel_loop3A_345, %parallel_loop3A_346] {strides = array<i32>} : memref<128x128xf32, #tpu.memory_space<vmem>>, vector<16xf32>,
        %parallel_loop3A_348 = arith.index_cast %parallel_loop3A_327 : i32 to index
        %parallel_loop3A_349 = arith.constant 32 : index
        %parallel_loop3A_350 = tpu.vector_load %arg10[%parallel_loop3A_348, %parallel_loop3A_349] {strides = array<i32>} : memref<128x128xf32, #tpu.memory_space<vmem>>, vector<16xf32>,
        %parallel_loop3A_351 = arith.mulf %parallel_loop3A_347, %parallel_loop3A_350 : vector<16xf32>
        %parallel_loop3A_352 = arith.index_cast %parallel_loop3A_327 : i32 to index
        %parallel_loop3A_353 = arith.constant 48 : index
        %parallel_loop3A_354 = tpu.vector_load %arg9[%parallel_loop3A_352, %parallel_loop3A_353] {strides = array<i32>} : memref<128x128xf32, #tpu.memory_space<vmem>>, vector<16xf32>,
        %parallel_loop3A_355 = arith.index_cast %parallel_loop3A_327 : i32 to index
        %parallel_loop3A_356 = arith.constant 48 : index
        %parallel_loop3A_357 = tpu.vector_load %arg10[%parallel_loop3A_355, %parallel_loop3A_356] {strides = array<i32>} : memref<128x128xf32, #tpu.memory_space<vmem>>, vector<16xf32>,
        %parallel_loop3A_358 = arith.mulf %parallel_loop3A_354, %parallel_loop3A_357 : vector<16xf32>
        %parallel_loop3A_359 = arith.index_cast %parallel_loop3A_327 : i32 to index
        %parallel_loop3A_360 = arith.constant 64 : index
        %parallel_loop3A_361 = tpu.vector_load %arg9[%parallel_loop3A_359, %parallel_loop3A_360] {strides = array<i32>} : memref<128x128xf32, #tpu.memory_space<vmem>>, vector<16xf32>,
        %parallel_loop3A_362 = arith.index_cast %parallel_loop3A_327 : i32 to index
        %parallel_loop3A_363 = arith.constant 64 : index
        %parallel_loop3A_364 = tpu.vector_load %arg10[%parallel_loop3A_362, %parallel_loop3A_363] {strides = array<i32>} : memref<128x128xf32, #tpu.memory_space<vmem>>, vector<16xf32>,
        %parallel_loop3A_365 = arith.mulf %parallel_loop3A_361, %parallel_loop3A_364 : vector<16xf32>
        %parallel_loop3A_366 = arith.index_cast %parallel_loop3A_327 : i32 to index
        %parallel_loop3A_367 = arith.constant 80 : index
        %parallel_loop3A_368 = tpu.vector_load %arg9[%parallel_loop3A_366, %parallel_loop3A_367] {strides = array<i32>} : memref<128x128xf32, #tpu.memory_space<vmem>>, vector<16xf32>,
        %parallel_loop3A_369 = arith.index_cast %parallel_loop3A_327 : i32 to index
        %parallel_loop3A_370 = arith.constant 80 : index
        %parallel_loop3A_371 = tpu.vector_load %arg10[%parallel_loop3A_369, %parallel_loop3A_370] {strides = array<i32>} : memref<128x128xf32, #tpu.memory_space<vmem>>, vector<16xf32>,
        %parallel_loop3A_372 = arith.mulf %parallel_loop3A_368, %parallel_loop3A_371 : vector<16xf32>
        %parallel_loop3A_373 = arith.index_cast %parallel_loop3A_327 : i32 to index
        %parallel_loop3A_374 = arith.constant 96 : index
        %parallel_loop3A_375 = tpu.vector_load %arg9[%parallel_loop3A_373, %parallel_loop3A_374] {strides = array<i32>} : memref<128x128xf32, #tpu.memory_space<vmem>>, vector<16xf32>,
        %parallel_loop3A_376 = arith.index_cast %parallel_loop3A_327 : i32 to index
        %parallel_loop3A_377 = arith.constant 96 : index
        %parallel_loop3A_378 = tpu.vector_load %arg10[%parallel_loop3A_376, %parallel_loop3A_377] {strides = array<i32>} : memref<128x128xf32, #tpu.memory_space<vmem>>, vector<16xf32>,
        %parallel_loop3A_379 = arith.mulf %parallel_loop3A_375, %parallel_loop3A_378 : vector<16xf32>
        %parallel_loop3A_380 = arith.index_cast %parallel_loop3A_327 : i32 to index
        %parallel_loop3A_381 = arith.constant 112 : index
        %parallel_loop3A_382 = tpu.vector_load %arg9[%parallel_loop3A_380, %parallel_loop3A_381] {strides = array<i32>} : memref<128x128xf32, #tpu.memory_space<vmem>>, vector<16xf32>,
        %parallel_loop3A_383 = arith.index_cast %parallel_loop3A_327 : i32 to index
        %parallel_loop3A_384 = arith.constant 112 : index
        %parallel_loop3A_385 = tpu.vector_load %arg10[%parallel_loop3A_383, %parallel_loop3A_384] {strides = array<i32>} : memref<128x128xf32, #tpu.memory_space<vmem>>, vector<16xf32>,
        %parallel_loop3A_386 = arith.mulf %parallel_loop3A_382, %parallel_loop3A_385 : vector<16xf32>
        %parallel_loop3A_387 = arith.addf %parallel_loop3A_337, %parallel_loop3A_344 : vector<16xf32>
        %parallel_loop3A_388 = arith.addf %parallel_loop3A_351, %parallel_loop3A_358 : vector<16xf32>
        %parallel_loop3A_389 = arith.addf %parallel_loop3A_365, %parallel_loop3A_372 : vector<16xf32>
        %parallel_loop3A_390 = arith.addf %parallel_loop3A_379, %parallel_loop3A_386 : vector<16xf32>
        %parallel_loop3A_391 = arith.addf %parallel_loop3A_387, %parallel_loop3A_388 : vector<16xf32>
        %parallel_loop3A_392 = arith.addf %parallel_loop3A_389, %parallel_loop3A_390 : vector<16xf32>
        %parallel_loop3A_393 = arith.addf %parallel_loop3A_391, %parallel_loop3A_392 : vector<16xf32>
        %parallel_loop3A_394 = arith.constant true
        %parallel_loop3A_395 = vector.broadcast %parallel_loop3A_394 : i1 to vector<16xi1>
        %parallel_loop3A_396 = tpu.scan <sum>, %parallel_loop3A_393 masked %parallel_loop3A_395 : vector<16xf32>, vector<16xi1> -> vector<16xf32>
        %parallel_loop3A_397 = arith.constant 0.000000e+00 : f32
        %parallel_loop3A_398 = vector.broadcast %parallel_loop3A_397 : f32 to vector<16xf32>
        %parallel_loop3A_399 = arith.subf %parallel_loop3A_398, %parallel_loop3A_396 : vector<16xf32>
        %parallel_loop3A_400 = math.exp %parallel_loop3A_399 : vector<16xf32>
        %parallel_loop3A_401 = arith.constant 1.000000e+00 : f32
        %parallel_loop3A_402 = vector.broadcast %parallel_loop3A_401 : f32 to vector<16xf32>
        %parallel_loop3A_403 = arith.addf %parallel_loop3A_402, %parallel_loop3A_400 : vector<16xf32>
        %parallel_loop3A_404 = arith.constant 1.000000e+00 : f32
        %parallel_loop3A_405 = vector.broadcast %parallel_loop3A_404 : f32 to vector<16xf32>
        %parallel_loop3A_406 = arith.divf %parallel_loop3A_405, %parallel_loop3A_403 : vector<16xf32>
        %parallel_loop3A_407 = arith.index_cast %parallel_loop3A_330 : i32 to index
        %parallel_loop3A_408 = tpu.vector_load %arg8[%parallel_loop3A_407] masked %eq3A_4 {strides = array<i32>} : memref<10016xf32, #tpu.memory_space<vmem>>, vector<16xf32>, vector<16xi1>
        tpu.vector_store %arg8[%parallel_loop3A_407], %parallel_loop3A_406 masked %eq3A_4 {strides = array<i32>} : memref<10016xf32, #tpu.memory_space<vmem>>, vector<16xf32>, vector<16xi1>
      } {sc.loop_unroll_factor = 4 : i64, sc.parallel_access}
      %add3A_218 = arith.constant 3 : i32
      %add3A_219 = arith.addi %add3A_176, %add3A_218 : i32
      %lt3A = arith.constant 78 : i32
      %lt3A_220 = arith.cmpi slt, %add3A_219, %lt3A : i32
      %convert_element_type3A = arith.extui %lt3A_220 : i1 to i32
      %cond3A = arith.constant 0 : i32
      %cond3A_221 = arith.cmpi ne, %convert_element_type3A, %cond3A : i32
      scf.if %cond3A_221 {
        %add3A_327 = arith.constant 3 : i32
        %add3A_328 = arith.addi %add3A_176, %add3A_327 : i32
        %mul3A_329 = arith.constant 128 : i32
        %mul3A_330 = arith.muli %add3A_328, %mul3A_329 : i32
        %add3A_331 = arith.constant 0 : i32
        %add3A_332 = arith.addi %mul3A_330, %add3A_331 : i32
        %multiple_of3A_333 = tpu.assume_multiple %add3A_332, 8 : i32
        %dma_start3A_334 = arith.constant 0 : i32
        %dma_start3A_335 = arith.constant 0 : i32
        %dma_start3A_336 = tpu.memref_slice %arg9[%dma_start3A_334, %dma_start3A_335] : memref<128x128xf32, #tpu.memory_space<vmem>> -> memref<64x128xf32, #tpu.memory_space<vmem>>
        %dma_start3A_337 = tpu.memref_slice %arg6[%multiple_of3A_333] : memref<10000xi32, #tpu.memory_space<vmem>> -> memref<64xi32, #tpu.memory_space<vmem>>
        %dma_start3A_338 = arith.constant 0 : i32
        %dma_start3A_339 = arith.constant 0 : i32
        %dma_start3A_340 = tpu.memref_slice %arg2[%dma_start3A_338, %dma_start3A_339] : memref<10000x128xf32, #tpu.memory_space<hbm>> -> memref<10000x128xf32, #tpu.memory_space<hbm>>
        tpu.enqueue_indirect_dma source(%dma_start3A_340 : memref<10000x128xf32, #tpu.memory_space<hbm>>) target(%dma_start3A_336 : memref<64x128xf32, #tpu.memory_space<vmem>>) offsets(%dma_start3A_337 : memref<64xi32, #tpu.memory_space<vmem>>) semaphore(%arg15 : memref<!tpu.dma_semaphore, #tpu.memory_space<semaphore_mem>>)
        %dma_start3A_341 = arith.constant 0 : i32
        %dma_start3A_342 = arith.constant 0 : i32
        %dma_start3A_343 = tpu.memref_slice %arg10[%dma_start3A_341, %dma_start3A_342] : memref<128x128xf32, #tpu.memory_space<vmem>> -> memref<64x128xf32, #tpu.memory_space<vmem>>
        %dma_start3A_344 = tpu.memref_slice %arg7[%multiple_of3A_333] : memref<10000xi32, #tpu.memory_space<vmem>> -> memref<64xi32, #tpu.memory_space<vmem>>
        %dma_start3A_345 = arith.constant 0 : i32
        %dma_start3A_346 = arith.constant 0 : i32
        %dma_start3A_347 = tpu.memref_slice %arg2[%dma_start3A_345, %dma_start3A_346] : memref<10000x128xf32, #tpu.memory_space<hbm>> -> memref<10000x128xf32, #tpu.memory_space<hbm>>
        tpu.enqueue_indirect_dma source(%dma_start3A_347 : memref<10000x128xf32, #tpu.memory_space<hbm>>) target(%dma_start3A_343 : memref<64x128xf32, #tpu.memory_space<vmem>>) offsets(%dma_start3A_344 : memref<64xi32, #tpu.memory_space<vmem>>) semaphore(%arg15 : memref<!tpu.dma_semaphore, #tpu.memory_space<semaphore_mem>>)
        %mul3A_348 = arith.constant 128 : i32
        %mul3A_349 = arith.muli %add3A_328, %mul3A_348 : i32
        %add3A_350 = arith.constant 64 : i32
        %add3A_351 = arith.addi %mul3A_349, %add3A_350 : i32
        %multiple_of3A_352 = tpu.assume_multiple %add3A_351, 8 : i32
        %dma_start3A_353 = arith.constant 64 : i32
        %dma_start3A_354 = arith.constant 0 : i32
        %dma_start3A_355 = tpu.memref_slice %arg9[%dma_start3A_353, %dma_start3A_354] : memref<128x128xf32, #tpu.memory_space<vmem>> -> memref<64x128xf32, #tpu.memory_space<vmem>>
        %dma_start3A_356 = tpu.memref_slice %arg6[%multiple_of3A_352] : memref<10000xi32, #tpu.memory_space<vmem>> -> memref<64xi32, #tpu.memory_space<vmem>>
        %dma_start3A_357 = arith.constant 0 : i32
        %dma_start3A_358 = arith.constant 0 : i32
        %dma_start3A_359 = tpu.memref_slice %arg2[%dma_start3A_357, %dma_start3A_358] : memref<10000x128xf32, #tpu.memory_space<hbm>> -> memref<10000x128xf32, #tpu.memory_space<hbm>>
        tpu.enqueue_indirect_dma source(%dma_start3A_359 : memref<10000x128xf32, #tpu.memory_space<hbm>>) target(%dma_start3A_355 : memref<64x128xf32, #tpu.memory_space<vmem>>) offsets(%dma_start3A_356 : memref<64xi32, #tpu.memory_space<vmem>>) semaphore(%arg15 : memref<!tpu.dma_semaphore, #tpu.memory_space<semaphore_mem>>)
        %dma_start3A_360 = arith.constant 64 : i32
        %dma_start3A_361 = arith.constant 0 : i32
        %dma_start3A_362 = tpu.memref_slice %arg10[%dma_start3A_360, %dma_start3A_361] : memref<128x128xf32, #tpu.memory_space<vmem>> -> memref<64x128xf32, #tpu.memory_space<vmem>>
        %dma_start3A_363 = tpu.memref_slice %arg7[%multiple_of3A_352] : memref<10000xi32, #tpu.memory_space<vmem>> -> memref<64xi32, #tpu.memory_space<vmem>>
        %dma_start3A_364 = arith.constant 0 : i32
        %dma_start3A_365 = arith.constant 0 : i32
        %dma_start3A_366 = tpu.memref_slice %arg2[%dma_start3A_364, %dma_start3A_365] : memref<10000x128xf32, #tpu.memory_space<hbm>> -> memref<10000x128xf32, #tpu.memory_space<hbm>>
        tpu.enqueue_indirect_dma source(%dma_start3A_366 : memref<10000x128xf32, #tpu.memory_space<hbm>>) target(%dma_start3A_362 : memref<64x128xf32, #tpu.memory_space<vmem>>) offsets(%dma_start3A_363 : memref<64xi32, #tpu.memory_space<vmem>>) semaphore(%arg15 : memref<!tpu.dma_semaphore, #tpu.memory_space<semaphore_mem>>)
      } else {
      }
      %mul3A_222 = arith.constant 3 : i32
      %mul3A_223 = arith.muli %mul3A_222, %scan3A_171 : i32
      %add3A_224 = arith.constant 1 : i32
      %add3A_225 = arith.addi %mul3A_223, %add3A_224 : i32
      %mul3A_226 = arith.constant 128 : i32
      %mul3A_227 = arith.muli %add3A_225, %mul3A_226 : i32
      %add3A_228 = arith.constant 0 : i32
      %add3A_229 = arith.addi %mul3A_227, %add3A_228 : i32
      %multiple_of3A_230 = tpu.assume_multiple %add3A_229, 8 : i32
      %dma_wait3A_231 = arith.constant 0 : i32
      %dma_wait3A_232 = arith.constant 0 : i32
      %dma_wait3A_233 = tpu.memref_slice %arg11[%dma_wait3A_231, %dma_wait3A_232] : memref<128x128xf32, #tpu.memory_space<vmem>> -> memref<64x128xf32, #tpu.memory_space<vmem>>
      %dma_wait3A_234 = tpu.memref_slice %arg6[%multiple_of3A_230] : memref<10000xi32, #tpu.memory_space<vmem>> -> memref<64xi32, #tpu.memory_space<vmem>>
      %dma_wait3A_235 = arith.constant 0 : i32
      %dma_wait3A_236 = arith.constant 0 : i32
      %dma_wait3A_237 = tpu.memref_slice %arg2[%dma_wait3A_235, %dma_wait3A_236] : memref<10000x128xf32, #tpu.memory_space<hbm>> -> memref<10000x128xf32, #tpu.memory_space<hbm>>
      tpu.wait_indirect_dma semaphore(%arg16 : memref<!tpu.dma_semaphore, #tpu.memory_space<semaphore_mem>>) src(%dma_wait3A_237 : memref<10000x128xf32, #tpu.memory_space<hbm>>) dst(%dma_wait3A_233 : memref<64x128xf32, #tpu.memory_space<vmem>>)
      %dma_wait3A_238 = arith.constant 0 : i32
      %dma_wait3A_239 = arith.constant 0 : i32
      %dma_wait3A_240 = tpu.memref_slice %arg12[%dma_wait3A_238, %dma_wait3A_239] : memref<128x128xf32, #tpu.memory_space<vmem>> -> memref<64x128xf32, #tpu.memory_space<vmem>>
      %dma_wait3A_241 = tpu.memref_slice %arg7[%multiple_of3A_230] : memref<10000xi32, #tpu.memory_space<vmem>> -> memref<64xi32, #tpu.memory_space<vmem>>
      %dma_wait3A_242 = arith.constant 0 : i32
      %dma_wait3A_243 = arith.constant 0 : i32
      %dma_wait3A_244 = tpu.memref_slice %arg2[%dma_wait3A_242, %dma_wait3A_243] : memref<10000x128xf32, #tpu.memory_space<hbm>> -> memref<10000x128xf32, #tpu.memory_space<hbm>>
      tpu.wait_indirect_dma semaphore(%arg16 : memref<!tpu.dma_semaphore, #tpu.memory_space<semaphore_mem>>) src(%dma_wait3A_244 : memref<10000x128xf32, #tpu.memory_space<hbm>>) dst(%dma_wait3A_240 : memref<64x128xf32, #tpu.memory_space<vmem>>)
      %mul3A_245 = arith.constant 128 : i32
      %mul3A_246 = arith.muli %add3A_225, %mul3A_245 : i32
      %add3A_247 = arith.constant 64 : i32
      %add3A_248 = arith.addi %mul3A_246, %add3A_247 : i32
      %multiple_of3A_249 = tpu.assume_multiple %add3A_248, 8 : i32
      %dma_wait3A_250 = arith.constant 64 : i32
      %dma_wait3A_251 = arith.constant 0 : i32
      %dma_wait3A_252 = tpu.memref_slice %arg11[%dma_wait3A_250, %dma_wait3A_251] : memref<128x128xf32, #tpu.memory_space<vmem>> -> memref<64x128xf32, #tpu.memory_space<vmem>>
      %dma_wait3A_253 = tpu.memref_slice %arg6[%multiple_of3A_249] : memref<10000xi32, #tpu.memory_space<vmem>> -> memref<64xi32, #tpu.memory_space<vmem>>
      %dma_wait3A_254 = arith.constant 0 : i32
      %dma_wait3A_255 = arith.constant 0 : i32
      %dma_wait3A_256 = tpu.memref_slice %arg2[%dma_wait3A_254, %dma_wait3A_255] : memref<10000x128xf32, #tpu.memory_space<hbm>> -> memref<10000x128xf32, #tpu.memory_space<hbm>>
      tpu.wait_indirect_dma semaphore(%arg16 : memref<!tpu.dma_semaphore, #tpu.memory_space<semaphore_mem>>) src(%dma_wait3A_256 : memref<10000x128xf32, #tpu.memory_space<hbm>>) dst(%dma_wait3A_252 : memref<64x128xf32, #tpu.memory_space<vmem>>)
      %dma_wait3A_257 = arith.constant 64 : i32
      %dma_wait3A_258 = arith.constant 0 : i32
      %dma_wait3A_259 = tpu.memref_slice %arg12[%dma_wait3A_257, %dma_wait3A_258] : memref<128x128xf32, #tpu.memory_space<vmem>> -> memref<64x128xf32, #tpu.memory_space<vmem>>
      %dma_wait3A_260 = tpu.memref_slice %arg7[%multiple_of3A_249] : memref<10000xi32, #tpu.memory_space<vmem>> -> memref<64xi32, #tpu.memory_space<vmem>>
      %dma_wait3A_261 = arith.constant 0 : i32
      %dma_wait3A_262 = arith.constant 0 : i32
      %dma_wait3A_263 = tpu.memref_slice %arg2[%dma_wait3A_261, %dma_wait3A_262] : memref<10000x128xf32, #tpu.memory_space<hbm>> -> memref<10000x128xf32, #tpu.memory_space<hbm>>
      tpu.wait_indirect_dma semaphore(%arg16 : memref<!tpu.dma_semaphore, #tpu.memory_space<semaphore_mem>>) src(%dma_wait3A_263 : memref<10000x128xf32, #tpu.memory_space<hbm>>) dst(%dma_wait3A_259 : memref<64x128xf32, #tpu.memory_space<vmem>>)
      %parallel_loop3A_264 = arith.constant 0 : i32
      %parallel_loop3A_265 = arith.constant 128 : i32
      %parallel_loop3A_266 = arith.constant 1 : i32
      scf.for %parallel_loop3A_327 = %parallel_loop3A_264 to %parallel_loop3A_265 step %parallel_loop3A_266  : i32 {
        %parallel_loop3A_328 = arith.constant 128 : i32
        %parallel_loop3A_329 = arith.muli %add3A_225, %parallel_loop3A_328 : i32
        %parallel_loop3A_330 = arith.addi %parallel_loop3A_329, %parallel_loop3A_327 : i32
        %parallel_loop3A_331 = arith.index_cast %parallel_loop3A_327 : i32 to index
        %parallel_loop3A_332 = arith.constant 0 : index
        %parallel_loop3A_333 = tpu.vector_load %arg11[%parallel_loop3A_331, %parallel_loop3A_332] {strides = array<i32>} : memref<128x128xf32, #tpu.memory_space<vmem>>, vector<16xf32>,
        %parallel_loop3A_334 = arith.index_cast %parallel_loop3A_327 : i32 to index
        %parallel_loop3A_335 = arith.constant 0 : index
        %parallel_loop3A_336 = tpu.vector_load %arg12[%parallel_loop3A_334, %parallel_loop3A_335] {strides = array<i32>} : memref<128x128xf32, #tpu.memory_space<vmem>>, vector<16xf32>,
        %parallel_loop3A_337 = arith.mulf %parallel_loop3A_333, %parallel_loop3A_336 : vector<16xf32>
        %parallel_loop3A_338 = arith.index_cast %parallel_loop3A_327 : i32 to index
        %parallel_loop3A_339 = arith.constant 16 : index
        %parallel_loop3A_340 = tpu.vector_load %arg11[%parallel_loop3A_338, %parallel_loop3A_339] {strides = array<i32>} : memref<128x128xf32, #tpu.memory_space<vmem>>, vector<16xf32>,
        %parallel_loop3A_341 = arith.index_cast %parallel_loop3A_327 : i32 to index
        %parallel_loop3A_342 = arith.constant 16 : index
        %parallel_loop3A_343 = tpu.vector_load %arg12[%parallel_loop3A_341, %parallel_loop3A_342] {strides = array<i32>} : memref<128x128xf32, #tpu.memory_space<vmem>>, vector<16xf32>,
        %parallel_loop3A_344 = arith.mulf %parallel_loop3A_340, %parallel_loop3A_343 : vector<16xf32>
        %parallel_loop3A_345 = arith.index_cast %parallel_loop3A_327 : i32 to index
        %parallel_loop3A_346 = arith.constant 32 : index
        %parallel_loop3A_347 = tpu.vector_load %arg11[%parallel_loop3A_345, %parallel_loop3A_346] {strides = array<i32>} : memref<128x128xf32, #tpu.memory_space<vmem>>, vector<16xf32>,
        %parallel_loop3A_348 = arith.index_cast %parallel_loop3A_327 : i32 to index
        %parallel_loop3A_349 = arith.constant 32 : index
        %parallel_loop3A_350 = tpu.vector_load %arg12[%parallel_loop3A_348, %parallel_loop3A_349] {strides = array<i32>} : memref<128x128xf32, #tpu.memory_space<vmem>>, vector<16xf32>,
        %parallel_loop3A_351 = arith.mulf %parallel_loop3A_347, %parallel_loop3A_350 : vector<16xf32>
        %parallel_loop3A_352 = arith.index_cast %parallel_loop3A_327 : i32 to index
        %parallel_loop3A_353 = arith.constant 48 : index
        %parallel_loop3A_354 = tpu.vector_load %arg11[%parallel_loop3A_352, %parallel_loop3A_353] {strides = array<i32>} : memref<128x128xf32, #tpu.memory_space<vmem>>, vector<16xf32>,
        %parallel_loop3A_355 = arith.index_cast %parallel_loop3A_327 : i32 to index
        %parallel_loop3A_356 = arith.constant 48 : index
        %parallel_loop3A_357 = tpu.vector_load %arg12[%parallel_loop3A_355, %parallel_loop3A_356] {strides = array<i32>} : memref<128x128xf32, #tpu.memory_space<vmem>>, vector<16xf32>,
        %parallel_loop3A_358 = arith.mulf %parallel_loop3A_354, %parallel_loop3A_357 : vector<16xf32>
        %parallel_loop3A_359 = arith.index_cast %parallel_loop3A_327 : i32 to index
        %parallel_loop3A_360 = arith.constant 64 : index
        %parallel_loop3A_361 = tpu.vector_load %arg11[%parallel_loop3A_359, %parallel_loop3A_360] {strides = array<i32>} : memref<128x128xf32, #tpu.memory_space<vmem>>, vector<16xf32>,
        %parallel_loop3A_362 = arith.index_cast %parallel_loop3A_327 : i32 to index
        %parallel_loop3A_363 = arith.constant 64 : index
        %parallel_loop3A_364 = tpu.vector_load %arg12[%parallel_loop3A_362, %parallel_loop3A_363] {strides = array<i32>} : memref<128x128xf32, #tpu.memory_space<vmem>>, vector<16xf32>,
        %parallel_loop3A_365 = arith.mulf %parallel_loop3A_361, %parallel_loop3A_364 : vector<16xf32>
        %parallel_loop3A_366 = arith.index_cast %parallel_loop3A_327 : i32 to index
        %parallel_loop3A_367 = arith.constant 80 : index
        %parallel_loop3A_368 = tpu.vector_load %arg11[%parallel_loop3A_366, %parallel_loop3A_367] {strides = array<i32>} : memref<128x128xf32, #tpu.memory_space<vmem>>, vector<16xf32>,
        %parallel_loop3A_369 = arith.index_cast %parallel_loop3A_327 : i32 to index
        %parallel_loop3A_370 = arith.constant 80 : index
        %parallel_loop3A_371 = tpu.vector_load %arg12[%parallel_loop3A_369, %parallel_loop3A_370] {strides = array<i32>} : memref<128x128xf32, #tpu.memory_space<vmem>>, vector<16xf32>,
        %parallel_loop3A_372 = arith.mulf %parallel_loop3A_368, %parallel_loop3A_371 : vector<16xf32>
        %parallel_loop3A_373 = arith.index_cast %parallel_loop3A_327 : i32 to index
        %parallel_loop3A_374 = arith.constant 96 : index
        %parallel_loop3A_375 = tpu.vector_load %arg11[%parallel_loop3A_373, %parallel_loop3A_374] {strides = array<i32>} : memref<128x128xf32, #tpu.memory_space<vmem>>, vector<16xf32>,
        %parallel_loop3A_376 = arith.index_cast %parallel_loop3A_327 : i32 to index
        %parallel_loop3A_377 = arith.constant 96 : index
        %parallel_loop3A_378 = tpu.vector_load %arg12[%parallel_loop3A_376, %parallel_loop3A_377] {strides = array<i32>} : memref<128x128xf32, #tpu.memory_space<vmem>>, vector<16xf32>,
        %parallel_loop3A_379 = arith.mulf %parallel_loop3A_375, %parallel_loop3A_378 : vector<16xf32>
        %parallel_loop3A_380 = arith.index_cast %parallel_loop3A_327 : i32 to index
        %parallel_loop3A_381 = arith.constant 112 : index
        %parallel_loop3A_382 = tpu.vector_load %arg11[%parallel_loop3A_380, %parallel_loop3A_381] {strides = array<i32>} : memref<128x128xf32, #tpu.memory_space<vmem>>, vector<16xf32>,
        %parallel_loop3A_383 = arith.index_cast %parallel_loop3A_327 : i32 to index
        %parallel_loop3A_384 = arith.constant 112 : index
        %parallel_loop3A_385 = tpu.vector_load %arg12[%parallel_loop3A_383, %parallel_loop3A_384] {strides = array<i32>} : memref<128x128xf32, #tpu.memory_space<vmem>>, vector<16xf32>,
        %parallel_loop3A_386 = arith.mulf %parallel_loop3A_382, %parallel_loop3A_385 : vector<16xf32>
        %parallel_loop3A_387 = arith.addf %parallel_loop3A_337, %parallel_loop3A_344 : vector<16xf32>
        %parallel_loop3A_388 = arith.addf %parallel_loop3A_351, %parallel_loop3A_358 : vector<16xf32>
        %parallel_loop3A_389 = arith.addf %parallel_loop3A_365, %parallel_loop3A_372 : vector<16xf32>
        %parallel_loop3A_390 = arith.addf %parallel_loop3A_379, %parallel_loop3A_386 : vector<16xf32>
        %parallel_loop3A_391 = arith.addf %parallel_loop3A_387, %parallel_loop3A_388 : vector<16xf32>
        %parallel_loop3A_392 = arith.addf %parallel_loop3A_389, %parallel_loop3A_390 : vector<16xf32>
        %parallel_loop3A_393 = arith.addf %parallel_loop3A_391, %parallel_loop3A_392 : vector<16xf32>
        %parallel_loop3A_394 = arith.constant true
        %parallel_loop3A_395 = vector.broadcast %parallel_loop3A_394 : i1 to vector<16xi1>
        %parallel_loop3A_396 = tpu.scan <sum>, %parallel_loop3A_393 masked %parallel_loop3A_395 : vector<16xf32>, vector<16xi1> -> vector<16xf32>
        %parallel_loop3A_397 = arith.constant 0.000000e+00 : f32
        %parallel_loop3A_398 = vector.broadcast %parallel_loop3A_397 : f32 to vector<16xf32>
        %parallel_loop3A_399 = arith.subf %parallel_loop3A_398, %parallel_loop3A_396 : vector<16xf32>
        %parallel_loop3A_400 = math.exp %parallel_loop3A_399 : vector<16xf32>
        %parallel_loop3A_401 = arith.constant 1.000000e+00 : f32
        %parallel_loop3A_402 = vector.broadcast %parallel_loop3A_401 : f32 to vector<16xf32>
        %parallel_loop3A_403 = arith.addf %parallel_loop3A_402, %parallel_loop3A_400 : vector<16xf32>
        %parallel_loop3A_404 = arith.constant 1.000000e+00 : f32
        %parallel_loop3A_405 = vector.broadcast %parallel_loop3A_404 : f32 to vector<16xf32>
        %parallel_loop3A_406 = arith.divf %parallel_loop3A_405, %parallel_loop3A_403 : vector<16xf32>
        %parallel_loop3A_407 = arith.index_cast %parallel_loop3A_330 : i32 to index
        %parallel_loop3A_408 = tpu.vector_load %arg8[%parallel_loop3A_407] masked %eq3A_4 {strides = array<i32>} : memref<10016xf32, #tpu.memory_space<vmem>>, vector<16xf32>, vector<16xi1>
        tpu.vector_store %arg8[%parallel_loop3A_407], %parallel_loop3A_406 masked %eq3A_4 {strides = array<i32>} : memref<10016xf32, #tpu.memory_space<vmem>>, vector<16xf32>, vector<16xi1>
      } {sc.loop_unroll_factor = 4 : i64, sc.parallel_access}
      %add3A_267 = arith.constant 3 : i32
      %add3A_268 = arith.addi %add3A_225, %add3A_267 : i32
      %lt3A_269 = arith.constant 78 : i32
      %lt3A_270 = arith.cmpi slt, %add3A_268, %lt3A_269 : i32
      %convert_element_type3A_271 = arith.extui %lt3A_270 : i1 to i32
      %cond3A_272 = arith.constant 0 : i32
      %cond3A_273 = arith.cmpi ne, %convert_element_type3A_271, %cond3A_272 : i32
      scf.if %cond3A_273 {
        %add3A_327 = arith.constant 3 : i32
        %add3A_328 = arith.addi %add3A_225, %add3A_327 : i32
        %mul3A_329 = arith.constant 128 : i32
        %mul3A_330 = arith.muli %add3A_328, %mul3A_329 : i32
        %add3A_331 = arith.constant 0 : i32
        %add3A_332 = arith.addi %mul3A_330, %add3A_331 : i32
        %multiple_of3A_333 = tpu.assume_multiple %add3A_332, 8 : i32
        %dma_start3A_334 = arith.constant 0 : i32
        %dma_start3A_335 = arith.constant 0 : i32
        %dma_start3A_336 = tpu.memref_slice %arg11[%dma_start3A_334, %dma_start3A_335] : memref<128x128xf32, #tpu.memory_space<vmem>> -> memref<64x128xf32, #tpu.memory_space<vmem>>
        %dma_start3A_337 = tpu.memref_slice %arg6[%multiple_of3A_333] : memref<10000xi32, #tpu.memory_space<vmem>> -> memref<64xi32, #tpu.memory_space<vmem>>
        %dma_start3A_338 = arith.constant 0 : i32
        %dma_start3A_339 = arith.constant 0 : i32
        %dma_start3A_340 = tpu.memref_slice %arg2[%dma_start3A_338, %dma_start3A_339] : memref<10000x128xf32, #tpu.memory_space<hbm>> -> memref<10000x128xf32, #tpu.memory_space<hbm>>
        tpu.enqueue_indirect_dma source(%dma_start3A_340 : memref<10000x128xf32, #tpu.memory_space<hbm>>) target(%dma_start3A_336 : memref<64x128xf32, #tpu.memory_space<vmem>>) offsets(%dma_start3A_337 : memref<64xi32, #tpu.memory_space<vmem>>) semaphore(%arg16 : memref<!tpu.dma_semaphore, #tpu.memory_space<semaphore_mem>>)
        %dma_start3A_341 = arith.constant 0 : i32
        %dma_start3A_342 = arith.constant 0 : i32
        %dma_start3A_343 = tpu.memref_slice %arg12[%dma_start3A_341, %dma_start3A_342] : memref<128x128xf32, #tpu.memory_space<vmem>> -> memref<64x128xf32, #tpu.memory_space<vmem>>
        %dma_start3A_344 = tpu.memref_slice %arg7[%multiple_of3A_333] : memref<10000xi32, #tpu.memory_space<vmem>> -> memref<64xi32, #tpu.memory_space<vmem>>
        %dma_start3A_345 = arith.constant 0 : i32
        %dma_start3A_346 = arith.constant 0 : i32
        %dma_start3A_347 = tpu.memref_slice %arg2[%dma_start3A_345, %dma_start3A_346] : memref<10000x128xf32, #tpu.memory_space<hbm>> -> memref<10000x128xf32, #tpu.memory_space<hbm>>
        tpu.enqueue_indirect_dma source(%dma_start3A_347 : memref<10000x128xf32, #tpu.memory_space<hbm>>) target(%dma_start3A_343 : memref<64x128xf32, #tpu.memory_space<vmem>>) offsets(%dma_start3A_344 : memref<64xi32, #tpu.memory_space<vmem>>) semaphore(%arg16 : memref<!tpu.dma_semaphore, #tpu.memory_space<semaphore_mem>>)
        %mul3A_348 = arith.constant 128 : i32
        %mul3A_349 = arith.muli %add3A_328, %mul3A_348 : i32
        %add3A_350 = arith.constant 64 : i32
        %add3A_351 = arith.addi %mul3A_349, %add3A_350 : i32
        %multiple_of3A_352 = tpu.assume_multiple %add3A_351, 8 : i32
        %dma_start3A_353 = arith.constant 64 : i32
        %dma_start3A_354 = arith.constant 0 : i32
        %dma_start3A_355 = tpu.memref_slice %arg11[%dma_start3A_353, %dma_start3A_354] : memref<128x128xf32, #tpu.memory_space<vmem>> -> memref<64x128xf32, #tpu.memory_space<vmem>>
        %dma_start3A_356 = tpu.memref_slice %arg6[%multiple_of3A_352] : memref<10000xi32, #tpu.memory_space<vmem>> -> memref<64xi32, #tpu.memory_space<vmem>>
        %dma_start3A_357 = arith.constant 0 : i32
        %dma_start3A_358 = arith.constant 0 : i32
        %dma_start3A_359 = tpu.memref_slice %arg2[%dma_start3A_357, %dma_start3A_358] : memref<10000x128xf32, #tpu.memory_space<hbm>> -> memref<10000x128xf32, #tpu.memory_space<hbm>>
        tpu.enqueue_indirect_dma source(%dma_start3A_359 : memref<10000x128xf32, #tpu.memory_space<hbm>>) target(%dma_start3A_355 : memref<64x128xf32, #tpu.memory_space<vmem>>) offsets(%dma_start3A_356 : memref<64xi32, #tpu.memory_space<vmem>>) semaphore(%arg16 : memref<!tpu.dma_semaphore, #tpu.memory_space<semaphore_mem>>)
        %dma_start3A_360 = arith.constant 64 : i32
        %dma_start3A_361 = arith.constant 0 : i32
        %dma_start3A_362 = tpu.memref_slice %arg12[%dma_start3A_360, %dma_start3A_361] : memref<128x128xf32, #tpu.memory_space<vmem>> -> memref<64x128xf32, #tpu.memory_space<vmem>>
        %dma_start3A_363 = tpu.memref_slice %arg7[%multiple_of3A_352] : memref<10000xi32, #tpu.memory_space<vmem>> -> memref<64xi32, #tpu.memory_space<vmem>>
        %dma_start3A_364 = arith.constant 0 : i32
        %dma_start3A_365 = arith.constant 0 : i32
        %dma_start3A_366 = tpu.memref_slice %arg2[%dma_start3A_364, %dma_start3A_365] : memref<10000x128xf32, #tpu.memory_space<hbm>> -> memref<10000x128xf32, #tpu.memory_space<hbm>>
        tpu.enqueue_indirect_dma source(%dma_start3A_366 : memref<10000x128xf32, #tpu.memory_space<hbm>>) target(%dma_start3A_362 : memref<64x128xf32, #tpu.memory_space<vmem>>) offsets(%dma_start3A_363 : memref<64xi32, #tpu.memory_space<vmem>>) semaphore(%arg16 : memref<!tpu.dma_semaphore, #tpu.memory_space<semaphore_mem>>)
      } else {
      }
      %mul3A_274 = arith.constant 3 : i32
      %mul3A_275 = arith.muli %mul3A_274, %scan3A_171 : i32
      %add3A_276 = arith.constant 2 : i32
      %add3A_277 = arith.addi %mul3A_275, %add3A_276 : i32
      %mul3A_278 = arith.constant 128 : i32
      %mul3A_279 = arith.muli %add3A_277, %mul3A_278 : i32
      %add3A_280 = arith.constant 0 : i32
      %add3A_281 = arith.addi %mul3A_279, %add3A_280 : i32
      %multiple_of3A_282 = tpu.assume_multiple %add3A_281, 8 : i32
      %dma_wait3A_283 = arith.constant 0 : i32
      %dma_wait3A_284 = arith.constant 0 : i32
      %dma_wait3A_285 = tpu.memref_slice %arg13[%dma_wait3A_283, %dma_wait3A_284] : memref<128x128xf32, #tpu.memory_space<vmem>> -> memref<64x128xf32, #tpu.memory_space<vmem>>
      %dma_wait3A_286 = tpu.memref_slice %arg6[%multiple_of3A_282] : memref<10000xi32, #tpu.memory_space<vmem>> -> memref<64xi32, #tpu.memory_space<vmem>>
      %dma_wait3A_287 = arith.constant 0 : i32
      %dma_wait3A_288 = arith.constant 0 : i32
      %dma_wait3A_289 = tpu.memref_slice %arg2[%dma_wait3A_287, %dma_wait3A_288] : memref<10000x128xf32, #tpu.memory_space<hbm>> -> memref<10000x128xf32, #tpu.memory_space<hbm>>
      tpu.wait_indirect_dma semaphore(%arg17 : memref<!tpu.dma_semaphore, #tpu.memory_space<semaphore_mem>>) src(%dma_wait3A_289 : memref<10000x128xf32, #tpu.memory_space<hbm>>) dst(%dma_wait3A_285 : memref<64x128xf32, #tpu.memory_space<vmem>>)
      %dma_wait3A_290 = arith.constant 0 : i32
      %dma_wait3A_291 = arith.constant 0 : i32
      %dma_wait3A_292 = tpu.memref_slice %arg14[%dma_wait3A_290, %dma_wait3A_291] : memref<128x128xf32, #tpu.memory_space<vmem>> -> memref<64x128xf32, #tpu.memory_space<vmem>>
      %dma_wait3A_293 = tpu.memref_slice %arg7[%multiple_of3A_282] : memref<10000xi32, #tpu.memory_space<vmem>> -> memref<64xi32, #tpu.memory_space<vmem>>
      %dma_wait3A_294 = arith.constant 0 : i32
      %dma_wait3A_295 = arith.constant 0 : i32
      %dma_wait3A_296 = tpu.memref_slice %arg2[%dma_wait3A_294, %dma_wait3A_295] : memref<10000x128xf32, #tpu.memory_space<hbm>> -> memref<10000x128xf32, #tpu.memory_space<hbm>>
      tpu.wait_indirect_dma semaphore(%arg17 : memref<!tpu.dma_semaphore, #tpu.memory_space<semaphore_mem>>) src(%dma_wait3A_296 : memref<10000x128xf32, #tpu.memory_space<hbm>>) dst(%dma_wait3A_292 : memref<64x128xf32, #tpu.memory_space<vmem>>)
      %mul3A_297 = arith.constant 128 : i32
      %mul3A_298 = arith.muli %add3A_277, %mul3A_297 : i32
      %add3A_299 = arith.constant 64 : i32
      %add3A_300 = arith.addi %mul3A_298, %add3A_299 : i32
      %multiple_of3A_301 = tpu.assume_multiple %add3A_300, 8 : i32
      %dma_wait3A_302 = arith.constant 64 : i32
      %dma_wait3A_303 = arith.constant 0 : i32
      %dma_wait3A_304 = tpu.memref_slice %arg13[%dma_wait3A_302, %dma_wait3A_303] : memref<128x128xf32, #tpu.memory_space<vmem>> -> memref<64x128xf32, #tpu.memory_space<vmem>>
      %dma_wait3A_305 = tpu.memref_slice %arg6[%multiple_of3A_301] : memref<10000xi32, #tpu.memory_space<vmem>> -> memref<64xi32, #tpu.memory_space<vmem>>
      %dma_wait3A_306 = arith.constant 0 : i32
      %dma_wait3A_307 = arith.constant 0 : i32
      %dma_wait3A_308 = tpu.memref_slice %arg2[%dma_wait3A_306, %dma_wait3A_307] : memref<10000x128xf32, #tpu.memory_space<hbm>> -> memref<10000x128xf32, #tpu.memory_space<hbm>>
      tpu.wait_indirect_dma semaphore(%arg17 : memref<!tpu.dma_semaphore, #tpu.memory_space<semaphore_mem>>) src(%dma_wait3A_308 : memref<10000x128xf32, #tpu.memory_space<hbm>>) dst(%dma_wait3A_304 : memref<64x128xf32, #tpu.memory_space<vmem>>)
      %dma_wait3A_309 = arith.constant 64 : i32
      %dma_wait3A_310 = arith.constant 0 : i32
      %dma_wait3A_311 = tpu.memref_slice %arg14[%dma_wait3A_309, %dma_wait3A_310] : memref<128x128xf32, #tpu.memory_space<vmem>> -> memref<64x128xf32, #tpu.memory_space<vmem>>
      %dma_wait3A_312 = tpu.memref_slice %arg7[%multiple_of3A_301] : memref<10000xi32, #tpu.memory_space<vmem>> -> memref<64xi32, #tpu.memory_space<vmem>>
      %dma_wait3A_313 = arith.constant 0 : i32
      %dma_wait3A_314 = arith.constant 0 : i32
      %dma_wait3A_315 = tpu.memref_slice %arg2[%dma_wait3A_313, %dma_wait3A_314] : memref<10000x128xf32, #tpu.memory_space<hbm>> -> memref<10000x128xf32, #tpu.memory_space<hbm>>
      tpu.wait_indirect_dma semaphore(%arg17 : memref<!tpu.dma_semaphore, #tpu.memory_space<semaphore_mem>>) src(%dma_wait3A_315 : memref<10000x128xf32, #tpu.memory_space<hbm>>) dst(%dma_wait3A_311 : memref<64x128xf32, #tpu.memory_space<vmem>>)
      %parallel_loop3A_316 = arith.constant 0 : i32
      %parallel_loop3A_317 = arith.constant 128 : i32
      %parallel_loop3A_318 = arith.constant 1 : i32
      scf.for %parallel_loop3A_327 = %parallel_loop3A_316 to %parallel_loop3A_317 step %parallel_loop3A_318  : i32 {
        %parallel_loop3A_328 = arith.constant 128 : i32
        %parallel_loop3A_329 = arith.muli %add3A_277, %parallel_loop3A_328 : i32
        %parallel_loop3A_330 = arith.addi %parallel_loop3A_329, %parallel_loop3A_327 : i32
        %parallel_loop3A_331 = arith.index_cast %parallel_loop3A_327 : i32 to index
        %parallel_loop3A_332 = arith.constant 0 : index
        %parallel_loop3A_333 = tpu.vector_load %arg13[%parallel_loop3A_331, %parallel_loop3A_332] {strides = array<i32>} : memref<128x128xf32, #tpu.memory_space<vmem>>, vector<16xf32>,
        %parallel_loop3A_334 = arith.index_cast %parallel_loop3A_327 : i32 to index
        %parallel_loop3A_335 = arith.constant 0 : index
        %parallel_loop3A_336 = tpu.vector_load %arg14[%parallel_loop3A_334, %parallel_loop3A_335] {strides = array<i32>} : memref<128x128xf32, #tpu.memory_space<vmem>>, vector<16xf32>,
        %parallel_loop3A_337 = arith.mulf %parallel_loop3A_333, %parallel_loop3A_336 : vector<16xf32>
        %parallel_loop3A_338 = arith.index_cast %parallel_loop3A_327 : i32 to index
        %parallel_loop3A_339 = arith.constant 16 : index
        %parallel_loop3A_340 = tpu.vector_load %arg13[%parallel_loop3A_338, %parallel_loop3A_339] {strides = array<i32>} : memref<128x128xf32, #tpu.memory_space<vmem>>, vector<16xf32>,
        %parallel_loop3A_341 = arith.index_cast %parallel_loop3A_327 : i32 to index
        %parallel_loop3A_342 = arith.constant 16 : index
        %parallel_loop3A_343 = tpu.vector_load %arg14[%parallel_loop3A_341, %parallel_loop3A_342] {strides = array<i32>} : memref<128x128xf32, #tpu.memory_space<vmem>>, vector<16xf32>,
        %parallel_loop3A_344 = arith.mulf %parallel_loop3A_340, %parallel_loop3A_343 : vector<16xf32>
        %parallel_loop3A_345 = arith.index_cast %parallel_loop3A_327 : i32 to index
        %parallel_loop3A_346 = arith.constant 32 : index
        %parallel_loop3A_347 = tpu.vector_load %arg13[%parallel_loop3A_345, %parallel_loop3A_346] {strides = array<i32>} : memref<128x128xf32, #tpu.memory_space<vmem>>, vector<16xf32>,
        %parallel_loop3A_348 = arith.index_cast %parallel_loop3A_327 : i32 to index
        %parallel_loop3A_349 = arith.constant 32 : index
        %parallel_loop3A_350 = tpu.vector_load %arg14[%parallel_loop3A_348, %parallel_loop3A_349] {strides = array<i32>} : memref<128x128xf32, #tpu.memory_space<vmem>>, vector<16xf32>,
        %parallel_loop3A_351 = arith.mulf %parallel_loop3A_347, %parallel_loop3A_350 : vector<16xf32>
        %parallel_loop3A_352 = arith.index_cast %parallel_loop3A_327 : i32 to index
        %parallel_loop3A_353 = arith.constant 48 : index
        %parallel_loop3A_354 = tpu.vector_load %arg13[%parallel_loop3A_352, %parallel_loop3A_353] {strides = array<i32>} : memref<128x128xf32, #tpu.memory_space<vmem>>, vector<16xf32>,
        %parallel_loop3A_355 = arith.index_cast %parallel_loop3A_327 : i32 to index
        %parallel_loop3A_356 = arith.constant 48 : index
        %parallel_loop3A_357 = tpu.vector_load %arg14[%parallel_loop3A_355, %parallel_loop3A_356] {strides = array<i32>} : memref<128x128xf32, #tpu.memory_space<vmem>>, vector<16xf32>,
        %parallel_loop3A_358 = arith.mulf %parallel_loop3A_354, %parallel_loop3A_357 : vector<16xf32>
        %parallel_loop3A_359 = arith.index_cast %parallel_loop3A_327 : i32 to index
        %parallel_loop3A_360 = arith.constant 64 : index
        %parallel_loop3A_361 = tpu.vector_load %arg13[%parallel_loop3A_359, %parallel_loop3A_360] {strides = array<i32>} : memref<128x128xf32, #tpu.memory_space<vmem>>, vector<16xf32>,
        %parallel_loop3A_362 = arith.index_cast %parallel_loop3A_327 : i32 to index
        %parallel_loop3A_363 = arith.constant 64 : index
        %parallel_loop3A_364 = tpu.vector_load %arg14[%parallel_loop3A_362, %parallel_loop3A_363] {strides = array<i32>} : memref<128x128xf32, #tpu.memory_space<vmem>>, vector<16xf32>,
        %parallel_loop3A_365 = arith.mulf %parallel_loop3A_361, %parallel_loop3A_364 : vector<16xf32>
        %parallel_loop3A_366 = arith.index_cast %parallel_loop3A_327 : i32 to index
        %parallel_loop3A_367 = arith.constant 80 : index
        %parallel_loop3A_368 = tpu.vector_load %arg13[%parallel_loop3A_366, %parallel_loop3A_367] {strides = array<i32>} : memref<128x128xf32, #tpu.memory_space<vmem>>, vector<16xf32>,
        %parallel_loop3A_369 = arith.index_cast %parallel_loop3A_327 : i32 to index
        %parallel_loop3A_370 = arith.constant 80 : index
        %parallel_loop3A_371 = tpu.vector_load %arg14[%parallel_loop3A_369, %parallel_loop3A_370] {strides = array<i32>} : memref<128x128xf32, #tpu.memory_space<vmem>>, vector<16xf32>,
        %parallel_loop3A_372 = arith.mulf %parallel_loop3A_368, %parallel_loop3A_371 : vector<16xf32>
        %parallel_loop3A_373 = arith.index_cast %parallel_loop3A_327 : i32 to index
        %parallel_loop3A_374 = arith.constant 96 : index
        %parallel_loop3A_375 = tpu.vector_load %arg13[%parallel_loop3A_373, %parallel_loop3A_374] {strides = array<i32>} : memref<128x128xf32, #tpu.memory_space<vmem>>, vector<16xf32>,
        %parallel_loop3A_376 = arith.index_cast %parallel_loop3A_327 : i32 to index
        %parallel_loop3A_377 = arith.constant 96 : index
        %parallel_loop3A_378 = tpu.vector_load %arg14[%parallel_loop3A_376, %parallel_loop3A_377] {strides = array<i32>} : memref<128x128xf32, #tpu.memory_space<vmem>>, vector<16xf32>,
        %parallel_loop3A_379 = arith.mulf %parallel_loop3A_375, %parallel_loop3A_378 : vector<16xf32>
        %parallel_loop3A_380 = arith.index_cast %parallel_loop3A_327 : i32 to index
        %parallel_loop3A_381 = arith.constant 112 : index
        %parallel_loop3A_382 = tpu.vector_load %arg13[%parallel_loop3A_380, %parallel_loop3A_381] {strides = array<i32>} : memref<128x128xf32, #tpu.memory_space<vmem>>, vector<16xf32>,
        %parallel_loop3A_383 = arith.index_cast %parallel_loop3A_327 : i32 to index
        %parallel_loop3A_384 = arith.constant 112 : index
        %parallel_loop3A_385 = tpu.vector_load %arg14[%parallel_loop3A_383, %parallel_loop3A_384] {strides = array<i32>} : memref<128x128xf32, #tpu.memory_space<vmem>>, vector<16xf32>,
        %parallel_loop3A_386 = arith.mulf %parallel_loop3A_382, %parallel_loop3A_385 : vector<16xf32>
        %parallel_loop3A_387 = arith.addf %parallel_loop3A_337, %parallel_loop3A_344 : vector<16xf32>
        %parallel_loop3A_388 = arith.addf %parallel_loop3A_351, %parallel_loop3A_358 : vector<16xf32>
        %parallel_loop3A_389 = arith.addf %parallel_loop3A_365, %parallel_loop3A_372 : vector<16xf32>
        %parallel_loop3A_390 = arith.addf %parallel_loop3A_379, %parallel_loop3A_386 : vector<16xf32>
        %parallel_loop3A_391 = arith.addf %parallel_loop3A_387, %parallel_loop3A_388 : vector<16xf32>
        %parallel_loop3A_392 = arith.addf %parallel_loop3A_389, %parallel_loop3A_390 : vector<16xf32>
        %parallel_loop3A_393 = arith.addf %parallel_loop3A_391, %parallel_loop3A_392 : vector<16xf32>
        %parallel_loop3A_394 = arith.constant true
        %parallel_loop3A_395 = vector.broadcast %parallel_loop3A_394 : i1 to vector<16xi1>
        %parallel_loop3A_396 = tpu.scan <sum>, %parallel_loop3A_393 masked %parallel_loop3A_395 : vector<16xf32>, vector<16xi1> -> vector<16xf32>
        %parallel_loop3A_397 = arith.constant 0.000000e+00 : f32
        %parallel_loop3A_398 = vector.broadcast %parallel_loop3A_397 : f32 to vector<16xf32>
        %parallel_loop3A_399 = arith.subf %parallel_loop3A_398, %parallel_loop3A_396 : vector<16xf32>
        %parallel_loop3A_400 = math.exp %parallel_loop3A_399 : vector<16xf32>
        %parallel_loop3A_401 = arith.constant 1.000000e+00 : f32
        %parallel_loop3A_402 = vector.broadcast %parallel_loop3A_401 : f32 to vector<16xf32>
        %parallel_loop3A_403 = arith.addf %parallel_loop3A_402, %parallel_loop3A_400 : vector<16xf32>
        %parallel_loop3A_404 = arith.constant 1.000000e+00 : f32
        %parallel_loop3A_405 = vector.broadcast %parallel_loop3A_404 : f32 to vector<16xf32>
        %parallel_loop3A_406 = arith.divf %parallel_loop3A_405, %parallel_loop3A_403 : vector<16xf32>
        %parallel_loop3A_407 = arith.index_cast %parallel_loop3A_330 : i32 to index
        %parallel_loop3A_408 = tpu.vector_load %arg8[%parallel_loop3A_407] masked %eq3A_4 {strides = array<i32>} : memref<10016xf32, #tpu.memory_space<vmem>>, vector<16xf32>, vector<16xi1>
        tpu.vector_store %arg8[%parallel_loop3A_407], %parallel_loop3A_406 masked %eq3A_4 {strides = array<i32>} : memref<10016xf32, #tpu.memory_space<vmem>>, vector<16xf32>, vector<16xi1>
      } {sc.loop_unroll_factor = 4 : i64, sc.parallel_access}
      %add3A_319 = arith.constant 3 : i32
      %add3A_320 = arith.addi %add3A_277, %add3A_319 : i32
      %lt3A_321 = arith.constant 78 : i32
      %lt3A_322 = arith.cmpi slt, %add3A_320, %lt3A_321 : i32
      %convert_element_type3A_323 = arith.extui %lt3A_322 : i1 to i32
      %cond3A_324 = arith.constant 0 : i32
      %cond3A_325 = arith.cmpi ne, %convert_element_type3A_323, %cond3A_324 : i32
      scf.if %cond3A_325 {
        %add3A_327 = arith.constant 3 : i32
        %add3A_328 = arith.addi %add3A_277, %add3A_327 : i32
        %mul3A_329 = arith.constant 128 : i32
        %mul3A_330 = arith.muli %add3A_328, %mul3A_329 : i32
        %add3A_331 = arith.constant 0 : i32
        %add3A_332 = arith.addi %mul3A_330, %add3A_331 : i32
        %multiple_of3A_333 = tpu.assume_multiple %add3A_332, 8 : i32
        %dma_start3A_334 = arith.constant 0 : i32
        %dma_start3A_335 = arith.constant 0 : i32
        %dma_start3A_336 = tpu.memref_slice %arg13[%dma_start3A_334, %dma_start3A_335] : memref<128x128xf32, #tpu.memory_space<vmem>> -> memref<64x128xf32, #tpu.memory_space<vmem>>
        %dma_start3A_337 = tpu.memref_slice %arg6[%multiple_of3A_333] : memref<10000xi32, #tpu.memory_space<vmem>> -> memref<64xi32, #tpu.memory_space<vmem>>
        %dma_start3A_338 = arith.constant 0 : i32
        %dma_start3A_339 = arith.constant 0 : i32
        %dma_start3A_340 = tpu.memref_slice %arg2[%dma_start3A_338, %dma_start3A_339] : memref<10000x128xf32, #tpu.memory_space<hbm>> -> memref<10000x128xf32, #tpu.memory_space<hbm>>
        tpu.enqueue_indirect_dma source(%dma_start3A_340 : memref<10000x128xf32, #tpu.memory_space<hbm>>) target(%dma_start3A_336 : memref<64x128xf32, #tpu.memory_space<vmem>>) offsets(%dma_start3A_337 : memref<64xi32, #tpu.memory_space<vmem>>) semaphore(%arg17 : memref<!tpu.dma_semaphore, #tpu.memory_space<semaphore_mem>>)
        %dma_start3A_341 = arith.constant 0 : i32
        %dma_start3A_342 = arith.constant 0 : i32
        %dma_start3A_343 = tpu.memref_slice %arg14[%dma_start3A_341, %dma_start3A_342] : memref<128x128xf32, #tpu.memory_space<vmem>> -> memref<64x128xf32, #tpu.memory_space<vmem>>
        %dma_start3A_344 = tpu.memref_slice %arg7[%multiple_of3A_333] : memref<10000xi32, #tpu.memory_space<vmem>> -> memref<64xi32, #tpu.memory_space<vmem>>
        %dma_start3A_345 = arith.constant 0 : i32
        %dma_start3A_346 = arith.constant 0 : i32
        %dma_start3A_347 = tpu.memref_slice %arg2[%dma_start3A_345, %dma_start3A_346] : memref<10000x128xf32, #tpu.memory_space<hbm>> -> memref<10000x128xf32, #tpu.memory_space<hbm>>
        tpu.enqueue_indirect_dma source(%dma_start3A_347 : memref<10000x128xf32, #tpu.memory_space<hbm>>) target(%dma_start3A_343 : memref<64x128xf32, #tpu.memory_space<vmem>>) offsets(%dma_start3A_344 : memref<64xi32, #tpu.memory_space<vmem>>) semaphore(%arg17 : memref<!tpu.dma_semaphore, #tpu.memory_space<semaphore_mem>>)
        %mul3A_348 = arith.constant 128 : i32
        %mul3A_349 = arith.muli %add3A_328, %mul3A_348 : i32
        %add3A_350 = arith.constant 64 : i32
        %add3A_351 = arith.addi %mul3A_349, %add3A_350 : i32
        %multiple_of3A_352 = tpu.assume_multiple %add3A_351, 8 : i32
        %dma_start3A_353 = arith.constant 64 : i32
        %dma_start3A_354 = arith.constant 0 : i32
        %dma_start3A_355 = tpu.memref_slice %arg13[%dma_start3A_353, %dma_start3A_354] : memref<128x128xf32, #tpu.memory_space<vmem>> -> memref<64x128xf32, #tpu.memory_space<vmem>>
        %dma_start3A_356 = tpu.memref_slice %arg6[%multiple_of3A_352] : memref<10000xi32, #tpu.memory_space<vmem>> -> memref<64xi32, #tpu.memory_space<vmem>>
        %dma_start3A_357 = arith.constant 0 : i32
        %dma_start3A_358 = arith.constant 0 : i32
        %dma_start3A_359 = tpu.memref_slice %arg2[%dma_start3A_357, %dma_start3A_358] : memref<10000x128xf32, #tpu.memory_space<hbm>> -> memref<10000x128xf32, #tpu.memory_space<hbm>>
        tpu.enqueue_indirect_dma source(%dma_start3A_359 : memref<10000x128xf32, #tpu.memory_space<hbm>>) target(%dma_start3A_355 : memref<64x128xf32, #tpu.memory_space<vmem>>) offsets(%dma_start3A_356 : memref<64xi32, #tpu.memory_space<vmem>>) semaphore(%arg17 : memref<!tpu.dma_semaphore, #tpu.memory_space<semaphore_mem>>)
        %dma_start3A_360 = arith.constant 64 : i32
        %dma_start3A_361 = arith.constant 0 : i32
        %dma_start3A_362 = tpu.memref_slice %arg14[%dma_start3A_360, %dma_start3A_361] : memref<128x128xf32, #tpu.memory_space<vmem>> -> memref<64x128xf32, #tpu.memory_space<vmem>>
        %dma_start3A_363 = tpu.memref_slice %arg7[%multiple_of3A_352] : memref<10000xi32, #tpu.memory_space<vmem>> -> memref<64xi32, #tpu.memory_space<vmem>>
        %dma_start3A_364 = arith.constant 0 : i32
        %dma_start3A_365 = arith.constant 0 : i32
        %dma_start3A_366 = tpu.memref_slice %arg2[%dma_start3A_364, %dma_start3A_365] : memref<10000x128xf32, #tpu.memory_space<hbm>> -> memref<10000x128xf32, #tpu.memory_space<hbm>>
        tpu.enqueue_indirect_dma source(%dma_start3A_366 : memref<10000x128xf32, #tpu.memory_space<hbm>>) target(%dma_start3A_362 : memref<64x128xf32, #tpu.memory_space<vmem>>) offsets(%dma_start3A_363 : memref<64xi32, #tpu.memory_space<vmem>>) semaphore(%arg17 : memref<!tpu.dma_semaphore, #tpu.memory_space<semaphore_mem>>)
      } else {
      }
      %scan3A_326 = arith.constant 0 : i32
      scf.yield %scan3A_326 : i32
    }
    %scan3A_105 = arith.constant 26 : i32
    %multiple_of3A_106 = arith.constant 9984 : i32
    %multiple_of3A_107 = tpu.assume_multiple %multiple_of3A_106, 8 : i32
    %dma_start3A_108 = arith.constant 0 : i32
    %dma_start3A_109 = arith.constant 0 : i32
    %dma_start3A_110 = tpu.memref_slice %arg9[%dma_start3A_108, %dma_start3A_109] : memref<128x128xf32, #tpu.memory_space<vmem>> -> memref<8x128xf32, #tpu.memory_space<vmem>>
    %dma_start3A_111 = tpu.memref_slice %arg6[%multiple_of3A_107] : memref<10000xi32, #tpu.memory_space<vmem>> -> memref<8xi32, #tpu.memory_space<vmem>>
    %dma_start3A_112 = arith.constant 0 : i32
    %dma_start3A_113 = arith.constant 0 : i32
    %dma_start3A_114 = tpu.memref_slice %arg2[%dma_start3A_112, %dma_start3A_113] : memref<10000x128xf32, #tpu.memory_space<hbm>> -> memref<10000x128xf32, #tpu.memory_space<hbm>>
    tpu.enqueue_indirect_dma source(%dma_start3A_114 : memref<10000x128xf32, #tpu.memory_space<hbm>>) target(%dma_start3A_110 : memref<8x128xf32, #tpu.memory_space<vmem>>) offsets(%dma_start3A_111 : memref<8xi32, #tpu.memory_space<vmem>>) semaphore(%arg15 : memref<!tpu.dma_semaphore, #tpu.memory_space<semaphore_mem>>)
    %dma_start3A_115 = arith.constant 0 : i32
    %dma_start3A_116 = arith.constant 0 : i32
    %dma_start3A_117 = tpu.memref_slice %arg10[%dma_start3A_115, %dma_start3A_116] : memref<128x128xf32, #tpu.memory_space<vmem>> -> memref<8x128xf32, #tpu.memory_space<vmem>>
    %dma_start3A_118 = tpu.memref_slice %arg7[%multiple_of3A_107] : memref<10000xi32, #tpu.memory_space<vmem>> -> memref<8xi32, #tpu.memory_space<vmem>>
    %dma_start3A_119 = arith.constant 0 : i32
    %dma_start3A_120 = arith.constant 0 : i32
    %dma_start3A_121 = tpu.memref_slice %arg2[%dma_start3A_119, %dma_start3A_120] : memref<10000x128xf32, #tpu.memory_space<hbm>> -> memref<10000x128xf32, #tpu.memory_space<hbm>>
    tpu.enqueue_indirect_dma source(%dma_start3A_121 : memref<10000x128xf32, #tpu.memory_space<hbm>>) target(%dma_start3A_117 : memref<8x128xf32, #tpu.memory_space<vmem>>) offsets(%dma_start3A_118 : memref<8xi32, #tpu.memory_space<vmem>>) semaphore(%arg15 : memref<!tpu.dma_semaphore, #tpu.memory_space<semaphore_mem>>)
    %multiple_of3A_122 = arith.constant 9992 : i32
    %multiple_of3A_123 = tpu.assume_multiple %multiple_of3A_122, 8 : i32
    %dma_start3A_124 = arith.constant 8 : i32
    %dma_start3A_125 = arith.constant 0 : i32
    %dma_start3A_126 = tpu.memref_slice %arg9[%dma_start3A_124, %dma_start3A_125] : memref<128x128xf32, #tpu.memory_space<vmem>> -> memref<8x128xf32, #tpu.memory_space<vmem>>
    %dma_start3A_127 = tpu.memref_slice %arg6[%multiple_of3A_123] : memref<10000xi32, #tpu.memory_space<vmem>> -> memref<8xi32, #tpu.memory_space<vmem>>
    %dma_start3A_128 = arith.constant 0 : i32
    %dma_start3A_129 = arith.constant 0 : i32
    %dma_start3A_130 = tpu.memref_slice %arg2[%dma_start3A_128, %dma_start3A_129] : memref<10000x128xf32, #tpu.memory_space<hbm>> -> memref<10000x128xf32, #tpu.memory_space<hbm>>
    tpu.enqueue_indirect_dma source(%dma_start3A_130 : memref<10000x128xf32, #tpu.memory_space<hbm>>) target(%dma_start3A_126 : memref<8x128xf32, #tpu.memory_space<vmem>>) offsets(%dma_start3A_127 : memref<8xi32, #tpu.memory_space<vmem>>) semaphore(%arg15 : memref<!tpu.dma_semaphore, #tpu.memory_space<semaphore_mem>>)
    %dma_start3A_131 = arith.constant 8 : i32
    %dma_start3A_132 = arith.constant 0 : i32
    %dma_start3A_133 = tpu.memref_slice %arg10[%dma_start3A_131, %dma_start3A_132] : memref<128x128xf32, #tpu.memory_space<vmem>> -> memref<8x128xf32, #tpu.memory_space<vmem>>
    %dma_start3A_134 = tpu.memref_slice %arg7[%multiple_of3A_123] : memref<10000xi32, #tpu.memory_space<vmem>> -> memref<8xi32, #tpu.memory_space<vmem>>
    %dma_start3A_135 = arith.constant 0 : i32
    %dma_start3A_136 = arith.constant 0 : i32
    %dma_start3A_137 = tpu.memref_slice %arg2[%dma_start3A_135, %dma_start3A_136] : memref<10000x128xf32, #tpu.memory_space<hbm>> -> memref<10000x128xf32, #tpu.memory_space<hbm>>
    tpu.enqueue_indirect_dma source(%dma_start3A_137 : memref<10000x128xf32, #tpu.memory_space<hbm>>) target(%dma_start3A_133 : memref<8x128xf32, #tpu.memory_space<vmem>>) offsets(%dma_start3A_134 : memref<8xi32, #tpu.memory_space<vmem>>) semaphore(%arg15 : memref<!tpu.dma_semaphore, #tpu.memory_space<semaphore_mem>>)
    %multiple_of3A_138 = arith.constant 9984 : i32
    %multiple_of3A_139 = tpu.assume_multiple %multiple_of3A_138, 8 : i32
    %dma_wait3A = arith.constant 0 : i32
    %dma_wait3A_140 = arith.constant 0 : i32
    %dma_wait3A_141 = tpu.memref_slice %arg9[%dma_wait3A, %dma_wait3A_140] : memref<128x128xf32, #tpu.memory_space<vmem>> -> memref<8x128xf32, #tpu.memory_space<vmem>>
    %dma_wait3A_142 = tpu.memref_slice %arg6[%multiple_of3A_139] : memref<10000xi32, #tpu.memory_space<vmem>> -> memref<8xi32, #tpu.memory_space<vmem>>
    %dma_wait3A_143 = arith.constant 0 : i32
    %dma_wait3A_144 = arith.constant 0 : i32
    %dma_wait3A_145 = tpu.memref_slice %arg2[%dma_wait3A_143, %dma_wait3A_144] : memref<10000x128xf32, #tpu.memory_space<hbm>> -> memref<10000x128xf32, #tpu.memory_space<hbm>>
    tpu.wait_indirect_dma semaphore(%arg15 : memref<!tpu.dma_semaphore, #tpu.memory_space<semaphore_mem>>) src(%dma_wait3A_145 : memref<10000x128xf32, #tpu.memory_space<hbm>>) dst(%dma_wait3A_141 : memref<8x128xf32, #tpu.memory_space<vmem>>)
    %dma_wait3A_146 = arith.constant 0 : i32
    %dma_wait3A_147 = arith.constant 0 : i32
    %dma_wait3A_148 = tpu.memref_slice %arg10[%dma_wait3A_146, %dma_wait3A_147] : memref<128x128xf32, #tpu.memory_space<vmem>> -> memref<8x128xf32, #tpu.memory_space<vmem>>
    %dma_wait3A_149 = tpu.memref_slice %arg7[%multiple_of3A_139] : memref<10000xi32, #tpu.memory_space<vmem>> -> memref<8xi32, #tpu.memory_space<vmem>>
    %dma_wait3A_150 = arith.constant 0 : i32
    %dma_wait3A_151 = arith.constant 0 : i32
    %dma_wait3A_152 = tpu.memref_slice %arg2[%dma_wait3A_150, %dma_wait3A_151] : memref<10000x128xf32, #tpu.memory_space<hbm>> -> memref<10000x128xf32, #tpu.memory_space<hbm>>
    tpu.wait_indirect_dma semaphore(%arg15 : memref<!tpu.dma_semaphore, #tpu.memory_space<semaphore_mem>>) src(%dma_wait3A_152 : memref<10000x128xf32, #tpu.memory_space<hbm>>) dst(%dma_wait3A_148 : memref<8x128xf32, #tpu.memory_space<vmem>>)
    %multiple_of3A_153 = arith.constant 9992 : i32
    %multiple_of3A_154 = tpu.assume_multiple %multiple_of3A_153, 8 : i32
    %dma_wait3A_155 = arith.constant 8 : i32
    %dma_wait3A_156 = arith.constant 0 : i32
    %dma_wait3A_157 = tpu.memref_slice %arg9[%dma_wait3A_155, %dma_wait3A_156] : memref<128x128xf32, #tpu.memory_space<vmem>> -> memref<8x128xf32, #tpu.memory_space<vmem>>
    %dma_wait3A_158 = tpu.memref_slice %arg6[%multiple_of3A_154] : memref<10000xi32, #tpu.memory_space<vmem>> -> memref<8xi32, #tpu.memory_space<vmem>>
    %dma_wait3A_159 = arith.constant 0 : i32
    %dma_wait3A_160 = arith.constant 0 : i32
    %dma_wait3A_161 = tpu.memref_slice %arg2[%dma_wait3A_159, %dma_wait3A_160] : memref<10000x128xf32, #tpu.memory_space<hbm>> -> memref<10000x128xf32, #tpu.memory_space<hbm>>
    tpu.wait_indirect_dma semaphore(%arg15 : memref<!tpu.dma_semaphore, #tpu.memory_space<semaphore_mem>>) src(%dma_wait3A_161 : memref<10000x128xf32, #tpu.memory_space<hbm>>) dst(%dma_wait3A_157 : memref<8x128xf32, #tpu.memory_space<vmem>>)
    %dma_wait3A_162 = arith.constant 8 : i32
    %dma_wait3A_163 = arith.constant 0 : i32
    %dma_wait3A_164 = tpu.memref_slice %arg10[%dma_wait3A_162, %dma_wait3A_163] : memref<128x128xf32, #tpu.memory_space<vmem>> -> memref<8x128xf32, #tpu.memory_space<vmem>>
    %dma_wait3A_165 = tpu.memref_slice %arg7[%multiple_of3A_154] : memref<10000xi32, #tpu.memory_space<vmem>> -> memref<8xi32, #tpu.memory_space<vmem>>
    %dma_wait3A_166 = arith.constant 0 : i32
    %dma_wait3A_167 = arith.constant 0 : i32
    %dma_wait3A_168 = tpu.memref_slice %arg2[%dma_wait3A_166, %dma_wait3A_167] : memref<10000x128xf32, #tpu.memory_space<hbm>> -> memref<10000x128xf32, #tpu.memory_space<hbm>>
    tpu.wait_indirect_dma semaphore(%arg15 : memref<!tpu.dma_semaphore, #tpu.memory_space<semaphore_mem>>) src(%dma_wait3A_168 : memref<10000x128xf32, #tpu.memory_space<hbm>>) dst(%dma_wait3A_164 : memref<8x128xf32, #tpu.memory_space<vmem>>)
    %parallel_loop3A = arith.constant 0 : i32
    %parallel_loop3A_169 = arith.constant 16 : i32
    %parallel_loop3A_170 = arith.constant 1 : i32
    scf.for %parallel_loop3A_171 = %parallel_loop3A to %parallel_loop3A_169 step %parallel_loop3A_170  : i32 {
      %parallel_loop3A_172 = arith.constant 9984 : i32
      %parallel_loop3A_173 = arith.addi %parallel_loop3A_172, %parallel_loop3A_171 : i32
      %parallel_loop3A_174 = arith.index_cast %parallel_loop3A_171 : i32 to index
      %parallel_loop3A_175 = arith.constant 0 : index
      %parallel_loop3A_176 = tpu.vector_load %arg9[%parallel_loop3A_174, %parallel_loop3A_175] {strides = array<i32>} : memref<128x128xf32, #tpu.memory_space<vmem>>, vector<16xf32>,
      %parallel_loop3A_177 = arith.index_cast %parallel_loop3A_171 : i32 to index
      %parallel_loop3A_178 = arith.constant 0 : index
      %parallel_loop3A_179 = tpu.vector_load %arg10[%parallel_loop3A_177, %parallel_loop3A_178] {strides = array<i32>} : memref<128x128xf32, #tpu.memory_space<vmem>>, vector<16xf32>,
      %parallel_loop3A_180 = arith.mulf %parallel_loop3A_176, %parallel_loop3A_179 : vector<16xf32>
      %parallel_loop3A_181 = arith.index_cast %parallel_loop3A_171 : i32 to index
      %parallel_loop3A_182 = arith.constant 16 : index
      %parallel_loop3A_183 = tpu.vector_load %arg9[%parallel_loop3A_181, %parallel_loop3A_182] {strides = array<i32>} : memref<128x128xf32, #tpu.memory_space<vmem>>, vector<16xf32>,
      %parallel_loop3A_184 = arith.index_cast %parallel_loop3A_171 : i32 to index
      %parallel_loop3A_185 = arith.constant 16 : index
      %parallel_loop3A_186 = tpu.vector_load %arg10[%parallel_loop3A_184, %parallel_loop3A_185] {strides = array<i32>} : memref<128x128xf32, #tpu.memory_space<vmem>>, vector<16xf32>,
      %parallel_loop3A_187 = arith.mulf %parallel_loop3A_183, %parallel_loop3A_186 : vector<16xf32>
      %parallel_loop3A_188 = arith.index_cast %parallel_loop3A_171 : i32 to index
      %parallel_loop3A_189 = arith.constant 32 : index
      %parallel_loop3A_190 = tpu.vector_load %arg9[%parallel_loop3A_188, %parallel_loop3A_189] {strides = array<i32>} : memref<128x128xf32, #tpu.memory_space<vmem>>, vector<16xf32>,
      %parallel_loop3A_191 = arith.index_cast %parallel_loop3A_171 : i32 to index
      %parallel_loop3A_192 = arith.constant 32 : index
      %parallel_loop3A_193 = tpu.vector_load %arg10[%parallel_loop3A_191, %parallel_loop3A_192] {strides = array<i32>} : memref<128x128xf32, #tpu.memory_space<vmem>>, vector<16xf32>,
      %parallel_loop3A_194 = arith.mulf %parallel_loop3A_190, %parallel_loop3A_193 : vector<16xf32>
      %parallel_loop3A_195 = arith.index_cast %parallel_loop3A_171 : i32 to index
      %parallel_loop3A_196 = arith.constant 48 : index
      %parallel_loop3A_197 = tpu.vector_load %arg9[%parallel_loop3A_195, %parallel_loop3A_196] {strides = array<i32>} : memref<128x128xf32, #tpu.memory_space<vmem>>, vector<16xf32>,
      %parallel_loop3A_198 = arith.index_cast %parallel_loop3A_171 : i32 to index
      %parallel_loop3A_199 = arith.constant 48 : index
      %parallel_loop3A_200 = tpu.vector_load %arg10[%parallel_loop3A_198, %parallel_loop3A_199] {strides = array<i32>} : memref<128x128xf32, #tpu.memory_space<vmem>>, vector<16xf32>,
      %parallel_loop3A_201 = arith.mulf %parallel_loop3A_197, %parallel_loop3A_200 : vector<16xf32>
      %parallel_loop3A_202 = arith.index_cast %parallel_loop3A_171 : i32 to index
      %parallel_loop3A_203 = arith.constant 64 : index
      %parallel_loop3A_204 = tpu.vector_load %arg9[%parallel_loop3A_202, %parallel_loop3A_203] {strides = array<i32>} : memref<128x128xf32, #tpu.memory_space<vmem>>, vector<16xf32>,
      %parallel_loop3A_205 = arith.index_cast %parallel_loop3A_171 : i32 to index
      %parallel_loop3A_206 = arith.constant 64 : index
      %parallel_loop3A_207 = tpu.vector_load %arg10[%parallel_loop3A_205, %parallel_loop3A_206] {strides = array<i32>} : memref<128x128xf32, #tpu.memory_space<vmem>>, vector<16xf32>,
      %parallel_loop3A_208 = arith.mulf %parallel_loop3A_204, %parallel_loop3A_207 : vector<16xf32>
      %parallel_loop3A_209 = arith.index_cast %parallel_loop3A_171 : i32 to index
      %parallel_loop3A_210 = arith.constant 80 : index
      %parallel_loop3A_211 = tpu.vector_load %arg9[%parallel_loop3A_209, %parallel_loop3A_210] {strides = array<i32>} : memref<128x128xf32, #tpu.memory_space<vmem>>, vector<16xf32>,
      %parallel_loop3A_212 = arith.index_cast %parallel_loop3A_171 : i32 to index
      %parallel_loop3A_213 = arith.constant 80 : index
      %parallel_loop3A_214 = tpu.vector_load %arg10[%parallel_loop3A_212, %parallel_loop3A_213] {strides = array<i32>} : memref<128x128xf32, #tpu.memory_space<vmem>>, vector<16xf32>,
      %parallel_loop3A_215 = arith.mulf %parallel_loop3A_211, %parallel_loop3A_214 : vector<16xf32>
      %parallel_loop3A_216 = arith.index_cast %parallel_loop3A_171 : i32 to index
      %parallel_loop3A_217 = arith.constant 96 : index
      %parallel_loop3A_218 = tpu.vector_load %arg9[%parallel_loop3A_216, %parallel_loop3A_217] {strides = array<i32>} : memref<128x128xf32, #tpu.memory_space<vmem>>, vector<16xf32>,
      %parallel_loop3A_219 = arith.index_cast %parallel_loop3A_171 : i32 to index
      %parallel_loop3A_220 = arith.constant 96 : index
      %parallel_loop3A_221 = tpu.vector_load %arg10[%parallel_loop3A_219, %parallel_loop3A_220] {strides = array<i32>} : memref<128x128xf32, #tpu.memory_space<vmem>>, vector<16xf32>,
      %parallel_loop3A_222 = arith.mulf %parallel_loop3A_218, %parallel_loop3A_221 : vector<16xf32>
      %parallel_loop3A_223 = arith.index_cast %parallel_loop3A_171 : i32 to index
      %parallel_loop3A_224 = arith.constant 112 : index
      %parallel_loop3A_225 = tpu.vector_load %arg9[%parallel_loop3A_223, %parallel_loop3A_224] {strides = array<i32>} : memref<128x128xf32, #tpu.memory_space<vmem>>, vector<16xf32>,
      %parallel_loop3A_226 = arith.index_cast %parallel_loop3A_171 : i32 to index
      %parallel_loop3A_227 = arith.constant 112 : index
      %parallel_loop3A_228 = tpu.vector_load %arg10[%parallel_loop3A_226, %parallel_loop3A_227] {strides = array<i32>} : memref<128x128xf32, #tpu.memory_space<vmem>>, vector<16xf32>,
      %parallel_loop3A_229 = arith.mulf %parallel_loop3A_225, %parallel_loop3A_228 : vector<16xf32>
      %parallel_loop3A_230 = arith.addf %parallel_loop3A_180, %parallel_loop3A_187 : vector<16xf32>
      %parallel_loop3A_231 = arith.addf %parallel_loop3A_194, %parallel_loop3A_201 : vector<16xf32>
      %parallel_loop3A_232 = arith.addf %parallel_loop3A_208, %parallel_loop3A_215 : vector<16xf32>
      %parallel_loop3A_233 = arith.addf %parallel_loop3A_222, %parallel_loop3A_229 : vector<16xf32>
      %parallel_loop3A_234 = arith.addf %parallel_loop3A_230, %parallel_loop3A_231 : vector<16xf32>
      %parallel_loop3A_235 = arith.addf %parallel_loop3A_232, %parallel_loop3A_233 : vector<16xf32>
      %parallel_loop3A_236 = arith.addf %parallel_loop3A_234, %parallel_loop3A_235 : vector<16xf32>
      %parallel_loop3A_237 = arith.constant true
      %parallel_loop3A_238 = vector.broadcast %parallel_loop3A_237 : i1 to vector<16xi1>
      %parallel_loop3A_239 = tpu.scan <sum>, %parallel_loop3A_236 masked %parallel_loop3A_238 : vector<16xf32>, vector<16xi1> -> vector<16xf32>
      %parallel_loop3A_240 = arith.constant 0.000000e+00 : f32
      %parallel_loop3A_241 = vector.broadcast %parallel_loop3A_240 : f32 to vector<16xf32>
      %parallel_loop3A_242 = arith.subf %parallel_loop3A_241, %parallel_loop3A_239 : vector<16xf32>
      %parallel_loop3A_243 = math.exp %parallel_loop3A_242 : vector<16xf32>
      %parallel_loop3A_244 = arith.constant 1.000000e+00 : f32
      %parallel_loop3A_245 = vector.broadcast %parallel_loop3A_244 : f32 to vector<16xf32>
      %parallel_loop3A_246 = arith.addf %parallel_loop3A_245, %parallel_loop3A_243 : vector<16xf32>
      %parallel_loop3A_247 = arith.constant 1.000000e+00 : f32
      %parallel_loop3A_248 = vector.broadcast %parallel_loop3A_247 : f32 to vector<16xf32>
      %parallel_loop3A_249 = arith.divf %parallel_loop3A_248, %parallel_loop3A_246 : vector<16xf32>
      %parallel_loop3A_250 = arith.index_cast %parallel_loop3A_173 : i32 to index
      %parallel_loop3A_251 = tpu.vector_load %arg8[%parallel_loop3A_250] masked %eq3A_4 {strides = array<i32>} : memref<10016xf32, #tpu.memory_space<vmem>>, vector<16xf32>, vector<16xi1>
      tpu.vector_store %arg8[%parallel_loop3A_250], %parallel_loop3A_249 masked %eq3A_4 {strides = array<i32>} : memref<10016xf32, #tpu.memory_space<vmem>>, vector<16xf32>, vector<16xi1>
    } {sc.loop_unroll_factor = 4 : i64, sc.parallel_access}
    "tpu.region"() ({
      %run_scoped3A = tpu.sem_alloc : memref<!tpu.dma_semaphore, #tpu.memory_space<semaphore_mem>>
      %dma_start3A_171 = arith.constant 0 : i32
      %dma_start3A_172 = tpu.memref_slice %arg8[%dma_start3A_171] : memref<10016xf32, #tpu.memory_space<vmem>> -> memref<10000xf32, #tpu.memory_space<vmem>>
      %dma_start3A_173 = tpu.memref_slice %arg5[%multiple_of3A] : memref<320000xf32, #tpu.memory_space<hbm>> -> memref<10000xf32, #tpu.memory_space<hbm>>
      %dma_start3A_174 = tpu.memref_slice %arg5[%multiple_of3A] : memref<320000xf32, #tpu.memory_space<hbm>> -> memref<10000xf32, #tpu.memory_space<hbm>>
      %dma_start3A_175 = arith.constant 0 : i32
      %dma_start3A_176 = tpu.memref_slice %arg8[%dma_start3A_175] : memref<10016xf32, #tpu.memory_space<vmem>> -> memref<10000xf32, #tpu.memory_space<vmem>>
      tpu.enqueue_dma source(%dma_start3A_176 : memref<10000xf32, #tpu.memory_space<vmem>>) target(%dma_start3A_174 : memref<10000xf32, #tpu.memory_space<hbm>>) target_semaphore(%run_scoped3A : memref<!tpu.dma_semaphore, #tpu.memory_space<semaphore_mem>>)
      %dma_wait3A_177 = arith.constant 0 : i32
      %dma_wait3A_178 = tpu.memref_slice %arg8[%dma_wait3A_177] : memref<10016xf32, #tpu.memory_space<vmem>> -> memref<10000xf32, #tpu.memory_space<vmem>>
      %dma_wait3A_179 = tpu.memref_slice %arg5[%multiple_of3A] : memref<320000xf32, #tpu.memory_space<hbm>> -> memref<10000xf32, #tpu.memory_space<hbm>>
      %dma_wait3A_180 = tpu.memref_slice %arg5[%multiple_of3A] : memref<320000xf32, #tpu.memory_space<hbm>> -> memref<10000xf32, #tpu.memory_space<hbm>>
      %dma_wait3A_181 = arith.constant 0 : i32
      %dma_wait3A_182 = tpu.memref_slice %arg8[%dma_wait3A_181] : memref<10016xf32, #tpu.memory_space<vmem>> -> memref<10000xf32, #tpu.memory_space<vmem>>
      tpu.wait_dma2 semaphore(%run_scoped3A : memref<!tpu.dma_semaphore, #tpu.memory_space<semaphore_mem>>) src(%dma_wait3A_182 : memref<10000xf32, #tpu.memory_space<vmem>>) dst(%dma_wait3A_180 : memref<10000xf32, #tpu.memory_space<hbm>>)
      tpu.yield
    }) : () -> ()
    return
  }
}

</mosaic_0001>

<sc_bundles>
// kernel: kernel.3.cloned.1.call-start
scs
__scs_entry_jumppad:
0x0: {  	(pc) =	sbr.rel $0x88, $3  }
0x1: {  	(tag) =	ssettag $0x0;
	lr =	simm.s32 $0x1  }
0x2: {  	[smem:$0x3F9F] =	sst lr;
	_ =	strace $0xD0000000  }
0x3: {  	_ = 	snop  }
0x4: {  	_ = 	snop  }
0x5: {  	_ = 	snop  }
0x6: {  	_ = 	snop  }
0x7: {  	_ = 	snop  }
__scs_overlays_trampoline_lowered:
0x8: {  	[smem:$0x3FAE] =	sst s0  }
0x9: {  	[smem:$0x3FAF] =	sst s1  }
0xa: {  	[smem:$0x3FB0] =	sst s2  }
0xb: {  	[smem:$0x3FB1] =	sst s3  }
0xc: {  	[smem:$0x3FB2] =	sst s4  }
0xd: {  	[smem:$0x3FB3] =	sst s5  }
0xe: {  	[smem:$0x3FB4] =	sst s6  }
0xf: {  	[smem:$0x3FB5] =	sst s7  }
0x10: {  	[smem:$0x3FB6] =	sst s8  }
0x11: {  	[smem:$0x3FB7] =	sst s9;
	s0 =	simm.s32 @!p0 $0x0  }
0x12: {  	s1 =	sld [smem:$0x3F9D];
	s0 =	simm.s32 @p0 $0x1  }
0x13: {  	[smem:$0x3FB8] =	sst s0;
	s0 =	simm.s32 @!p1 $0x0  }
0x14: {  	s2 =	sld [smem:$0x3F9C];
	s0 =	simm.s32 @p1 $0x1  }
0x15: {  	[smem:$0x3FB9] =	sst s0;
	s0 =	simm.s32 @!p2 $0x0  }
0x16: {  	s3 =	sld [smem:$0x3FDB];
	s0 =	simm.s32 @p2 $0x1  }
0x17: {  	s4 =	simm.s32 $0x1BF5;
	[smem:$0x3FBB] =	sst s0  }
0x18: {  	s0 =	sld [smem:$0x3F9E];
	_ =	swait.ge [sflag:s4], $0x0  }
0x19: {  	s7 =	sld [smem:$0x3F9F]  }
0x1a: {  	s8 =	sadd.s32 $0xFFFFE003, lr  }
0x1b: {  	s9 =	sadd.s32 $0xFFFFFEF7, lr;
	s5 =	simm.s32 $0xFFFFFFFF;
	p2 =	slt.u32 s8, $0xFFFFF086  }
0x1c: {  	p1 =	slt.u32 s9, $0xF7A;
	s5 =	simm.s32 @!p2 $0x0  }
0x1d: {  	s5 =	simm.s32 @p1 $0x1;
	p0 =	seq.s32 s7, s2  }
0x1e: {  	s7 =	smul.u32 @!p0 $0xF7A, s2;
	p2 =	seq.s32 @!p0 s5, $0x0  }
0x1f: {  	s9 =	smul.u32 $0xF7A, s1;
	s8 =	simm.s32 @!p0 $0x1BF5;
	p2 =	por !p2, p0  }
0x20: {  	[sflag:s8] =	ssyncset.s32 @!p0 $0xFFFFF086;
	s6 =	sadd.s32 @!p0 s3, s7;
	s7 =	simm.s32 @!p0 $0x108  }
0x21: {  	s3 =	sadd.s32 s3, s9;
	s6 =	sadd.s32 @!p0 $0x88, s6;
	s7 =	simm.s32 @p2 $0x1082  }
0x22: {  	[simem:s7], [sflag:s8] =	dma.local @!p0 [hbm:s6], $0xF7A  }
0x23: {  	s9 =	sor.u32 $0xD0000000, s2;
	s6 =	simm.s32 $0x108;
	_ =	swait.ge @!p0 [sflag:s8], $0x0  }
0x24: {  	s3 =	sadd.s32 $0x88, s3;
	s6 =	simm.s32 @!p1 $0x1082;
	[sflag:s4] =	ssyncset.s32 $0xFFFFF086  }
0x25: {  	[simem:s6], [sflag:s4] =	dma.local [hbm:s3], $0xF7A  }
0x26: {  	[smem:$0x3F9F] =	sst s1;
	(tag) =	ssettag s2;
	_ =	strace s9  }
0x27: {  	s1 =	sld [smem:$0x3FAF]  }
0x28: {  	s2 =	sld [smem:$0x3FB0]  }
0x29: {  	s4 =	sld [smem:$0x3FB2]  }
0x2a: {  	p0 =	seq.s32 s5, $0x0;
	s5 =	sld [smem:$0x3FB3]  }
0x2b: {  	s6 =	sld [smem:$0x3FB4]  }
0x2c: {  	s7 =	sld [smem:$0x3FB5]  }
0x2d: {  	s3 =	simm.s32 $0x108;
	s8 =	sld [smem:$0x3FB6]  }
0x2e: {  	s3 =	simm.s32 @!p0 $0x1082;
	s9 =	sld [smem:$0x3FB7]  }
0x2f: {  	lr =	sadd.s32 s0, s3;
	s0 =	sld [smem:$0x3FAE]  }
0x30: {  	s3 =	sld [smem:$0x3FB1]  }
0x31: {  	[smem:$0x3FBA] =	sst s10  }
0x32: {  	s10 =	sld [smem:$0x3FB8];
	_ =	sdelay $0x3  }
0x33: {  	p0 =	seq.s32 s10, $0x1;
	s10 =	sld [smem:$0x3FBA];
	_ =	sdelay $0x3  }
0x34: {  	[smem:$0x3FBA] =	sst s10  }
0x35: {  	s10 =	sld [smem:$0x3FB9];
	_ =	sdelay $0x3  }
0x36: {  	p1 =	seq.s32 s10, $0x1;
	s10 =	sld [smem:$0x3FBA];
	_ =	sdelay $0x3  }
0x37: {  	[smem:$0x3FBA] =	sst s10  }
0x38: {  	s10 =	sld [smem:$0x3FBB]  }
0x39: {  	_ = 	snop;
	(pc) =	sbr.ind lr, $3  }
0x3a: {  	_ = 	snop  }
0x3b: {  	_ = 	snop  }
0x3c: {  	p2 =	seq.s32 s10, $0x1;
	s10 =	sld [smem:$0x3FBA]  }
0x3d: {  	_ =	shalt  }
0x3e: {  	_ =	shalt  }
0x3f: {  	_ =	shalt  }
0x40: {  	_ =	shalt  }
0x41: {  	_ =	shalt  }
0x42: {  	_ =	shalt  }
0x43: {  	_ =	shalt  }
0x44: {  	_ =	shalt  }
0x45: {  	_ =	shalt  }
0x46: {  	_ =	shalt  }
0x47: {  	_ =	shalt  }
0x48: {  	_ =	shalt  }
0x49: {  	_ =	shalt  }
0x4a: {  	_ =	shalt  }
0x4b: {  	_ =	shalt  }
0x4c: {  	_ =	shalt  }
0x4d: {  	_ =	shalt  }
0x4e: {  	_ =	shalt  }
0x4f: {  	_ =	shalt  }
0x50: {  	_ =	shalt  }
0x51: {  	_ =	shalt  }
0x52: {  	_ =	shalt  }
0x53: {  	_ =	shalt  }
0x54: {  	_ =	shalt  }
0x55: {  	_ =	shalt  }
0x56: {  	_ =	shalt  }
0x57: {  	_ =	shalt  }
0x58: {  	_ =	shalt  }
0x59: {  	_ =	shalt  }
0x5a: {  	_ =	shalt  }
0x5b: {  	_ =	shalt  }
0x5c: {  	_ =	shalt  }
0x5d: {  	_ =	shalt  }
0x5e: {  	_ =	shalt  }
0x5f: {  	_ =	shalt  }
0x60: {  	_ =	shalt  }
0x61: {  	_ =	shalt  }
0x62: {  	_ =	shalt  }
0x63: {  	_ =	shalt  }
0x64: {  	_ =	shalt  }
0x65: {  	_ =	shalt  }
0x66: {  	_ =	shalt  }
0x67: {  	_ =	shalt  }
0x68: {  	_ =	shalt  }
0x69: {  	_ =	shalt  }
0x6a: {  	_ =	shalt  }
0x6b: {  	_ =	shalt  }
0x6c: {  	_ =	shalt  }
0x6d: {  	_ =	shalt  }
0x6e: {  	_ =	shalt  }
0x6f: {  	_ =	shalt  }
0x70: {  	_ =	shalt  }
0x71: {  	_ =	shalt  }
0x72: {  	_ =	shalt  }
0x73: {  	_ =	shalt  }
0x74: {  	_ =	shalt  }
0x75: {  	_ =	shalt  }
0x76: {  	_ =	shalt  }
0x77: {  	_ =	shalt  }
0x78: {  	_ =	shalt  }
0x79: {  	_ =	shalt  }
0x7a: {  	_ =	shalt  }
0x7b: {  	_ =	shalt  }
0x7c: {  	_ =	shalt  }
0x7d: {  	_ =	shalt  }
0x7e: {  	_ =	shalt  }
0x7f: {  	_ =	shalt  }
0x80: {  	_ =	shalt  }
0x81: {  	_ =	shalt  }
0x82: {  	_ =	shalt  }
0x83: {  	_ =	shalt  }
0x84: {  	_ =	shalt  }
0x85: {  	_ =	shalt  }
0x86: {  	_ =	shalt  }
0x87: {  	_ =	shalt  }
.Lfunc_end0:
.L_simem_size_0:
called_computation_lowered:
.L_overlay_start_0:
0x88: {  	s2 =	sld [smem:$0x3FD9]  }
0x89: {  	s3 =	sld [smem:$0x3FFE];
	_ =	sdelay $0x1  }
0x8a: {  	s1 =	srdreg.scid  }
0x8b: {  	s0 =	sand.u32 $0x1, s1  }
0x8c: {  	s17 =	sshll.u32 s0, $0xA;
	s2 =	sadd.s32 s3, s2  }
0x8d: {  	s2 =	sadd.s32 s2, s17  }
0x8e: {  	[smem:$0x3FC6] =	sst s2  }
0x8f: {  	_ = 	snop  }
0x90: {  	s2 =	sld [smem:$0x3FC9]  }
0x91: {  	s18 =	sld [smem:$0x3FD0];
	(tm) =	ssettm $0x1  }
0x92: {  	s4 =	sld [smem:$0x3FFB];
	_ =	sdelay $0x3  }
0x93: {  	_ =	strace s4  }
0x94: {  	s4 =	sld [smem:$0x3FFC];
	_ =	sdelay $0x3  }
0x95: {  	_ =	strace s4  }
0x96: {  	s4 =	sld [smem:$0x3FFD];
	_ =	sdelay $0x3  }
0x97: {  	_ =	strace s4  }
0x98: {  	_ =	strace $0x8FFFFFFF  }
0x99: {  	s19 =	sld [smem:$0x3FDB];
	_ =	sdelay $0x1  }
0x9a: {  	s5 =	simm.s32 $_scs_section_size  }
0x9b: {  	s6 =	simm.s32 $_size__tile_overlayer_lowered;
	s7 =	simm.s32 $_tile_overlayer_lowered  }
0x9c: {  	s22 =	simm.s32 $0x1BFF;
	s21 =	sshll.u32 s7, $0x1;
	s4 =	sadd.s32 s5, s19  }
0x9d: {  	s8 =	simm.s32 $0x0;
	s20 =	sshll.u32 s6, $0x1;
	s6 =	sadd.s32 s21, s4  }
0x9e: {  	[timem:s8], [sflag:s22] =	dma.local [hbm:s6], s20  }
0x9f: {  	_ =	swait.ge [sflag:s22], s20  }
0xa0: {  	s5 =	ssub.s32 $0x0, s20;
	[sflag:s22] =	ssyncset.done $0x0  }
0xa1: {  	[sflag:s22] =	ssyncadd.s32 s5;
	_ =	sdelay $0x1  }
0xa2: {  	s23 =	simm.s32 $0x1B8B  }
0xa3: {  	_ =	swait.ge [sflag:s23], $0x1  }
0xa4: {  	[sflag:s23] =	ssyncset.done $0x0  }
0xa5: {  	s25 =	simm.s32 $0x1B8E;
	s24 =	sld [smem:$0x3FFE];
	[sflag:s23] =	ssyncadd.s32 $0xFFFFFFFF  }
0xa6: {  	s26 =	simm.s32 $execute0_lowered;
	[smem:$0x3FD2] =	sst s25  }
0xa7: {  	s6 =	sshll.u32 s26, $0x1;
	_ =	strace $0x80000046;
	[dreg:$0x1] =	wrdreg $0xFFFFFFFF  }
0xa8: {  	s28 =	simm.s32 $_size_execute0_lowered;
	s4 =	sadd.s32 s4, s6;
	[dreg:$0x0] =	wrdreg $0x0  }
0xa9: {  	s6 =	sshll.u32 s28, $0x1;
	[dreg:$0x2] =	wrdreg s4  }
0xaa: {  	[dreg:$0x3] =	wrdreg s6  }
0xab: {  	[dreg:$0x4] =	wrdreg $0xC0  }
0xac: {  	_ =	task [dreg:s8], $0x5FFFF  }
0xad: {  	[dreg:$0x1] =	wrdreg $0xFFFFFFFF  }
0xae: {  	[dreg:$0x0] =	wrdreg $0x60  }
0xaf: {  	[dreg:$0x2] =	wrdreg s2  }
0xb0: {  	[dreg:$0x3] =	wrdreg s24  }
0xb1: {  	[dreg:$0x4] =	wrdreg s18  }
0xb2: {  	[dreg:$0x5] =	wrdreg $0x9  }
0xb3: {  	_ =	task.clear_ibuf [dreg:s8], $0x6FFFF;
	_ =	strace $0x90000046  }
0xb4: {  	s29 =	simm.s32 $0x9;
	_ =	strace $0x80000048  }
0xb5: {  	_ =	swait.ge [sflag:s29], $0x1  }
0xb6: {  	[sflag:s29] =	ssyncadd.s32 $0xFFFFFFFF  }
0xb7: {  	_ =	strace $0x90000048  }
0xb8: {  	_ =	sfence  }
0xb9: {  	s30 =	sld [smem:$0x0];
	_ =	sdelay $0x2  }
0xba: {  	s31 =	sshll.u32 s1, $0xD;
	s1 =	sshrl.u32 s1, $0x2  }
0xbb: {  	s3 =	sand.u32 $0x4000, s31;
	s1 =	sadd.s32 s1, s30  }
0xbc: {  	s0 =	sor.u32 s3, s0;
	s1 =	sshll.u32 s1, $0x11  }
0xbd: {  	s0 =	sor.u32 s1, s0  }
0xbe: {  	s0 =	sadd.s32 $0x8F2B, s0  }
0xbf: {  	[sflag:s0] =	ssyncadd.remote.s32 $0x1  }
0xc0: {  	_ =	sfence.sel $0xFFFF  }
0xc1: {  	[dreg:$0x0] =	wrdreg $0xFFFFFFFF;
	(pc) =	sbr.abs _section_cstart, $3  }
0xc2: {  	[dreg:$0x1] =	wrdreg $0xFFFFFFFF  }
0xc3: {  	_ =	task.clear_ibuf [dreg:s8], $0x2FFFF;
	_ =	strace $0x9FFFFFFF  }
0xc4: {  	(tm) =	ssettm $0x7FFFFFFF  }
0xc5: {  	_ =	shalt  }
tec
execute0_lowered:
.L_overlay_start_1:
0x0: {  	(tag) =	ssettag $0x1  }
0x1: {  	s1 =	rddreg [dreg:$0x0]  }
0x2: {  	s0 =	rddreg [dreg:$0x1];
	s2 =	srdreg.scid  }
0x3: {  	s3 =	stileid.u32;
	s6 =	rddreg [dreg:$0x2]  }
0x4: {  	s8 =	simm.s32 $0x4;
	s9 =	simm.s32 $0x2780;
	s10 =	simm.s32 $0x40  }
0x5: {  	s11 =	simm.s32 $0x7680;
	s12 =	simm.s32 $0xB680;
	s25 =	simm.s32 $0x17680  }
0x6: {  	s28 =	simm.s32 $0x1B680;
	s30 =	simm.s32 $0x19680;
	s13 =	simm.s32 $0x2  }
0x7: {  	s14 =	simm.s32 $0x3;
	s15 =	simm.s32 $0x8;
	s21 =	simm.s32 $0xBA80  }
0x8: {  	s22 =	simm.s32 $0x4F00;
	s2 =	sand.u32 $0x1, s2;
	s3 =	sshll.u32 s3, $0x1  }
0x9: {  	s4 =	sor.u32 s2, s3;
	s3 =	simm.s32 $0x0;
	s2 =	ssub.s32 $0x2, s2  }
0xa: {  	s7 =	smul.u32 $0x4E2, s4;
	[smem:$0x7FF] =	sst s3;
	s31 =	sshrl.u32 s2, $0x1  }
0xb: {  	s23 =	simm.s32 $0x0;
	_ =	strace $0x80000047;
	s2 =	ssub.s32 s2, s31  }
0xc: {  	s4 =	sadd.s32 s0, s7;
	s6 =	sadd.s32 s6, s7;
	s7 =	smax.u32 s2, $0x1  }
0xd: {  	vm0 =	vcmask $0x3F3C;
	s2 =	simm.s32 $0x1D680;
	s0 =	simm.s32 $0x1;
	s5 =	sadd.s32 $0x9E00, s4  }
.LBB2_1:
0xe: {  	[tilespmem:s3], [sflag:$0x4] =	stream.linear.gather [hbm4b:s5+s3], $0x2710, $0x38;
	[tilespmem:$0x1F680] =	vst v63  }
0xf: {  	_ =	swait.ge [sflag:s8], $0x2710  }
0x10: {  	[sflag:s8] =	ssyncset.done $0x0  }
0x11: {  	[sflag:s8] =	ssyncadd.s32 $0xFFFFD8F0  }
0x12: {  	[tilespmem:s9], [sflag:$0x4] =	stream.linear.gather [hbm4b:s4+s3], $0x2710, $0x38;
	[tilespmem:$0x1F680] =	vst v63  }
0x13: {  	_ =	swait.ge [sflag:s8], $0x2710  }
0x14: {  	[sflag:s8] =	ssyncset.done $0x0  }
0x15: {  	[sflag:s8] =	ssyncadd.s32 $0xFFFFD8F0  }
0x16: {  	[tilespmem:s11], [sflag:$0x1] =	stream.indirect.gather [hbm4b:s1+s10], $0x80, s3, s10, $0xb8;
	[tilespmem:$0x1F680] =	vst v63  }
0x17: {  	_ = 	snop  }
0x18: {  	[tilespmem:s12], [sflag:$0x1] =	stream.indirect.gather [hbm4b:s1+s10], $0x80, s9, s10, $0xb8;
	[tilespmem:$0x1F680] =	vst v63  }
0x19: {  	s16 =	simm.s32 $0x9680  }
0x1a: {  	[tilespmem:s16], [sflag:$0x1] =	stream.indirect.gather [hbm4b:s1+s10], $0x80, s10, s10, $0xb8;
	[tilespmem:$0x1F680] =	vst v63  }
0x1b: {  	s26 =	simm.s32 $0x27C0;
	s17 =	simm.s32 $0xD680  }
0x1c: {  	[tilespmem:s17], [sflag:$0x1] =	stream.indirect.gather [hbm4b:s1+s10], $0x80, s26, s10, $0xb8;
	[tilespmem:$0x1F680] =	vst v63  }
0x1d: {  	s18 =	simm.s32 $0xF680;
	s17 =	simm.s32 $0x80  }
0x1e: {  	[tilespmem:s18], [sflag:$0x2] =	stream.indirect.gather [hbm4b:s1+s10], $0x80, s17, s10, $0xb8;
	[tilespmem:$0x1F680] =	vst v63  }
0x1f: {  	s19 =	simm.s32 $0x2800;
	s20 =	simm.s32 $0x13680  }
0x20: {  	[tilespmem:s20], [sflag:$0x2] =	stream.indirect.gather [hbm4b:s1+s10], $0x80, s19, s10, $0xb8;
	[tilespmem:$0x1F680] =	vst v63  }
0x21: {  	s24 =	simm.s32 $0xC0;
	s26 =	simm.s32 $0x11680  }
0x22: {  	[tilespmem:s26], [sflag:$0x2] =	stream.indirect.gather [hbm4b:s1+s10], $0x80, s24, s10, $0xb8;
	[tilespmem:$0x1F680] =	vst v63  }
0x23: {  	s17 =	simm.s32 $0x2840;
	s18 =	simm.s32 $0x15680  }
0x24: {  	[tilespmem:s18], [sflag:$0x2] =	stream.indirect.gather [hbm4b:s1+s10], $0x80, s17, s10, $0xb8;
	[tilespmem:$0x1F680] =	vst v63  }
0x25: {  	s19 =	simm.s32 $0x100  }
0x26: {  	[tilespmem:s25], [sflag:$0x3] =	stream.indirect.gather [hbm4b:s1+s10], $0x80, s19, s10, $0xb8;
	[tilespmem:$0x1F680] =	vst v63  }
0x27: {  	s20 =	simm.s32 $0x2880  }
0x28: {  	[tilespmem:s28], [sflag:$0x3] =	stream.indirect.gather [hbm4b:s1+s10], $0x80, s20, s10, $0xb8;
	[tilespmem:$0x1F680] =	vst v63  }
0x29: {  	s29 =	simm.s32 $0x5003;
	s31 =	simm.s32 $0x0;
	s24 =	simm.s32 $0x140  }
0x2a: {  	[tilespmem:s30], [sflag:$0x3] =	stream.indirect.gather [hbm4b:s1+s10], $0x80, s24, s10, $0xb8;
	[tilespmem:$0x1F680] =	vst v63  }
0x2b: {  	s26 =	simm.s32 $0x28C0;
	s18 =	simm.s32 $0x4F83;
	s24 =	simm.s32 $0x4F03  }
0x2c: {  	[tilespmem:s2], [sflag:$0x3] =	stream.indirect.gather [hbm4b:s1+s10], $0x80, s26, s10, $0xb8;
	[tilespmem:$0x1F680] =	vst v63  }
.LBB2_2:
0x2d: {  	_ =	swait.ge [sflag:s0], $0x2000  }
0x2e: {  	[sflag:s0] =	ssyncset.done $0x0  }
0x2f: {  	[sflag:s0] =	ssyncadd.s32 $0xFFFFE000  }
0x30: {  	_ =	swait.ge [sflag:s0], $0x2000  }
0x31: {  	[sflag:s0] =	ssyncset.done $0x0  }
0x32: {  	[sflag:s0] =	ssyncadd.s32 $0xFFFFE000  }
0x33: {  	_ =	swait.ge [sflag:s0], $0x2000  }
0x34: {  	[sflag:s0] =	ssyncset.done $0x0  }
0x35: {  	[sflag:s0] =	ssyncadd.s32 $0xFFFFE000  }
0x36: {  	_ =	swait.ge [sflag:s0], $0x2000  }
0x37: {  	[sflag:s0] =	ssyncset.done $0x0  }
0x38: {  	s16 =	simm.s32 $0x7780;
	[sflag:s0] =	ssyncadd.s32 $0xFFFFE000  }
0x39: {  	s17 =	simm.s32 $0xB780;
	v0 =	vld [tilespmem:s16+$0x80]  }
0x3a: {  	v1 =	vld [tilespmem:s17+$0x80]  }
0x3b: {  	v2 =	vld [tilespmem:s16+$0x90]  }
0x3c: {  	v3 =	vld [tilespmem:s17+$0x90]  }
0x3d: {  	v4 =	vld [tilespmem:s16+$0xA0]  }
0x3e: {  	v5 =	vld [tilespmem:s17+$0xA0]  }
0x3f: {  	v6 =	vld [tilespmem:s16+$0xB0]  }
0x40: {  	v7 =	vld [tilespmem:s17+$0xB0]  }
0x41: {  	v8 =	vld [tilespmem:s16+$0xC0]  }
0x42: {  	v9 =	vld [tilespmem:s17+$0xC0]  }
0x43: {  	v10 =	vld [tilespmem:s16+$0xD0]  }
0x44: {  	v11 =	vld [tilespmem:s17+$0xD0]  }
0x45: {  	v12 =	vld [tilespmem:s16+$0xE0]  }
0x46: {  	v13 =	vld [tilespmem:s17+$0xE0]  }
0x47: {  	v14 =	vld [tilespmem:s16+$0xF0]  }
0x48: {  	v15 =	vld [tilespmem:s17+$0xF0]  }
0x49: {  	v16 =	vld [tilespmem:s17+$0xFFFFFF00]  }
0x4a: {  	v17 =	vld [tilespmem:s16+$0xFFFFFF10]  }
0x4b: {  	v18 =	vld [tilespmem:s17+$0xFFFFFF10]  }
0x4c: {  	v19 =	vld [tilespmem:s16+$0xFFFFFF20]  }
0x4d: {  	v20 =	vld [tilespmem:s17+$0xFFFFFF20]  }
0x4e: {  	v21 =	vld [tilespmem:s16+$0xFFFFFF30]  }
0x4f: {  	v22 =	vld [tilespmem:s17+$0xFFFFFF30]  }
0x50: {  	v23 =	vld [tilespmem:s16+$0xFFFFFF40]  }
0x51: {  	v24 =	vld [tilespmem:s17+$0xFFFFFF40]  }
0x52: {  	v25 =	vld [tilespmem:s16+$0xFFFFFF50]  }
0x53: {  	v26 =	vld [tilespmem:s17+$0xFFFFFF50]  }
0x54: {  	v27 =	vld [tilespmem:s16+$0xFFFFFF60]  }
0x55: {  	v28 =	vld [tilespmem:s17+$0xFFFFFF60]  }
0x56: {  	v29 =	vld [tilespmem:s16+$0xFFFFFF70]  }
0x57: {  	v30 =	vld [tilespmem:s17+$0xFFFFFF70]  }
0x58: {  	v31 =	vld [tilespmem:s16+$0xFFFFFF80]  }
0x59: {  	v32 =	vld [tilespmem:s17+$0xFFFFFF80]  }
0x5a: {  	v33 =	vld [tilespmem:s16+$0xFFFFFF90]  }
0x5b: {  	v34 =	vld [tilespmem:s17+$0xFFFFFF90]  }
0x5c: {  	v35 =	vld [tilespmem:s16+$0xFFFFFFA0]  }
0x5d: {  	v36 =	vld [tilespmem:s17+$0xFFFFFFA0]  }
0x5e: {  	v37 =	vld [tilespmem:s16+$0xFFFFFFB0]  }
0x5f: {  	v38 =	vld [tilespmem:s17+$0xFFFFFFB0]  }
0x60: {  	v39 =	vld [tilespmem:s16+$0xFFFFFFC0]  }
0x61: {  	v40 =	vld [tilespmem:s17+$0xFFFFFFC0]  }
0x62: {  	v41 =	vld [tilespmem:s16+$0xFFFFFFD0]  }
0x63: {  	v42 =	vld [tilespmem:s17+$0xFFFFFFD0]  }
0x64: {  	v43 =	vld [tilespmem:s16+$0xFFFFFFE0];
	v0 =	vmul.f32 v1, v0;
	v1 =	vmul.f32 v3, v2  }
0x65: {  	v44 =	vld [tilespmem:s17+$0xFFFFFFE0];
	v3 =	vmul.f32 v5, v4;
	v4 =	vmul.f32 v7, v6  }
0x66: {  	v45 =	vld [tilespmem:s16+$0xFFFFFFF0];
	v6 =	vmul.f32 v9, v8;
	v7 =	vmul.f32 v11, v10  }
0x67: {  	v46 =	vld [tilespmem:s17+$0xFFFFFFF0];
	v9 =	vmul.f32 v13, v12;
	v10 =	vmul.f32 v15, v14  }
0x68: {  	s20 =	simm.s32 $0x7980;
	v48 =	vld [tilespmem:s16+$0xFFFFFF00];
	v0 =	vadd.f32 v1, v0;
	v1 =	vadd.f32 v4, v3  }
0x69: {  	v50 =	vld [tilespmem:s20+$0x80];
	v4 =	vadd.f32 v7, v6;
	v6 =	vadd.f32 v10, v9  }
0x6a: {  	v54 =	vld [tilespmem:s20+$0x90]  }
0x6b: {  	v58 =	vld [tilespmem:s20+$0xA0];
	v0 =	vadd.f32 v1, v0;
	v1 =	vadd.f32 v6, v4  }
0x6c: {  	v2 =	vld [tilespmem:s16+$0x0]  }
0x6d: {  	v5 =	vld [tilespmem:s17+$0x0];
	v0 =	vadd.f32 v1, v0  }
0x6e: {  	v8 =	vld [tilespmem:s16+$0x10]  }
0x6f: {  	v11 =	vld [tilespmem:s17+$0x10];
	(xrf2) =	vadd.scan.msk.f32 $0xffff, v0  }
0x70: {  	v12 =	vld [tilespmem:s16+$0x60]  }
0x71: {  	v59 =	vmul.f32 v32, v31;
	v60 =	vmul.f32 v34, v33;
	v15 =	vld [tilespmem:s17+$0x60]  }
0x72: {  	v61 =	vmul.f32 v36, v35;
	v62 =	vmul.f32 v38, v37;
	v33 =	vld [tilespmem:s16+$0x70]  }
0x73: {  	v63 =	vmul.f32 v40, v39;
	v42 =	vmul.f32 v42, v41;
	v36 =	vld [tilespmem:s17+$0x70]  }
0x74: {  	v44 =	vmul.f32 v44, v43;
	v47 =	vmul.f32 v46, v45;
	v3 =	vld [tilespmem:s16+$0x20]  }
0x75: {  	v7 =	vld [tilespmem:s17+$0x20];
	v13 =	vadd.f32 v60, v59;
	v49 =	vadd.f32 v62, v61  }
0x76: {  	v9 =	vld [tilespmem:s16+$0x30];
	v51 =	vadd.f32 v42, v63;
	v52 =	vadd.f32 v47, v44  }
0x77: {  	v17 =	vmul.f32 v18, v17;
	v19 =	vmul.f32 v20, v19;
	v10 =	vld [tilespmem:s16+$0x50]  }
0x78: {  	v40 =	vmul.f32 v28, v27;
	v4 =	vld [tilespmem:s17+$0x30];
	v13 =	vadd.f32 v49, v13;
	v55 =	vadd.f32 v52, v51  }
0x79: {  	v41 =	vmul.f32 v30, v29;
	v21 =	vmul.f32 v22, v21;
	v6 =	vld [tilespmem:s16+$0x40];
	v57, _, _ =	vpop (xrf2)  }
0x7a: {  	v61 =	vmul.f32 v24, v23;
	v1 =	vld [tilespmem:s17+$0x40];
	v13 =	vadd.f32 v55, v13;
	v59 =	vsub.f32 $0.0e+00, v57  }
0x7b: {  	v63 =	vmul.f32 v26, v25;
	v2 =	vmul.f32 v5, v2;
	v0 =	vld [tilespmem:s17+$0x50]  }
0x7c: {  	v62 =	vld [tilespmem:s20+$0xB0];
	v8 =	vmul.f32 v11, v8;
	(xrf2) =	vadd.scan.msk.f32 $0xffff, v13;
	v18 =	vmul.f32 $1.442695020e+00, v59  }
0x7d: {  	v42 =	vld [tilespmem:s20+$0xC0];
	v44 =	vadd.f32 v41, v40;
	s16 =	simm.s32 $0xB980;
	v11 =	vmul.f32 v16, v48;
	v3 =	vmul.f32 v7, v3  }
0x7e: {  	v53 =	vld [tilespmem:s16+$0x80];
	v2 =	vadd.f32 v8, v2;
	v8 =	vmul.f32 v15, v12;
	(erf) = vpow2.f32 v18  }
0x7f: {  	v19 =	vadd.f32 v21, v19;
	v56 =	vld [tilespmem:s16+$0x90];
	v4 =	vmul.f32 v4, v9;
	v1 =	vmul.f32 v1, v6  }
0x80: {  	v20 =	vadd.f32 v63, v61;
	v60 =	vld [tilespmem:s16+$0xA0];
	v0 =	vmul.f32 v0, v10;
	v10 =	vmul.f32 v36, v33  }
0x81: {  	v34 =	vld [tilespmem:s16+$0xB0];
	v6 =	vadd.f32 v17, v11;
	v3 =	vadd.f32 v4, v3  }
0x82: {  	v43 =	vld [tilespmem:s16+$0xC0];
	v1 =	vadd.f32 v0, v1;
	v8 =	vadd.f32 v10, v8  }
0x83: {  	v5 =	vld [tilespmem:s20+$0xD0];
	v20 =	vadd.f32 v44, v20;
	v4 =	vadd.f32 v19, v6  }
0x84: {  	v45 =	vld [tilespmem:s16+$0xD0];
	v2 =	vadd.f32 v3, v2;
	v1 =	vadd.f32 v8, v1  }
0x85: {  	v7 =	vld [tilespmem:s20+$0xE0];
	v4 =	vadd.f32 v20, v4  }
0x86: {  	v9 =	vld [tilespmem:s16+$0xE0];
	v3, _, _ =	vpop (xrf2);
	v1 =	vadd.f32 v1, v2  }
0x87: {  	v11 =	vld [tilespmem:s20+$0xF0];
	(xrf2) =	vadd.scan.msk.f32 $0xffff, v4;
	v3 =	vsub.f32 $0.0e+00, v3;
	v46 =	vpop (erf)  }
0x88: {  	v47 =	vmul.f32 v53, v50;
	v6 =	vld [tilespmem:s16+$0xF0];
	(xrf2) =	vadd.scan.msk.f32 $0xffff, v1;
	v12 =	vadd.f32 $1.000000000e+00, v46  }
0x89: {  	v48 =	vmul.f32 v56, v54;
	v3 =	vmul.f32 $1.442695020e+00, v3  }
0x8a: {  	v14 =	vmul.f32 v60, v58;
	(erf) = vrcp.f32 v12  }
0x8b: {  	v40 =	vld [tilespmem:s20+$0xFFFFFFF0];
	v13 =	vmul.f32 v34, v62;
	(erf) = vpow2.f32 v3  }
0x8c: {  	v61 =	vld [tilespmem:s20+$0xFFFFFFE0];
	v5 =	vmul.f32 v45, v5;
	v7 =	vmul.f32 v9, v7  }
0x8d: {  	v49 =	vld [tilespmem:s16+$0xFFFFFF40];
	v6 =	vmul.f32 v6, v11;
	v18 =	vmul.f32 v43, v42  }
0x8e: {  	v16 =	vld [tilespmem:s16+$0xFFFFFF50];
	v13 =	vadd.f32 v13, v14;
	v11 =	vadd.f32 v48, v47  }
0x8f: {  	v63 =	vld [tilespmem:s16+$0xFFFFFFE0];
	v6 =	vadd.f32 v6, v7;
	v5 =	vadd.f32 v5, v18  }
0x90: {  	v55 =	vld [tilespmem:s16+$0xFFFFFF90]  }
0x91: {  	v15 =	vld [tilespmem:s20+$0xFFFFFF70];
	v11 =	vadd.f32 v13, v11;
	v5 =	vadd.f32 v6, v5;
	v7, _, _ =	vpop (xrf2)  }
0x92: {  	v53 =	vld [tilespmem:s16+$0xFFFFFF80];
	v52, _, _ =	vpop (xrf2)  }
0x93: {  	v54 =	vld [tilespmem:s20+$0xFFFFFF90];
	v5 =	vadd.f32 v5, v11;
	v17 =	vpop (erf)  }
0x94: {  	v56 =	vld [tilespmem:s16+$0xFFFFFFB0];
	v7 =	vsub.f32 $0.0e+00, v7;
	v50 =	vpop (erf)  }
0x95: {  	v58 =	vld [tilespmem:s16+$0xFFFFFFC0];
	(xrf2) =	vadd.scan.msk.f32 $0xffff, v5;
	v11 =	vsub.f32 $0.0e+00, v52;
	v51 =	vadd.f32 $1.000000000e+00, v50  }
0x96: {  	v60 =	vld [tilespmem:s16+$0xFFFFFFD0];
	v7 =	vmul.f32 $1.442695020e+00, v7  }
0x97: {  	v45 =	vld [tilespmem:s16+$0x0];
	v5 =	vmul.f32 $1.442695020e+00, v11;
	(erf) = vrcp.f32 v51  }
0x98: {  	v14 =	vld [tilespmem:s16+$0xFFFFFF60];
	(erf) = vpow2.f32 v7  }
0x99: {  	v9 =	vld [tilespmem:s20+$0xFFFFFF60];
	(erf) = vpow2.f32 v5  }
0x9a: {  	v0 =	vld [tilespmem:s16+$0xFFFFFF00]  }
0x9b: {  	v10 =	vld [tilespmem:s20+$0xFFFFFF10]  }
0x9c: {  	v20 =	vld [tilespmem:s20+$0xFFFFFF50]  }
0x9d: {  	v8 =	vld [tilespmem:s16+$0xFFFFFF10]  }
0x9e: {  	v4 =	vld [tilespmem:s20+$0xFFFFFF20]  }
0x9f: {  	v47 =	vld [tilespmem:s20+$0x20];
	v39, _, _ =	vpop (xrf2)  }
0xa0: {  	v2 =	vld [tilespmem:s16+$0xFFFFFF20];
	v28 =	vpop (erf)  }
0xa1: {  	v57 =	vld [tilespmem:s20+$0xFFFFFFC0];
	v62 =	vpop (erf)  }
0xa2: {  	v42 =	vld [tilespmem:s16+$0xFFFFFFF0];
	v32 =	vsub.f32 $0.0e+00, v39;
	v30 =	vadd.f32 $1.000000000e+00, v62;
	v41 =	vpop (erf)  }
0xa3: {  	v18 =	vld [tilespmem:s16+$0xFFFFFF70];
	v34 =	vadd.f32 $1.000000000e+00, v41  }
0xa4: {  	v11 =	vld [tilespmem:s16+$0xFFFFFFA0];
	v44 =	vmul.f32 $1.442695020e+00, v32;
	(erf) = vrcp.f32 v30  }
0xa5: {  	v7 =	vld [tilespmem:s20+$0xFFFFFFA0];
	(erf) = vrcp.f32 v34  }
0xa6: {  	v5 =	vld [tilespmem:s20+$0xFFFFFFB0];
	(erf) = vpow2.f32 v44  }
0xa7: {  	v6 =	vld [tilespmem:s20+$0xFFFFFF80]  }
0xa8: {  	v59 =	vld [tilespmem:s20+$0xFFFFFFD0]  }
0xa9: {  	v13 =	vmul.f32 v55, v54;
	v2 =	vmul.f32 v2, v4;
	v3 =	vld [tilespmem:s20+$0xFFFFFF40]  }
0xaa: {  	v48 =	vmul.f32 v58, v57;
	v7 =	vmul.f32 v11, v7;
	v11 =	vld [tilespmem:s16+$0x20]  }
0xab: {  	v54 =	vld [tilespmem:s20+$0x40];
	v15 =	vmul.f32 v18, v15;
	v5 =	vmul.f32 v56, v5  }
0xac: {  	v1 =	vld [tilespmem:s16+$0xFFFFFF30];
	v6 =	vmul.f32 v53, v6;
	v52 =	vmul.f32 v42, v40  }
0xad: {  	v43 =	vld [tilespmem:s20+$0x0];
	v51 =	vmul.f32 v63, v61;
	v5 =	vadd.f32 v5, v7;
	v7 =	vmul.f32 v14, v9;
	v57 =	vpop (erf)  }
0xae: {  	v4 =	vld [tilespmem:s20+$0x10];
	v6 =	vadd.f32 v13, v6;
	v3 =	vmul.f32 v49, v3;
	v49 =	vmul.f32 v60, v59;
	v60 =	vpop (erf)  }
0xaf: {  	v53 =	vld [tilespmem:s16+$0x30];
	v55 =	vadd.f32 v52, v51;
	v15 =	vadd.f32 v15, v7;
	v7 =	vmul.f32 v11, v47;
	v11 =	vpop (erf)  }
0xb0: {  	v46 =	vld [tilespmem:s16+$0x10];
	v9 =	vadd.f32 v49, v48;
	v11 =	vadd.f32 $1.000000000e+00, v11  }
0xb1: {  	v50 =	vld [tilespmem:s20+$0x30]  }
0xb2: {  	v12 =	vld [tilespmem:s20+$0xFFFFFF30];
	v6 =	vadd.f32 v5, v6;
	v9 =	vadd.f32 v55, v9;
	(erf) = vrcp.f32 v11  }
0xb3: {  	v58 =	vld [tilespmem:s20+$0x50]  }
0xb4: {  	v61 =	vld [tilespmem:s16+$0x50];
	v9 =	vadd.f32 v9, v6  }
0xb5: {  	v16 =	vmul.f32 v16, v20;
	v4 =	vmul.f32 v46, v4;
	v56 =	vld [tilespmem:s16+$0x40]  }
0xb6: {  	v59 =	vmul.f32 v45, v43;
	v62 =	vmul.f32 v53, v50;
	v5 =	vld [tilespmem:s20+$0x60];
	(xrf2) =	vadd.scan.msk.f32 $0xffff, v9  }
0xb7: {  	v12 =	vmul.f32 v1, v12;
	v3 =	vadd.f32 v16, v3;
	[tilespmem:s24+$0x0] =	vst.msk vm0, v17;
	v6 =	vld [tilespmem:s16+$0x60]  }
0xb8: {  	v1 =	vmul.f32 v8, v10;
	v8 =	vld [tilespmem:s16+$0x70];
	v4 =	vadd.f32 v4, v59;
	[tilespmem:s24+$0xFFFFFFFE] =	vst.msk vm0, v28;
	v63 =	vadd.f32 v62, v7  }
0xb9: {  	v2 =	vadd.f32 v12, v2;
	v7 =	vld [tilespmem:s20+$0x70];
	v3 =	vadd.f32 v15, v3;
	[tilespmem:s24+$0xFFFFFFFD] =	vst.msk vm0, v57  }
0xba: {  	s26 =	simm.s32 $0x4;
	s19 =	simm.s32 $0x7B80;
	s17 =	smov.u32 s24;
	v10 =	vld [tilespmem:s20+$0xFFFFFF00];
	v9 =	vmul.f32 v56, v54;
	v4 =	vadd.f32 v63, v4;
	[tilespmem:s24+$0xFFFFFFFF] =	vst.msk vm0, v60;
	v11 =	vmul.f32 v61, v58  }
.LBB2_3:
0xbb: {  	v12 =	vld [tilespmem:s19+$0x80];
	s16 =	sadd.s32 $0x200, s16;
	v13 =	vpop (erf);
	s17 =	sadd.s32 $0x4, s17  }
0xbc: {  	v14 =	vld [tilespmem:s16+$0x80];
	v5 =	vmul.f32 v6, v5;
	v6 =	vadd.f32 v11, v9;
	[tilespmem:s17+$0x0] =	vst.msk vm0, v13  }
0xbd: {  	v9 =	vld [tilespmem:s19+$0x90]  }
0xbe: {  	v11 =	vld [tilespmem:s16+$0x90];
	v13 =	vmul.f32 v8, v7  }
0xbf: {  	v8 =	vld [tilespmem:s19+$0xA0];
	v0 =	vmul.f32 v0, v10  }
0xc0: {  	v10 =	vld [tilespmem:s16+$0xA0];
	v5 =	vadd.f32 v13, v5;
	v7, _, _ =	vpop (xrf2)  }
0xc1: {  	v13 =	vld [tilespmem:s19+$0xB0];
	v0 =	vadd.f32 v1, v0;
	v1 =	vsub.f32 $0.0e+00, v7  }
0xc2: {  	v7 =	vld [tilespmem:s16+$0xB0];
	v5 =	vadd.f32 v5, v6  }
0xc3: {  	v6 =	vld [tilespmem:s19+$0xC0];
	v0 =	vadd.f32 v2, v0;
	v1 =	vmul.f32 $1.442695020e+00, v1  }
0xc4: {  	v2 =	vld [tilespmem:s16+$0xC0];
	v4 =	vadd.f32 v5, v4  }
0xc5: {  	v5 =	vld [tilespmem:s19+$0xD0];
	v0 =	vadd.f32 v3, v0;
	(erf) = vpow2.f32 v1  }
0xc6: {  	v1 =	vld [tilespmem:s16+$0xD0]  }
0xc7: {  	v3 =	vld [tilespmem:s19+$0xE0];
	(xrf2) =	vadd.scan.msk.f32 $0xffff, v0  }
0xc8: {  	v15 =	vld [tilespmem:s16+$0xE0]  }
0xc9: {  	v16 =	vld [tilespmem:s19+$0xF0]  }
0xca: {  	s26 =	sadd.s32 $0x4, s26;
	v17 =	vld [tilespmem:s16+$0xF0];
	(xrf2) =	vadd.scan.msk.f32 $0xffff, v4  }
0xcb: {  	p0 =	slt.u32 s26, $0x7C;
	v0 =	vld [tilespmem:s16+$0xFFFFFF00]  }
0xcc: {  	v12 =	vmul.f32 v14, v12;
	v9 =	vmul.f32 v11, v9;
	v4 =	vld [tilespmem:s19+$0xFFFFFF10]  }
0xcd: {  	v8 =	vmul.f32 v10, v8;
	v7 =	vmul.f32 v7, v13;
	v11 =	vld [tilespmem:s16+$0xFFFFFF10]  }
0xce: {  	v2 =	vmul.f32 v2, v6;
	v1 =	vmul.f32 v1, v5;
	v10 =	vld [tilespmem:s19+$0xFFFFFF20];
	v5 =	vpop (erf)  }
0xcf: {  	v3 =	vmul.f32 v15, v3;
	v6 =	vld [tilespmem:s16+$0xFFFFFF20];
	v13 =	vmul.f32 v17, v16;
	v5 =	vadd.f32 $1.000000000e+00, v5  }
0xd0: {  	v9 =	vadd.f32 v9, v12;
	v7 =	vadd.f32 v7, v8;
	v14 =	vld [tilespmem:s19+$0xFFFFFF30]  }
0xd1: {  	v2 =	vadd.f32 v1, v2;
	v8 =	vld [tilespmem:s16+$0xFFFFFF30];
	v3 =	vadd.f32 v13, v3;
	v12, _, _ =	vpop (xrf2);
	(erf) = vrcp.f32 v5  }
0xd2: {  	v1 =	vmul.f32 v11, v4;
	v4 =	vld [tilespmem:s19+$0xFFFFFF40];
	v5 =	vsub.f32 $0.0e+00, v12  }
0xd3: {  	v7 =	vadd.f32 v7, v9;
	v11 =	vld [tilespmem:s16+$0xFFFFFF40];
	v2 =	vadd.f32 v3, v2  }
0xd4: {  	v3 =	vmul.f32 v6, v10;
	v6 =	vld [tilespmem:s19+$0xFFFFFF50];
	v5 =	vmul.f32 $1.442695020e+00, v5;
	v9, _, _ =	vpop (xrf2)  }
0xd5: {  	v10 =	vld [tilespmem:s16+$0xFFFFFF50];
	v2 =	vadd.f32 v2, v7;
	v7 =	vsub.f32 $0.0e+00, v9  }
0xd6: {  	v8 =	vmul.f32 v8, v14;
	v9 =	vld [tilespmem:s19+$0xFFFFFF60];
	(erf) = vpow2.f32 v5  }
0xd7: {  	v5 =	vld [tilespmem:s16+$0xFFFFFF60];
	(xrf2) =	vadd.scan.msk.f32 $0xffff, v2;
	v7 =	vmul.f32 $1.442695020e+00, v7  }
0xd8: {  	v4 =	vmul.f32 v11, v4;
	v11 =	vld [tilespmem:s19+$0xFFFFFF70];
	v2 =	vadd.f32 v8, v3  }
0xd9: {  	v3 =	vld [tilespmem:s16+$0xFFFFFF70];
	(erf) = vpow2.f32 v7  }
0xda: {  	v6 =	vmul.f32 v10, v6;
	v7 =	vld [tilespmem:s19+$0xFFFFFF80];
	v8 =	vpop (erf)  }
0xdb: {  	v10 =	vld [tilespmem:s16+$0xFFFFFF80];
	[tilespmem:s17+$0xFFFFFFFE] =	vst.msk vm0, v8  }
0xdc: {  	v5 =	vmul.f32 v5, v9;
	v4 =	vadd.f32 v6, v4;
	v6 =	vld [tilespmem:s19+$0xFFFFFF90]  }
0xdd: {  	v8 =	vld [tilespmem:s16+$0xFFFFFF90]  }
0xde: {  	v3 =	vmul.f32 v3, v11;
	v9 =	vld [tilespmem:s19+$0xFFFFFFA0]  }
0xdf: {  	v11 =	vld [tilespmem:s16+$0xFFFFFFA0];
	v12 =	vpop (erf)  }
0xe0: {  	v3 =	vadd.f32 v3, v5;
	v5 =	vmul.f32 v10, v7;
	v7 =	vld [tilespmem:s19+$0xFFFFFFB0];
	v10 =	vadd.f32 $1.000000000e+00, v12  }
0xe1: {  	v12 =	vld [tilespmem:s16+$0xFFFFFFB0];
	v13, _, _ =	vpop (xrf2)  }
0xe2: {  	v3 =	vadd.f32 v3, v4;
	v4 =	vmul.f32 v8, v6;
	v6 =	vld [tilespmem:s19+$0xFFFFFFC0];
	v8 =	vsub.f32 $0.0e+00, v13;
	v13 =	vpop (erf)  }
0xe3: {  	v14 =	vld [tilespmem:s16+$0xFFFFFFC0];
	v13 =	vadd.f32 $1.000000000e+00, v13;
	(erf) = vrcp.f32 v10  }
0xe4: {  	v9 =	vmul.f32 v11, v9;
	v10 =	vld [tilespmem:s19+$0xFFFFFFD0];
	v4 =	vadd.f32 v4, v5;
	v5 =	vmul.f32 $1.442695020e+00, v8  }
0xe5: {  	v8 =	vld [tilespmem:s16+$0xFFFFFFD0];
	(erf) = vrcp.f32 v13  }
0xe6: {  	v7 =	vmul.f32 v12, v7;
	v11 =	vld [tilespmem:s19+$0xFFFFFFE0];
	(erf) = vpow2.f32 v5  }
0xe7: {  	v5 =	vld [tilespmem:s16+$0xFFFFFFE0]  }
0xe8: {  	v6 =	vmul.f32 v14, v6;
	v12 =	vld [tilespmem:s19+$0xFFFFFFF0];
	v7 =	vadd.f32 v7, v9  }
0xe9: {  	v9 =	vld [tilespmem:s16+$0xFFFFFFF0]  }
0xea: {  	v8 =	vmul.f32 v8, v10;
	v4 =	vadd.f32 v7, v4;
	v7 =	vld [tilespmem:s19+$0x0]  }
0xeb: {  	v10 =	vld [tilespmem:s16+$0x0]  }
0xec: {  	v5 =	vmul.f32 v5, v11;
	v6 =	vadd.f32 v8, v6;
	v8 =	vld [tilespmem:s19+$0x10];
	v11 =	vpop (erf)  }
0xed: {  	v13 =	vld [tilespmem:s16+$0x10];
	[tilespmem:s17+$0xFFFFFFFD] =	vst.msk vm0, v11  }
0xee: {  	v9 =	vmul.f32 v9, v12;
	v11 =	vld [tilespmem:s19+$0x20];
	v12 =	vpop (erf)  }
0xef: {  	v14 =	vld [tilespmem:s16+$0x20];
	v15 =	vpop (erf);
	[tilespmem:s17+$0xFFFFFFFF] =	vst.msk vm0, v12  }
0xf0: {  	v5 =	vadd.f32 v9, v5;
	v7 =	vmul.f32 v10, v7;
	v9 =	vld [tilespmem:s19+$0x30];
	v10 =	vadd.f32 $1.000000000e+00, v15  }
0xf1: {  	v12 =	vld [tilespmem:s16+$0x30]  }
0xf2: {  	v5 =	vadd.f32 v5, v6;
	v6 =	vmul.f32 v13, v8;
	v8 =	vld [tilespmem:s19+$0x40];
	(erf) = vrcp.f32 v10  }
0xf3: {  	v10 =	vld [tilespmem:s16+$0x40]  }
0xf4: {  	v4 =	vadd.f32 v5, v4;
	v11 =	vmul.f32 v14, v11;
	v13 =	vld [tilespmem:s19+$0x50];
	v14 =	vadd.f32 v6, v7  }
0xf5: {  	v15 =	vld [tilespmem:s16+$0x50]  }
.Ltmp0:
0xf6: {  	v12 =	vmul.f32 v12, v9;
	v5 =	vld [tilespmem:s19+$0x60];
	(xrf2) =	vadd.scan.msk.f32 $0xffff, v4;
	(pc) =	sbr.rel @p0 .LBB2_3-.Ltmp0, $4  }
0xf7: {  	v6 =	vld [tilespmem:s16+$0x60]  }
0xf8: {  	v9 =	vmul.f32 v10, v8;
	v7 =	vld [tilespmem:s19+$0x70];
	v4 =	vadd.f32 v12, v11  }
0xf9: {  	v8 =	vld [tilespmem:s16+$0x70]  }
0xfa: {  	v10 =	vld [tilespmem:s19+$0xFFFFFF00];
	v11 =	vmul.f32 v15, v13;
	v4 =	vadd.f32 v4, v14;
	s19 =	sadd.s32 $0x200, s19  }
0xfb: {  	_ =	sdelay $0x2  }
0xfc: {  	v5 =	vmul.f32 v6, v5;
	v6 =	vmul.f32 v8, v7  }
0xfd: {  	v0 =	vmul.f32 v0, v10;
	_ =	sdelay $0x1  }
0xfe: {  	v0 =	vadd.f32 v1, v0  }
0xff: {  	v5 =	vadd.f32 v6, v5;
	v1 =	vadd.f32 v11, v9;
	v6, _, _ =	vpop (xrf2)  }
0x100: {  	v6 =	vsub.f32 $0.0e+00, v6;
	v0 =	vadd.f32 v2, v0  }
0x101: {  	v1 =	vadd.f32 v5, v1  }
0x102: {  	v2 =	vmul.f32 $1.442695020e+00, v6;
	v0 =	vadd.f32 v3, v0  }
0x103: {  	v1 =	vadd.f32 v1, v4  }
0x104: {  	(erf) = vpow2.f32 v2;
	(xrf2) =	vadd.scan.msk.f32 $0xffff, v0  }
0x105: {  	(xrf2) =	vadd.scan.msk.f32 $0xffff, v1;
	_ =	sdelay $0x6  }
0x106: {  	v0 =	vpop (erf)  }
0x107: {  	v1 =	vpop (erf)  }
0x108: {  	v2, _, _ =	vpop (xrf2)  }
0x109: {  	v2 =	vsub.f32 $0.0e+00, v2;
	v3, _, _ =	vpop (xrf2)  }
0x10a: {  	v1 =	vadd.f32 $1.000000000e+00, v1;
	v3 =	vsub.f32 $0.0e+00, v3  }
0x10b: {  	v2 =	vmul.f32 $1.442695020e+00, v2  }
0x10c: {  	(erf) = vrcp.f32 v1;
	v1 =	vmul.f32 $1.442695020e+00, v3  }
0x10d: {  	(erf) = vpow2.f32 v2  }
0x10e: {  	(erf) = vpow2.f32 v1;
	_ =	sdelay $0x6  }
0x10f: {  	v1 =	vpop (erf)  }
0x110: {  	v2 =	vpop (erf)  }
0x111: {  	v2 =	vadd.f32 $1.000000000e+00, v2;
	v3 =	vpop (erf)  }
0x112: {  	v3 =	vadd.f32 $1.000000000e+00, v3  }
0x113: {  	(erf) = vrcp.f32 v2  }
0x114: {  	(erf) = vrcp.f32 v3;
	_ =	sdelay $0x5  }
0x115: {  	s17 =	sadd.s32 $0x4, s17  }
0x116: {  	p0 =	seq.s32 s31, $0x19;
	[tilespmem:s17+$0x0] =	vst.msk vm0, v0  }
0x117: {  	s16 =	smul.u32 @!p0 $0x180, s31;
	[tilespmem:s17+$0xFFFFFFFE] =	vst.msk vm0, v1;
	v0 =	vpop (erf)  }
0x118: {  	[tilespmem:s17+$0xFFFFFFFD] =	vst.msk vm0, v0;
	v0 =	vpop (erf)  }
0x119: {  	s19 =	simm.s32 @!p0 $0x40;
	s20 =	simm.s32 @!p0 $0x7680;
	[tilespmem:s17+$0xFFFFFFFF] =	vst.msk vm0, v0;
	s17 =	sadd.s32 @!p0 $0x180, s16  }
0x11a: {  	[tilespmem:s20], [sflag:$0x1] =	stream.indirect.gather @!p0 [hbm4b:s1+s19], $0x80, s17, s19, $0xb8;
	[tilespmem:$0x1F680] =	vst v63  }
0x11b: {  	s17 =	sadd.s32 @!p0 $0x2900, s16;
	s20 =	simm.s32 @!p0 $0xB680  }
0x11c: {  	[tilespmem:s20], [sflag:$0x1] =	stream.indirect.gather @!p0 [hbm4b:s1+s19], $0x80, s17, s19, $0xb8;
	[tilespmem:$0x1F680] =	vst v63  }
0x11d: {  	s17 =	sadd.s32 @!p0 $0x1C0, s16;
	s20 =	simm.s32 @!p0 $0x9680  }
0x11e: {  	[tilespmem:s20], [sflag:$0x1] =	stream.indirect.gather @!p0 [hbm4b:s1+s19], $0x80, s17, s19, $0xb8;
	[tilespmem:$0x1F680] =	vst v63  }
0x11f: {  	s17 =	sadd.s32 @!p0 $0x2940, s16;
	s20 =	simm.s32 @!p0 $0xD680  }
0x120: {  	[tilespmem:s20], [sflag:$0x1] =	stream.indirect.gather @!p0 [hbm4b:s1+s19], $0x80, s17, s19, $0xb8;
	[tilespmem:$0x1F680] =	vst v63  }
0x121: {  	_ =	swait.ge [sflag:s13], $0x2000  }
0x122: {  	[sflag:s13] =	ssyncset.done $0x0  }
0x123: {  	[sflag:s13] =	ssyncadd.s32 $0xFFFFE000  }
0x124: {  	_ =	swait.ge [sflag:s13], $0x2000  }
0x125: {  	[sflag:s13] =	ssyncset.done $0x0  }
0x126: {  	[sflag:s13] =	ssyncadd.s32 $0xFFFFE000  }
0x127: {  	_ =	swait.ge [sflag:s13], $0x2000  }
0x128: {  	[sflag:s13] =	ssyncset.done $0x0  }
0x129: {  	[sflag:s13] =	ssyncadd.s32 $0xFFFFE000  }
0x12a: {  	_ =	swait.ge [sflag:s13], $0x2000  }
0x12b: {  	[sflag:s13] =	ssyncset.done $0x0  }
0x12c: {  	s26 =	simm.s32 $0xF780;
	[sflag:s13] =	ssyncadd.s32 $0xFFFFE000  }
0x12d: {  	s20 =	simm.s32 $0x13780;
	v0 =	vld [tilespmem:s26+$0x80]  }
0x12e: {  	v1 =	vld [tilespmem:s20+$0x80]  }
0x12f: {  	v2 =	vld [tilespmem:s26+$0x90]  }
0x130: {  	v3 =	vld [tilespmem:s20+$0x90]  }
0x131: {  	v4 =	vld [tilespmem:s26+$0xA0]  }
0x132: {  	v5 =	vld [tilespmem:s20+$0xA0]  }
0x133: {  	v6 =	vld [tilespmem:s26+$0xB0]  }
0x134: {  	v7 =	vld [tilespmem:s20+$0xB0]  }
0x135: {  	v8 =	vld [tilespmem:s26+$0xC0]  }
0x136: {  	v9 =	vld [tilespmem:s20+$0xC0]  }
0x137: {  	v10 =	vld [tilespmem:s26+$0xD0]  }
0x138: {  	v11 =	vld [tilespmem:s20+$0xD0]  }
0x139: {  	v12 =	vld [tilespmem:s26+$0xE0]  }
0x13a: {  	v13 =	vld [tilespmem:s20+$0xE0]  }
0x13b: {  	v14 =	vld [tilespmem:s26+$0xF0]  }
0x13c: {  	v15 =	vld [tilespmem:s20+$0xF0]  }
0x13d: {  	v16 =	vld [tilespmem:s20+$0xFFFFFF00]  }
0x13e: {  	v17 =	vld [tilespmem:s26+$0xFFFFFF10]  }
0x13f: {  	v18 =	vld [tilespmem:s20+$0xFFFFFF10]  }
0x140: {  	v19 =	vld [tilespmem:s26+$0xFFFFFF20]  }
0x141: {  	v20 =	vld [tilespmem:s20+$0xFFFFFF20]  }
0x142: {  	v21 =	vld [tilespmem:s26+$0xFFFFFF30]  }
0x143: {  	v22 =	vld [tilespmem:s20+$0xFFFFFF30]  }
0x144: {  	v23 =	vld [tilespmem:s26+$0xFFFFFF40]  }
0x145: {  	v24 =	vld [tilespmem:s20+$0xFFFFFF40]  }
0x146: {  	v25 =	vld [tilespmem:s26+$0xFFFFFF50]  }
0x147: {  	v26 =	vld [tilespmem:s20+$0xFFFFFF50]  }
0x148: {  	v27 =	vld [tilespmem:s26+$0xFFFFFF60]  }
0x149: {  	v28 =	vld [tilespmem:s20+$0xFFFFFF60]  }
0x14a: {  	v29 =	vld [tilespmem:s26+$0xFFFFFF70]  }
0x14b: {  	v30 =	vld [tilespmem:s20+$0xFFFFFF70]  }
0x14c: {  	v31 =	vld [tilespmem:s26+$0xFFFFFF80]  }
0x14d: {  	v32 =	vld [tilespmem:s20+$0xFFFFFF80]  }
0x14e: {  	v33 =	vld [tilespmem:s26+$0xFFFFFF90]  }
0x14f: {  	v34 =	vld [tilespmem:s20+$0xFFFFFF90]  }
0x150: {  	v35 =	vld [tilespmem:s26+$0xFFFFFFA0]  }
0x151: {  	v36 =	vld [tilespmem:s20+$0xFFFFFFA0]  }
0x152: {  	v37 =	vld [tilespmem:s26+$0xFFFFFFB0]  }
0x153: {  	v38 =	vld [tilespmem:s20+$0xFFFFFFB0]  }
0x154: {  	v39 =	vld [tilespmem:s26+$0xFFFFFFC0]  }
0x155: {  	v40 =	vld [tilespmem:s20+$0xFFFFFFC0]  }
0x156: {  	v41 =	vld [tilespmem:s26+$0xFFFFFFD0]  }
0x157: {  	v42 =	vld [tilespmem:s20+$0xFFFFFFD0]  }
0x158: {  	v43 =	vld [tilespmem:s26+$0xFFFFFFE0];
	v0 =	vmul.f32 v1, v0;
	v1 =	vmul.f32 v3, v2  }
0x159: {  	v44 =	vld [tilespmem:s20+$0xFFFFFFE0];
	v3 =	vmul.f32 v5, v4;
	v4 =	vmul.f32 v7, v6  }
0x15a: {  	v45 =	vld [tilespmem:s26+$0xFFFFFFF0];
	v6 =	vmul.f32 v9, v8;
	v7 =	vmul.f32 v11, v10  }
0x15b: {  	v46 =	vld [tilespmem:s20+$0xFFFFFFF0];
	v9 =	vmul.f32 v13, v12;
	v10 =	vmul.f32 v15, v14  }
0x15c: {  	s17 =	simm.s32 $0x13980;
	v48 =	vld [tilespmem:s26+$0xFFFFFF00];
	v0 =	vadd.f32 v1, v0;
	v1 =	vadd.f32 v4, v3  }
0x15d: {  	v53 =	vld [tilespmem:s17+$0x80];
	v4 =	vadd.f32 v7, v6;
	v6 =	vadd.f32 v10, v9  }
0x15e: {  	v56 =	vld [tilespmem:s17+$0x90]  }
0x15f: {  	v2 =	vld [tilespmem:s26+$0x0];
	v0 =	vadd.f32 v1, v0;
	v1 =	vadd.f32 v6, v4  }
0x160: {  	v5 =	vld [tilespmem:s20+$0x0]  }
0x161: {  	v8 =	vld [tilespmem:s26+$0x10];
	v0 =	vadd.f32 v1, v0  }
0x162: {  	v11 =	vld [tilespmem:s20+$0x10]  }
0x163: {  	v12 =	vld [tilespmem:s26+$0x60];
	(xrf2) =	vadd.scan.msk.f32 $0xffff, v0  }
0x164: {  	v15 =	vld [tilespmem:s20+$0x60]  }
0x165: {  	v59 =	vmul.f32 v32, v31;
	v60 =	vmul.f32 v34, v33;
	v33 =	vld [tilespmem:s26+$0x70]  }
0x166: {  	v61 =	vmul.f32 v36, v35;
	v62 =	vmul.f32 v38, v37;
	v36 =	vld [tilespmem:s20+$0x70]  }
0x167: {  	v63 =	vmul.f32 v40, v39;
	v42 =	vmul.f32 v42, v41;
	v34 =	vld [tilespmem:s17+$0xB0]  }
0x168: {  	v44 =	vmul.f32 v44, v43;
	v47 =	vmul.f32 v46, v45;
	v3 =	vld [tilespmem:s26+$0x20]  }
0x169: {  	v7 =	vld [tilespmem:s20+$0x20];
	v13 =	vadd.f32 v60, v59;
	v49 =	vadd.f32 v62, v61  }
0x16a: {  	v9 =	vld [tilespmem:s26+$0x30];
	v51 =	vadd.f32 v42, v63;
	v52 =	vadd.f32 v47, v44  }
0x16b: {  	v17 =	vmul.f32 v18, v17;
	v19 =	vmul.f32 v20, v19;
	v10 =	vld [tilespmem:s26+$0x50]  }
0x16c: {  	v40 =	vmul.f32 v28, v27;
	v4 =	vld [tilespmem:s20+$0x30];
	v13 =	vadd.f32 v49, v13;
	v55 =	vadd.f32 v52, v51  }
0x16d: {  	v41 =	vmul.f32 v30, v29;
	v21 =	vmul.f32 v22, v21;
	v6 =	vld [tilespmem:s26+$0x40];
	v57, _, _ =	vpop (xrf2)  }
0x16e: {  	v61 =	vmul.f32 v24, v23;
	v1 =	vld [tilespmem:s20+$0x40];
	v13 =	vadd.f32 v55, v13;
	v59 =	vsub.f32 $0.0e+00, v57  }
0x16f: {  	v63 =	vmul.f32 v26, v25;
	v2 =	vmul.f32 v5, v2;
	v0 =	vld [tilespmem:s20+$0x50]  }
0x170: {  	v43 =	vld [tilespmem:s17+$0xC0];
	v8 =	vmul.f32 v11, v8;
	(xrf2) =	vadd.scan.msk.f32 $0xffff, v13;
	v18 =	vmul.f32 $1.442695020e+00, v59  }
0x171: {  	v45 =	vld [tilespmem:s17+$0xD0];
	v44 =	vadd.f32 v41, v40;
	v11 =	vmul.f32 v16, v48;
	v3 =	vmul.f32 v7, v3  }
0x172: {  	v60 =	vld [tilespmem:s17+$0xA0];
	s26 =	simm.s32 $0xF980;
	v2 =	vadd.f32 v8, v2;
	v8 =	vmul.f32 v15, v12;
	(erf) = vpow2.f32 v18  }
0x173: {  	v19 =	vadd.f32 v21, v19;
	v50 =	vld [tilespmem:s26+$0x80];
	v4 =	vmul.f32 v4, v9;
	v1 =	vmul.f32 v1, v6  }
0x174: {  	v20 =	vadd.f32 v63, v61;
	v54 =	vld [tilespmem:s26+$0x90];
	v0 =	vmul.f32 v0, v10;
	v10 =	vmul.f32 v36, v33  }
0x175: {  	v58 =	vld [tilespmem:s26+$0xA0];
	v6 =	vadd.f32 v17, v11;
	v3 =	vadd.f32 v4, v3  }
0x176: {  	v62 =	vld [tilespmem:s26+$0xB0];
	v1 =	vadd.f32 v0, v1;
	v8 =	vadd.f32 v10, v8  }
0x177: {  	v42 =	vld [tilespmem:s26+$0xC0];
	v20 =	vadd.f32 v44, v20;
	v4 =	vadd.f32 v19, v6  }
0x178: {  	v5 =	vld [tilespmem:s26+$0xD0];
	v2 =	vadd.f32 v3, v2;
	v1 =	vadd.f32 v8, v1  }
0x179: {  	v7 =	vld [tilespmem:s26+$0xE0];
	v4 =	vadd.f32 v20, v4  }
0x17a: {  	v9 =	vld [tilespmem:s17+$0xE0];
	v1 =	vadd.f32 v1, v2;
	v3, _, _ =	vpop (xrf2)  }
0x17b: {  	v11 =	vld [tilespmem:s26+$0xF0];
	(xrf2) =	vadd.scan.msk.f32 $0xffff, v4;
	v3 =	vsub.f32 $0.0e+00, v3;
	v46 =	vpop (erf)  }
0x17c: {  	v47 =	vmul.f32 v53, v50;
	v6 =	vld [tilespmem:s17+$0xF0];
	(xrf2) =	vadd.scan.msk.f32 $0xffff, v1;
	v12 =	vadd.f32 $1.000000000e+00, v46  }
0x17d: {  	v48 =	vmul.f32 v56, v54;
	v3 =	vmul.f32 $1.442695020e+00, v3  }
0x17e: {  	v14 =	vmul.f32 v60, v58;
	(erf) = vrcp.f32 v12  }
0x17f: {  	v49 =	vld [tilespmem:s17+$0xFFFFFF40];
	v5 =	vmul.f32 v45, v5;
	(erf) = vpow2.f32 v3  }
0x180: {  	v63 =	vld [tilespmem:s17+$0xFFFFFFE0];
	v7 =	vmul.f32 v9, v7;
	v13 =	vmul.f32 v34, v62  }
0x181: {  	v16 =	vld [tilespmem:s17+$0xFFFFFF50];
	v6 =	vmul.f32 v6, v11;
	v18 =	vmul.f32 v43, v42  }
0x182: {  	v61 =	vld [tilespmem:s26+$0xFFFFFFE0];
	v11 =	vadd.f32 v48, v47;
	v13 =	vadd.f32 v13, v14  }
0x183: {  	v40 =	vld [tilespmem:s26+$0xFFFFFFF0];
	v6 =	vadd.f32 v6, v7;
	v5 =	vadd.f32 v5, v18  }
0x184: {  	v55 =	vld [tilespmem:s17+$0xFFFFFF90]  }
0x185: {  	v15 =	vld [tilespmem:s26+$0xFFFFFF70];
	v11 =	vadd.f32 v13, v11;
	v5 =	vadd.f32 v6, v5;
	v7, _, _ =	vpop (xrf2)  }
0x186: {  	v53 =	vld [tilespmem:s17+$0xFFFFFF80];
	v52, _, _ =	vpop (xrf2)  }
0x187: {  	v54 =	vld [tilespmem:s26+$0xFFFFFF90];
	v5 =	vadd.f32 v5, v11;
	v17 =	vpop (erf)  }
0x188: {  	v56 =	vld [tilespmem:s17+$0xFFFFFFB0];
	v7 =	vsub.f32 $0.0e+00, v7;
	v50 =	vpop (erf)  }
0x189: {  	v58 =	vld [tilespmem:s17+$0xFFFFFFC0];
	(xrf2) =	vadd.scan.msk.f32 $0xffff, v5;
	v11 =	vsub.f32 $0.0e+00, v52;
	v51 =	vadd.f32 $1.000000000e+00, v50  }
0x18a: {  	v60 =	vld [tilespmem:s17+$0xFFFFFFD0];
	v7 =	vmul.f32 $1.442695020e+00, v7  }
0x18b: {  	v45 =	vld [tilespmem:s17+$0x0];
	v5 =	vmul.f32 $1.442695020e+00, v11;
	(erf) = vrcp.f32 v51  }
0x18c: {  	v9 =	vld [tilespmem:s26+$0xFFFFFF60];
	(erf) = vpow2.f32 v7  }
0x18d: {  	v0 =	vld [tilespmem:s17+$0xFFFFFF00];
	(erf) = vpow2.f32 v5  }
0x18e: {  	v10 =	vld [tilespmem:s26+$0xFFFFFF10]  }
0x18f: {  	v20 =	vld [tilespmem:s26+$0xFFFFFF50]  }
0x190: {  	v8 =	vld [tilespmem:s17+$0xFFFFFF10]  }
0x191: {  	v47 =	vld [tilespmem:s26+$0x20]  }
0x192: {  	v4 =	vld [tilespmem:s26+$0xFFFFFF20]  }
0x193: {  	v2 =	vld [tilespmem:s17+$0xFFFFFF20];
	v39, _, _ =	vpop (xrf2)  }
0x194: {  	v57 =	vld [tilespmem:s26+$0xFFFFFFC0];
	v28 =	vpop (erf)  }
0x195: {  	v14 =	vld [tilespmem:s17+$0xFFFFFF60];
	v62 =	vpop (erf)  }
0x196: {  	v42 =	vld [tilespmem:s17+$0xFFFFFFF0];
	v32 =	vsub.f32 $0.0e+00, v39;
	v30 =	vadd.f32 $1.000000000e+00, v62;
	v41 =	vpop (erf)  }
0x197: {  	v18 =	vld [tilespmem:s17+$0xFFFFFF70];
	v34 =	vadd.f32 $1.000000000e+00, v41  }
0x198: {  	v11 =	vld [tilespmem:s17+$0xFFFFFFA0];
	v44 =	vmul.f32 $1.442695020e+00, v32;
	(erf) = vrcp.f32 v30  }
0x199: {  	v7 =	vld [tilespmem:s26+$0xFFFFFFA0];
	(erf) = vrcp.f32 v34  }
0x19a: {  	v5 =	vld [tilespmem:s26+$0xFFFFFFB0];
	(erf) = vpow2.f32 v44  }
0x19b: {  	v6 =	vld [tilespmem:s26+$0xFFFFFF80]  }
0x19c: {  	v59 =	vld [tilespmem:s26+$0xFFFFFFD0]  }
0x19d: {  	v13 =	vmul.f32 v55, v54;
	v2 =	vmul.f32 v2, v4;
	v3 =	vld [tilespmem:s26+$0xFFFFFF40]  }
0x19e: {  	v48 =	vmul.f32 v58, v57;
	v7 =	vmul.f32 v11, v7;
	v11 =	vld [tilespmem:s17+$0x20]  }
0x19f: {  	v54 =	vld [tilespmem:s26+$0x40];
	v15 =	vmul.f32 v18, v15;
	v5 =	vmul.f32 v56, v5  }
0x1a0: {  	v43 =	vld [tilespmem:s26+$0x0];
	v6 =	vmul.f32 v53, v6;
	v52 =	vmul.f32 v42, v40  }
0x1a1: {  	v4 =	vld [tilespmem:s26+$0x10];
	v51 =	vmul.f32 v63, v61;
	v5 =	vadd.f32 v5, v7;
	v7 =	vmul.f32 v14, v9;
	v57 =	vpop (erf)  }
0x1a2: {  	v1 =	vld [tilespmem:s17+$0xFFFFFF30];
	v6 =	vadd.f32 v13, v6;
	v3 =	vmul.f32 v49, v3;
	v49 =	vmul.f32 v60, v59;
	v60 =	vpop (erf)  }
0x1a3: {  	v53 =	vld [tilespmem:s17+$0x30];
	v55 =	vadd.f32 v52, v51;
	v15 =	vadd.f32 v15, v7;
	v7 =	vmul.f32 v11, v47;
	v11 =	vpop (erf)  }
0x1a4: {  	v46 =	vld [tilespmem:s17+$0x10];
	v9 =	vadd.f32 v49, v48;
	v11 =	vadd.f32 $1.000000000e+00, v11  }
0x1a5: {  	v50 =	vld [tilespmem:s26+$0x30]  }
0x1a6: {  	v12 =	vld [tilespmem:s26+$0xFFFFFF30];
	v6 =	vadd.f32 v5, v6;
	v9 =	vadd.f32 v55, v9;
	(erf) = vrcp.f32 v11  }
0x1a7: {  	v58 =	vld [tilespmem:s26+$0x50]  }
0x1a8: {  	v61 =	vld [tilespmem:s17+$0x50];
	v9 =	vadd.f32 v9, v6  }
0x1a9: {  	v16 =	vmul.f32 v16, v20;
	v4 =	vmul.f32 v46, v4;
	v56 =	vld [tilespmem:s17+$0x40]  }
0x1aa: {  	v59 =	vmul.f32 v45, v43;
	v62 =	vmul.f32 v53, v50;
	v5 =	vld [tilespmem:s26+$0x60];
	(xrf2) =	vadd.scan.msk.f32 $0xffff, v9  }
0x1ab: {  	v12 =	vmul.f32 v1, v12;
	v3 =	vadd.f32 v16, v3;
	[tilespmem:s18+$0x0] =	vst.msk vm0, v17;
	v6 =	vld [tilespmem:s17+$0x60]  }
0x1ac: {  	v1 =	vmul.f32 v8, v10;
	v8 =	vld [tilespmem:s17+$0x70];
	v4 =	vadd.f32 v4, v59;
	[tilespmem:s18+$0xFFFFFFFE] =	vst.msk vm0, v28;
	v63 =	vadd.f32 v62, v7  }
0x1ad: {  	v2 =	vadd.f32 v12, v2;
	v7 =	vld [tilespmem:s26+$0x70];
	v3 =	vadd.f32 v15, v3;
	[tilespmem:s18+$0xFFFFFFFD] =	vst.msk vm0, v57  }
0x1ae: {  	s19 =	simm.s32 $0x4;
	s20 =	simm.s32 $0xFB80;
	v10 =	vld [tilespmem:s26+$0xFFFFFF00];
	s26 =	smov.u32 s18;
	v9 =	vmul.f32 v56, v54;
	v4 =	vadd.f32 v63, v4;
	[tilespmem:s18+$0xFFFFFFFF] =	vst.msk vm0, v60;
	v11 =	vmul.f32 v61, v58  }
.LBB2_5:
0x1af: {  	v12 =	vld [tilespmem:s20+$0x80];
	s17 =	sadd.s32 $0x200, s17;
	v13 =	vpop (erf);
	s26 =	sadd.s32 $0x4, s26  }
0x1b0: {  	v14 =	vld [tilespmem:s17+$0x80];
	v5 =	vmul.f32 v6, v5;
	v6 =	vadd.f32 v11, v9;
	[tilespmem:s26+$0x0] =	vst.msk vm0, v13  }
0x1b1: {  	v9 =	vld [tilespmem:s20+$0x90]  }
0x1b2: {  	v11 =	vld [tilespmem:s17+$0x90];
	v13 =	vmul.f32 v8, v7  }
0x1b3: {  	v8 =	vld [tilespmem:s20+$0xA0];
	v0 =	vmul.f32 v0, v10  }
0x1b4: {  	v10 =	vld [tilespmem:s17+$0xA0];
	v5 =	vadd.f32 v13, v5;
	v7, _, _ =	vpop (xrf2)  }
0x1b5: {  	v13 =	vld [tilespmem:s20+$0xB0];
	v0 =	vadd.f32 v1, v0;
	v1 =	vsub.f32 $0.0e+00, v7  }
0x1b6: {  	v7 =	vld [tilespmem:s17+$0xB0];
	v5 =	vadd.f32 v5, v6  }
0x1b7: {  	v6 =	vld [tilespmem:s20+$0xC0];
	v0 =	vadd.f32 v2, v0;
	v1 =	vmul.f32 $1.442695020e+00, v1  }
0x1b8: {  	v2 =	vld [tilespmem:s17+$0xC0];
	v4 =	vadd.f32 v5, v4  }
0x1b9: {  	v5 =	vld [tilespmem:s20+$0xD0];
	v0 =	vadd.f32 v3, v0;
	(erf) = vpow2.f32 v1  }
0x1ba: {  	v1 =	vld [tilespmem:s17+$0xD0]  }
0x1bb: {  	v3 =	vld [tilespmem:s20+$0xE0];
	(xrf2) =	vadd.scan.msk.f32 $0xffff, v0  }
0x1bc: {  	v15 =	vld [tilespmem:s17+$0xE0]  }
0x1bd: {  	v16 =	vld [tilespmem:s20+$0xF0]  }
0x1be: {  	s19 =	sadd.s32 $0x4, s19;
	v17 =	vld [tilespmem:s17+$0xF0];
	(xrf2) =	vadd.scan.msk.f32 $0xffff, v4  }
0x1bf: {  	p1 =	slt.u32 s19, $0x7C;
	v0 =	vld [tilespmem:s17+$0xFFFFFF00]  }
0x1c0: {  	v12 =	vmul.f32 v14, v12;
	v9 =	vmul.f32 v11, v9;
	v4 =	vld [tilespmem:s20+$0xFFFFFF10]  }
0x1c1: {  	v8 =	vmul.f32 v10, v8;
	v7 =	vmul.f32 v7, v13;
	v11 =	vld [tilespmem:s17+$0xFFFFFF10]  }
0x1c2: {  	v2 =	vmul.f32 v2, v6;
	v1 =	vmul.f32 v1, v5;
	v10 =	vld [tilespmem:s20+$0xFFFFFF20];
	v5 =	vpop (erf)  }
0x1c3: {  	v3 =	vmul.f32 v15, v3;
	v6 =	vld [tilespmem:s17+$0xFFFFFF20];
	v13 =	vmul.f32 v17, v16;
	v5 =	vadd.f32 $1.000000000e+00, v5  }
0x1c4: {  	v9 =	vadd.f32 v9, v12;
	v7 =	vadd.f32 v7, v8;
	v14 =	vld [tilespmem:s20+$0xFFFFFF30]  }
0x1c5: {  	v2 =	vadd.f32 v1, v2;
	v8 =	vld [tilespmem:s17+$0xFFFFFF30];
	v3 =	vadd.f32 v13, v3;
	v12, _, _ =	vpop (xrf2);
	(erf) = vrcp.f32 v5  }
0x1c6: {  	v1 =	vmul.f32 v11, v4;
	v4 =	vld [tilespmem:s20+$0xFFFFFF40];
	v5 =	vsub.f32 $0.0e+00, v12  }
0x1c7: {  	v7 =	vadd.f32 v7, v9;
	v11 =	vld [tilespmem:s17+$0xFFFFFF40];
	v2 =	vadd.f32 v3, v2  }
0x1c8: {  	v3 =	vmul.f32 v6, v10;
	v6 =	vld [tilespmem:s20+$0xFFFFFF50];
	v5 =	vmul.f32 $1.442695020e+00, v5;
	v9, _, _ =	vpop (xrf2)  }
0x1c9: {  	v10 =	vld [tilespmem:s17+$0xFFFFFF50];
	v2 =	vadd.f32 v2, v7;
	v7 =	vsub.f32 $0.0e+00, v9  }
0x1ca: {  	v8 =	vmul.f32 v8, v14;
	v9 =	vld [tilespmem:s20+$0xFFFFFF60];
	(erf) = vpow2.f32 v5  }
0x1cb: {  	v5 =	vld [tilespmem:s17+$0xFFFFFF60];
	(xrf2) =	vadd.scan.msk.f32 $0xffff, v2;
	v7 =	vmul.f32 $1.442695020e+00, v7  }
0x1cc: {  	v4 =	vmul.f32 v11, v4;
	v11 =	vld [tilespmem:s20+$0xFFFFFF70];
	v2 =	vadd.f32 v8, v3  }
0x1cd: {  	v3 =	vld [tilespmem:s17+$0xFFFFFF70];
	(erf) = vpow2.f32 v7  }
0x1ce: {  	v6 =	vmul.f32 v10, v6;
	v7 =	vld [tilespmem:s20+$0xFFFFFF80];
	v8 =	vpop (erf)  }
0x1cf: {  	v10 =	vld [tilespmem:s17+$0xFFFFFF80];
	[tilespmem:s26+$0xFFFFFFFE] =	vst.msk vm0, v8  }
0x1d0: {  	v5 =	vmul.f32 v5, v9;
	v4 =	vadd.f32 v6, v4;
	v6 =	vld [tilespmem:s20+$0xFFFFFF90]  }
0x1d1: {  	v8 =	vld [tilespmem:s17+$0xFFFFFF90]  }
0x1d2: {  	v3 =	vmul.f32 v3, v11;
	v9 =	vld [tilespmem:s20+$0xFFFFFFA0]  }
0x1d3: {  	v11 =	vld [tilespmem:s17+$0xFFFFFFA0];
	v12 =	vpop (erf)  }
0x1d4: {  	v3 =	vadd.f32 v3, v5;
	v5 =	vmul.f32 v10, v7;
	v7 =	vld [tilespmem:s20+$0xFFFFFFB0];
	v10 =	vadd.f32 $1.000000000e+00, v12  }
0x1d5: {  	v12 =	vld [tilespmem:s17+$0xFFFFFFB0];
	v13, _, _ =	vpop (xrf2)  }
0x1d6: {  	v3 =	vadd.f32 v3, v4;
	v4 =	vmul.f32 v8, v6;
	v6 =	vld [tilespmem:s20+$0xFFFFFFC0];
	v8 =	vsub.f32 $0.0e+00, v13;
	v13 =	vpop (erf)  }
0x1d7: {  	v14 =	vld [tilespmem:s17+$0xFFFFFFC0];
	v13 =	vadd.f32 $1.000000000e+00, v13;
	(erf) = vrcp.f32 v10  }
0x1d8: {  	v9 =	vmul.f32 v11, v9;
	v10 =	vld [tilespmem:s20+$0xFFFFFFD0];
	v4 =	vadd.f32 v4, v5;
	v5 =	vmul.f32 $1.442695020e+00, v8  }
0x1d9: {  	v8 =	vld [tilespmem:s17+$0xFFFFFFD0];
	(erf) = vrcp.f32 v13  }
0x1da: {  	v7 =	vmul.f32 v12, v7;
	v11 =	vld [tilespmem:s20+$0xFFFFFFE0];
	(erf) = vpow2.f32 v5  }
0x1db: {  	v5 =	vld [tilespmem:s17+$0xFFFFFFE0]  }
0x1dc: {  	v6 =	vmul.f32 v14, v6;
	v12 =	vld [tilespmem:s20+$0xFFFFFFF0];
	v7 =	vadd.f32 v7, v9  }
0x1dd: {  	v9 =	vld [tilespmem:s17+$0xFFFFFFF0]  }
0x1de: {  	v8 =	vmul.f32 v8, v10;
	v4 =	vadd.f32 v7, v4;
	v7 =	vld [tilespmem:s20+$0x0]  }
0x1df: {  	v10 =	vld [tilespmem:s17+$0x0]  }
0x1e0: {  	v5 =	vmul.f32 v5, v11;
	v6 =	vadd.f32 v8, v6;
	v8 =	vld [tilespmem:s20+$0x10];
	v11 =	vpop (erf)  }
0x1e1: {  	v13 =	vld [tilespmem:s17+$0x10];
	[tilespmem:s26+$0xFFFFFFFD] =	vst.msk vm0, v11  }
0x1e2: {  	v9 =	vmul.f32 v9, v12;
	v11 =	vld [tilespmem:s20+$0x20];
	v12 =	vpop (erf)  }
0x1e3: {  	v14 =	vld [tilespmem:s17+$0x20];
	v15 =	vpop (erf);
	[tilespmem:s26+$0xFFFFFFFF] =	vst.msk vm0, v12  }
0x1e4: {  	v5 =	vadd.f32 v9, v5;
	v7 =	vmul.f32 v10, v7;
	v9 =	vld [tilespmem:s20+$0x30];
	v10 =	vadd.f32 $1.000000000e+00, v15  }
0x1e5: {  	v12 =	vld [tilespmem:s17+$0x30]  }
0x1e6: {  	v5 =	vadd.f32 v5, v6;
	v6 =	vmul.f32 v13, v8;
	v8 =	vld [tilespmem:s20+$0x40];
	(erf) = vrcp.f32 v10  }
0x1e7: {  	v10 =	vld [tilespmem:s17+$0x40]  }
0x1e8: {  	v4 =	vadd.f32 v5, v4;
	v11 =	vmul.f32 v14, v11;
	v13 =	vld [tilespmem:s20+$0x50];
	v14 =	vadd.f32 v6, v7  }
0x1e9: {  	v15 =	vld [tilespmem:s17+$0x50]  }
.Ltmp1:
0x1ea: {  	v12 =	vmul.f32 v12, v9;
	v5 =	vld [tilespmem:s20+$0x60];
	(xrf2) =	vadd.scan.msk.f32 $0xffff, v4;
	(pc) =	sbr.rel @p1 .LBB2_5-.Ltmp1, $4  }
0x1eb: {  	v6 =	vld [tilespmem:s17+$0x60]  }
0x1ec: {  	v9 =	vmul.f32 v10, v8;
	v7 =	vld [tilespmem:s20+$0x70];
	v4 =	vadd.f32 v12, v11  }
0x1ed: {  	v8 =	vld [tilespmem:s17+$0x70]  }
0x1ee: {  	v10 =	vld [tilespmem:s20+$0xFFFFFF00];
	v11 =	vmul.f32 v15, v13;
	v4 =	vadd.f32 v4, v14;
	s20 =	sadd.s32 $0x200, s20  }
0x1ef: {  	_ =	sdelay $0x2  }
0x1f0: {  	v5 =	vmul.f32 v6, v5;
	v6 =	vmul.f32 v8, v7  }
0x1f1: {  	v0 =	vmul.f32 v0, v10;
	_ =	sdelay $0x1  }
0x1f2: {  	v0 =	vadd.f32 v1, v0  }
0x1f3: {  	v5 =	vadd.f32 v6, v5;
	v1 =	vadd.f32 v11, v9;
	v6, _, _ =	vpop (xrf2)  }
0x1f4: {  	v6 =	vsub.f32 $0.0e+00, v6;
	v0 =	vadd.f32 v2, v0  }
0x1f5: {  	v1 =	vadd.f32 v5, v1  }
0x1f6: {  	v2 =	vmul.f32 $1.442695020e+00, v6;
	v0 =	vadd.f32 v3, v0  }
0x1f7: {  	v1 =	vadd.f32 v1, v4  }
0x1f8: {  	(erf) = vpow2.f32 v2;
	(xrf2) =	vadd.scan.msk.f32 $0xffff, v0  }
0x1f9: {  	(xrf2) =	vadd.scan.msk.f32 $0xffff, v1;
	_ =	sdelay $0x6  }
0x1fa: {  	v0 =	vpop (erf)  }
0x1fb: {  	v1 =	vpop (erf)  }
0x1fc: {  	v2, _, _ =	vpop (xrf2)  }
0x1fd: {  	v2 =	vsub.f32 $0.0e+00, v2;
	v3, _, _ =	vpop (xrf2)  }
0x1fe: {  	v1 =	vadd.f32 $1.000000000e+00, v1;
	v3 =	vsub.f32 $0.0e+00, v3  }
0x1ff: {  	v2 =	vmul.f32 $1.442695020e+00, v2  }
0x200: {  	(erf) = vrcp.f32 v1;
	v1 =	vmul.f32 $1.442695020e+00, v3  }
0x201: {  	(erf) = vpow2.f32 v2  }
0x202: {  	(erf) = vpow2.f32 v1;
	_ =	sdelay $0x6  }
0x203: {  	v1 =	vpop (erf)  }
0x204: {  	v2 =	vpop (erf)  }
0x205: {  	v2 =	vadd.f32 $1.000000000e+00, v2;
	v3 =	vpop (erf)  }
0x206: {  	v3 =	vadd.f32 $1.000000000e+00, v3  }
0x207: {  	(erf) = vrcp.f32 v2  }
0x208: {  	(erf) = vrcp.f32 v3;
	_ =	sdelay $0x5  }
0x209: {  	s17 =	sadd.s32 $0x4, s26  }
0x20a: {  	[tilespmem:s17+$0x0] =	vst.msk vm0, v0  }
0x20b: {  	[tilespmem:s17+$0xFFFFFFFE] =	vst.msk vm0, v1;
	v0 =	vpop (erf)  }
0x20c: {  	[tilespmem:s17+$0xFFFFFFFD] =	vst.msk vm0, v0;
	v0 =	vpop (erf)  }
0x20d: {  	s19 =	simm.s32 @!p0 $0x40;
	s20 =	simm.s32 @!p0 $0xF680;
	[tilespmem:s17+$0xFFFFFFFF] =	vst.msk vm0, v0;
	s17 =	sadd.s32 @!p0 $0x200, s16  }
0x20e: {  	[tilespmem:s20], [sflag:$0x2] =	stream.indirect.gather @!p0 [hbm4b:s1+s19], $0x80, s17, s19, $0xb8;
	[tilespmem:$0x1F680] =	vst v63  }
0x20f: {  	s17 =	sadd.s32 @!p0 $0x2980, s16;
	s20 =	simm.s32 @!p0 $0x13680  }
0x210: {  	[tilespmem:s20], [sflag:$0x2] =	stream.indirect.gather @!p0 [hbm4b:s1+s19], $0x80, s17, s19, $0xb8;
	[tilespmem:$0x1F680] =	vst v63  }
0x211: {  	s17 =	sadd.s32 @!p0 $0x240, s16;
	s20 =	simm.s32 @!p0 $0x11680  }
0x212: {  	[tilespmem:s20], [sflag:$0x2] =	stream.indirect.gather @!p0 [hbm4b:s1+s19], $0x80, s17, s19, $0xb8;
	[tilespmem:$0x1F680] =	vst v63  }
0x213: {  	s16 =	sadd.s32 @!p0 $0x29C0, s16;
	s17 =	simm.s32 @!p0 $0x15680  }
0x214: {  	[tilespmem:s17], [sflag:$0x2] =	stream.indirect.gather @!p0 [hbm4b:s1+s19], $0x80, s16, s19, $0xb8;
	[tilespmem:$0x1F680] =	vst v63  }
0x215: {  	_ =	swait.ge [sflag:s14], $0x2000  }
0x216: {  	[sflag:s14] =	ssyncset.done $0x0  }
0x217: {  	[sflag:s14] =	ssyncadd.s32 $0xFFFFE000  }
0x218: {  	_ =	swait.ge [sflag:s14], $0x2000  }
0x219: {  	[sflag:s14] =	ssyncset.done $0x0  }
0x21a: {  	[sflag:s14] =	ssyncadd.s32 $0xFFFFE000  }
0x21b: {  	_ =	swait.ge [sflag:s14], $0x2000  }
0x21c: {  	[sflag:s14] =	ssyncset.done $0x0  }
0x21d: {  	[sflag:s14] =	ssyncadd.s32 $0xFFFFE000  }
0x21e: {  	_ =	swait.ge [sflag:s14], $0x2000  }
0x21f: {  	[sflag:s14] =	ssyncset.done $0x0  }
0x220: {  	s19 =	simm.s32 $0x17780;
	[sflag:s14] =	ssyncadd.s32 $0xFFFFE000  }
0x221: {  	s20 =	simm.s32 $0x1B780;
	v0 =	vld [tilespmem:s19+$0x80]  }
0x222: {  	v1 =	vld [tilespmem:s20+$0x80]  }
0x223: {  	v2 =	vld [tilespmem:s19+$0x90]  }
0x224: {  	v3 =	vld [tilespmem:s20+$0x90]  }
0x225: {  	v4 =	vld [tilespmem:s19+$0xA0]  }
0x226: {  	v5 =	vld [tilespmem:s20+$0xA0]  }
0x227: {  	v6 =	vld [tilespmem:s19+$0xB0]  }
0x228: {  	v7 =	vld [tilespmem:s20+$0xB0]  }
0x229: {  	v8 =	vld [tilespmem:s19+$0xC0]  }
0x22a: {  	v9 =	vld [tilespmem:s20+$0xC0]  }
0x22b: {  	v10 =	vld [tilespmem:s19+$0xD0]  }
0x22c: {  	v11 =	vld [tilespmem:s20+$0xD0]  }
0x22d: {  	v12 =	vld [tilespmem:s19+$0xE0]  }
0x22e: {  	v13 =	vld [tilespmem:s20+$0xE0]  }
0x22f: {  	v14 =	vld [tilespmem:s19+$0xF0]  }
0x230: {  	v15 =	vld [tilespmem:s20+$0xF0]  }
0x231: {  	v16 =	vld [tilespmem:s20+$0xFFFFFF00]  }
0x232: {  	v17 =	vld [tilespmem:s19+$0xFFFFFF10]  }
0x233: {  	v18 =	vld [tilespmem:s20+$0xFFFFFF10]  }
0x234: {  	v19 =	vld [tilespmem:s19+$0xFFFFFF20]  }
0x235: {  	v20 =	vld [tilespmem:s20+$0xFFFFFF20]  }
0x236: {  	v21 =	vld [tilespmem:s19+$0xFFFFFF30]  }
0x237: {  	v22 =	vld [tilespmem:s20+$0xFFFFFF30]  }
0x238: {  	v23 =	vld [tilespmem:s19+$0xFFFFFF40]  }
0x239: {  	v24 =	vld [tilespmem:s20+$0xFFFFFF40]  }
0x23a: {  	v25 =	vld [tilespmem:s19+$0xFFFFFF50]  }
0x23b: {  	v26 =	vld [tilespmem:s20+$0xFFFFFF50]  }
0x23c: {  	v27 =	vld [tilespmem:s19+$0xFFFFFF60]  }
0x23d: {  	v28 =	vld [tilespmem:s20+$0xFFFFFF60]  }
0x23e: {  	v29 =	vld [tilespmem:s19+$0xFFFFFF70]  }
0x23f: {  	v30 =	vld [tilespmem:s20+$0xFFFFFF70]  }
0x240: {  	v31 =	vld [tilespmem:s19+$0xFFFFFF80]  }
0x241: {  	v32 =	vld [tilespmem:s20+$0xFFFFFF80]  }
0x242: {  	v33 =	vld [tilespmem:s19+$0xFFFFFF90]  }
0x243: {  	v34 =	vld [tilespmem:s20+$0xFFFFFF90]  }
0x244: {  	v35 =	vld [tilespmem:s19+$0xFFFFFFA0]  }
0x245: {  	v36 =	vld [tilespmem:s20+$0xFFFFFFA0]  }
0x246: {  	v37 =	vld [tilespmem:s19+$0xFFFFFFB0]  }
0x247: {  	v38 =	vld [tilespmem:s20+$0xFFFFFFB0]  }
0x248: {  	v39 =	vld [tilespmem:s19+$0xFFFFFFC0]  }
0x249: {  	v40 =	vld [tilespmem:s20+$0xFFFFFFC0]  }
0x24a: {  	v41 =	vld [tilespmem:s19+$0xFFFFFFD0]  }
0x24b: {  	v42 =	vld [tilespmem:s20+$0xFFFFFFD0]  }
0x24c: {  	v43 =	vld [tilespmem:s19+$0xFFFFFFE0];
	v0 =	vmul.f32 v1, v0;
	v1 =	vmul.f32 v3, v2  }
0x24d: {  	v44 =	vld [tilespmem:s20+$0xFFFFFFE0];
	v3 =	vmul.f32 v5, v4;
	v4 =	vmul.f32 v7, v6  }
0x24e: {  	v45 =	vld [tilespmem:s19+$0xFFFFFFF0];
	v6 =	vmul.f32 v9, v8;
	v7 =	vmul.f32 v11, v10  }
0x24f: {  	v46 =	vld [tilespmem:s20+$0xFFFFFFF0];
	v9 =	vmul.f32 v13, v12;
	v10 =	vmul.f32 v15, v14  }
0x250: {  	s26 =	simm.s32 $0x17980;
	v48 =	vld [tilespmem:s19+$0xFFFFFF00];
	v0 =	vadd.f32 v1, v0;
	v1 =	vadd.f32 v4, v3  }
0x251: {  	s16 =	simm.s32 $0x1B980;
	v50 =	vld [tilespmem:s26+$0x80];
	v4 =	vadd.f32 v7, v6;
	v6 =	vadd.f32 v10, v9  }
0x252: {  	v53 =	vld [tilespmem:s16+$0x80]  }
0x253: {  	v54 =	vld [tilespmem:s26+$0x90];
	v0 =	vadd.f32 v1, v0;
	v1 =	vadd.f32 v6, v4  }
0x254: {  	v2 =	vld [tilespmem:s19+$0x0]  }
0x255: {  	v5 =	vld [tilespmem:s20+$0x0];
	v0 =	vadd.f32 v1, v0  }
0x256: {  	v8 =	vld [tilespmem:s19+$0x10]  }
0x257: {  	v11 =	vld [tilespmem:s20+$0x10];
	(xrf2) =	vadd.scan.msk.f32 $0xffff, v0  }
0x258: {  	v12 =	vld [tilespmem:s19+$0x60]  }
0x259: {  	v59 =	vmul.f32 v32, v31;
	v60 =	vmul.f32 v34, v33;
	v15 =	vld [tilespmem:s20+$0x60]  }
0x25a: {  	v61 =	vmul.f32 v36, v35;
	v62 =	vmul.f32 v38, v37;
	v33 =	vld [tilespmem:s19+$0x70]  }
0x25b: {  	v63 =	vmul.f32 v40, v39;
	v42 =	vmul.f32 v42, v41;
	v36 =	vld [tilespmem:s20+$0x70]  }
0x25c: {  	v44 =	vmul.f32 v44, v43;
	v47 =	vmul.f32 v46, v45;
	v3 =	vld [tilespmem:s19+$0x20]  }
0x25d: {  	v7 =	vld [tilespmem:s20+$0x20];
	v13 =	vadd.f32 v60, v59;
	v49 =	vadd.f32 v62, v61  }
0x25e: {  	v9 =	vld [tilespmem:s19+$0x30];
	v51 =	vadd.f32 v42, v63;
	v52 =	vadd.f32 v47, v44  }
0x25f: {  	v17 =	vmul.f32 v18, v17;
	v19 =	vmul.f32 v20, v19;
	v10 =	vld [tilespmem:s19+$0x50]  }
0x260: {  	v40 =	vmul.f32 v28, v27;
	v4 =	vld [tilespmem:s20+$0x30];
	v13 =	vadd.f32 v49, v13;
	v55 =	vadd.f32 v52, v51  }
0x261: {  	v41 =	vmul.f32 v30, v29;
	v21 =	vmul.f32 v22, v21;
	v6 =	vld [tilespmem:s19+$0x40];
	v57, _, _ =	vpop (xrf2)  }
0x262: {  	v61 =	vmul.f32 v24, v23;
	v1 =	vld [tilespmem:s20+$0x40];
	v13 =	vadd.f32 v55, v13;
	v59 =	vsub.f32 $0.0e+00, v57  }
0x263: {  	v63 =	vmul.f32 v26, v25;
	v2 =	vmul.f32 v5, v2;
	v0 =	vld [tilespmem:s20+$0x50]  }
0x264: {  	v56 =	vld [tilespmem:s16+$0x90];
	v8 =	vmul.f32 v11, v8;
	(xrf2) =	vadd.scan.msk.f32 $0xffff, v13;
	v18 =	vmul.f32 $1.442695020e+00, v59  }
0x265: {  	v58 =	vld [tilespmem:s26+$0xA0];
	v44 =	vadd.f32 v41, v40;
	v11 =	vmul.f32 v16, v48;
	v3 =	vmul.f32 v7, v3  }
0x266: {  	v34 =	vld [tilespmem:s16+$0xB0];
	v2 =	vadd.f32 v8, v2;
	v8 =	vmul.f32 v15, v12;
	(erf) = vpow2.f32 v18  }
0x267: {  	v43 =	vld [tilespmem:s16+$0xC0];
	v19 =	vadd.f32 v21, v19;
	v4 =	vmul.f32 v4, v9;
	v1 =	vmul.f32 v1, v6  }
0x268: {  	v45 =	vld [tilespmem:s16+$0xD0];
	v20 =	vadd.f32 v63, v61;
	v0 =	vmul.f32 v0, v10;
	v10 =	vmul.f32 v36, v33  }
0x269: {  	v60 =	vld [tilespmem:s16+$0xA0];
	v6 =	vadd.f32 v17, v11;
	v3 =	vadd.f32 v4, v3  }
0x26a: {  	v62 =	vld [tilespmem:s26+$0xB0];
	v1 =	vadd.f32 v0, v1;
	v8 =	vadd.f32 v10, v8  }
0x26b: {  	v42 =	vld [tilespmem:s26+$0xC0];
	v20 =	vadd.f32 v44, v20;
	v4 =	vadd.f32 v19, v6  }
0x26c: {  	v5 =	vld [tilespmem:s26+$0xD0];
	v2 =	vadd.f32 v3, v2;
	v1 =	vadd.f32 v8, v1  }
0x26d: {  	v7 =	vld [tilespmem:s26+$0xE0];
	v4 =	vadd.f32 v20, v4  }
0x26e: {  	v9 =	vld [tilespmem:s16+$0xE0];
	v1 =	vadd.f32 v1, v2;
	v3, _, _ =	vpop (xrf2)  }
0x26f: {  	v11 =	vld [tilespmem:s26+$0xF0];
	(xrf2) =	vadd.scan.msk.f32 $0xffff, v4;
	v3 =	vsub.f32 $0.0e+00, v3;
	v46 =	vpop (erf)  }
0x270: {  	v47 =	vmul.f32 v53, v50;
	v6 =	vld [tilespmem:s16+$0xF0];
	(xrf2) =	vadd.scan.msk.f32 $0xffff, v1;
	v12 =	vadd.f32 $1.000000000e+00, v46  }
0x271: {  	v48 =	vmul.f32 v56, v54;
	v3 =	vmul.f32 $1.442695020e+00, v3  }
0x272: {  	v14 =	vmul.f32 v60, v58;
	(erf) = vrcp.f32 v12  }
0x273: {  	v53 =	vld [tilespmem:s16+$0xFFFFFF80];
	v5 =	vmul.f32 v45, v5;
	(erf) = vpow2.f32 v3  }
0x274: {  	v40 =	vld [tilespmem:s26+$0xFFFFFFF0];
	v7 =	vmul.f32 v9, v7;
	v13 =	vmul.f32 v34, v62  }
0x275: {  	v49 =	vld [tilespmem:s16+$0xFFFFFF40];
	v6 =	vmul.f32 v6, v11;
	v18 =	vmul.f32 v43, v42  }
0x276: {  	v61 =	vld [tilespmem:s26+$0xFFFFFFE0];
	v11 =	vadd.f32 v48, v47;
	v13 =	vadd.f32 v13, v14  }
0x277: {  	v63 =	vld [tilespmem:s16+$0xFFFFFFE0];
	v6 =	vadd.f32 v6, v7;
	v5 =	vadd.f32 v5, v18  }
0x278: {  	v16 =	vld [tilespmem:s16+$0xFFFFFF50]  }
0x279: {  	v54 =	vld [tilespmem:s26+$0xFFFFFF90];
	v11 =	vadd.f32 v13, v11;
	v5 =	vadd.f32 v6, v5;
	v7, _, _ =	vpop (xrf2)  }
0x27a: {  	v56 =	vld [tilespmem:s16+$0xFFFFFFB0];
	v52, _, _ =	vpop (xrf2)  }
0x27b: {  	v55 =	vld [tilespmem:s16+$0xFFFFFF90];
	v5 =	vadd.f32 v5, v11;
	v17 =	vpop (erf)  }
0x27c: {  	v15 =	vld [tilespmem:s26+$0xFFFFFF70];
	v7 =	vsub.f32 $0.0e+00, v7;
	v50 =	vpop (erf)  }
0x27d: {  	v58 =	vld [tilespmem:s16+$0xFFFFFFC0];
	(xrf2) =	vadd.scan.msk.f32 $0xffff, v5;
	v11 =	vsub.f32 $0.0e+00, v52;
	v51 =	vadd.f32 $1.000000000e+00, v50  }
0x27e: {  	v60 =	vld [tilespmem:s16+$0xFFFFFFD0];
	v7 =	vmul.f32 $1.442695020e+00, v7  }
0x27f: {  	v45 =	vld [tilespmem:s16+$0x0];
	v5 =	vmul.f32 $1.442695020e+00, v11;
	(erf) = vrcp.f32 v51  }
0x280: {  	v9 =	vld [tilespmem:s26+$0xFFFFFF60];
	(erf) = vpow2.f32 v7  }
0x281: {  	v0 =	vld [tilespmem:s16+$0xFFFFFF00];
	(erf) = vpow2.f32 v5  }
0x282: {  	v10 =	vld [tilespmem:s26+$0xFFFFFF10]  }
0x283: {  	v20 =	vld [tilespmem:s26+$0xFFFFFF50]  }
0x284: {  	v8 =	vld [tilespmem:s16+$0xFFFFFF10]  }
0x285: {  	v47 =	vld [tilespmem:s26+$0x20]  }
0x286: {  	v4 =	vld [tilespmem:s26+$0xFFFFFF20]  }
0x287: {  	v2 =	vld [tilespmem:s16+$0xFFFFFF20];
	v39, _, _ =	vpop (xrf2)  }
0x288: {  	v57 =	vld [tilespmem:s26+$0xFFFFFFC0];
	v28 =	vpop (erf)  }
0x289: {  	v14 =	vld [tilespmem:s16+$0xFFFFFF60];
	v62 =	vpop (erf)  }
0x28a: {  	v42 =	vld [tilespmem:s16+$0xFFFFFFF0];
	v32 =	vsub.f32 $0.0e+00, v39;
	v30 =	vadd.f32 $1.000000000e+00, v62;
	v41 =	vpop (erf)  }
0x28b: {  	v18 =	vld [tilespmem:s16+$0xFFFFFF70];
	v34 =	vadd.f32 $1.000000000e+00, v41  }
0x28c: {  	v11 =	vld [tilespmem:s16+$0xFFFFFFA0];
	v44 =	vmul.f32 $1.442695020e+00, v32;
	(erf) = vrcp.f32 v30  }
0x28d: {  	v7 =	vld [tilespmem:s26+$0xFFFFFFA0];
	(erf) = vrcp.f32 v34  }
0x28e: {  	v5 =	vld [tilespmem:s26+$0xFFFFFFB0];
	(erf) = vpow2.f32 v44  }
0x28f: {  	v6 =	vld [tilespmem:s26+$0xFFFFFF80]  }
0x290: {  	v59 =	vld [tilespmem:s26+$0xFFFFFFD0]  }
0x291: {  	v13 =	vmul.f32 v55, v54;
	v2 =	vmul.f32 v2, v4;
	v3 =	vld [tilespmem:s26+$0xFFFFFF40]  }
0x292: {  	v48 =	vmul.f32 v58, v57;
	v7 =	vmul.f32 v11, v7;
	v11 =	vld [tilespmem:s16+$0x20]  }
0x293: {  	v54 =	vld [tilespmem:s26+$0x40];
	v15 =	vmul.f32 v18, v15;
	v5 =	vmul.f32 v56, v5  }
0x294: {  	v43 =	vld [tilespmem:s26+$0x0];
	v6 =	vmul.f32 v53, v6;
	v52 =	vmul.f32 v42, v40  }
0x295: {  	v4 =	vld [tilespmem:s26+$0x10];
	v51 =	vmul.f32 v63, v61;
	v5 =	vadd.f32 v5, v7;
	v7 =	vmul.f32 v14, v9;
	v57 =	vpop (erf)  }
0x296: {  	v1 =	vld [tilespmem:s16+$0xFFFFFF30];
	v6 =	vadd.f32 v13, v6;
	v3 =	vmul.f32 v49, v3;
	v49 =	vmul.f32 v60, v59;
	v60 =	vpop (erf)  }
0x297: {  	v53 =	vld [tilespmem:s16+$0x30];
	v55 =	vadd.f32 v52, v51;
	v15 =	vadd.f32 v15, v7;
	v7 =	vmul.f32 v11, v47;
	v11 =	vpop (erf)  }
0x298: {  	v46 =	vld [tilespmem:s16+$0x10];
	v9 =	vadd.f32 v49, v48;
	v11 =	vadd.f32 $1.000000000e+00, v11  }
0x299: {  	v50 =	vld [tilespmem:s26+$0x30]  }
0x29a: {  	v12 =	vld [tilespmem:s26+$0xFFFFFF30];
	v6 =	vadd.f32 v5, v6;
	v9 =	vadd.f32 v55, v9;
	(erf) = vrcp.f32 v11  }
0x29b: {  	v58 =	vld [tilespmem:s26+$0x50]  }
0x29c: {  	v61 =	vld [tilespmem:s16+$0x50];
	v9 =	vadd.f32 v9, v6  }
0x29d: {  	v16 =	vmul.f32 v16, v20;
	v4 =	vmul.f32 v46, v4;
	v56 =	vld [tilespmem:s16+$0x40]  }
0x29e: {  	v59 =	vmul.f32 v45, v43;
	v62 =	vmul.f32 v53, v50;
	v5 =	vld [tilespmem:s26+$0x60];
	(xrf2) =	vadd.scan.msk.f32 $0xffff, v9  }
0x29f: {  	v12 =	vmul.f32 v1, v12;
	v3 =	vadd.f32 v16, v3;
	[tilespmem:s29+$0x0] =	vst.msk vm0, v17;
	v6 =	vld [tilespmem:s16+$0x60]  }
0x2a0: {  	v1 =	vmul.f32 v8, v10;
	v8 =	vld [tilespmem:s16+$0x70];
	v4 =	vadd.f32 v4, v59;
	[tilespmem:s29+$0xFFFFFFFE] =	vst.msk vm0, v28;
	v63 =	vadd.f32 v62, v7  }
0x2a1: {  	v2 =	vadd.f32 v12, v2;
	v7 =	vld [tilespmem:s26+$0x70];
	v3 =	vadd.f32 v15, v3;
	[tilespmem:s29+$0xFFFFFFFD] =	vst.msk vm0, v57  }
0x2a2: {  	s17 =	smov.u32 s29;
	s19 =	simm.s32 $0x4;
	s20 =	simm.s32 $0x17B80;
	v10 =	vld [tilespmem:s26+$0xFFFFFF00];
	v9 =	vmul.f32 v56, v54;
	v4 =	vadd.f32 v63, v4;
	[tilespmem:s29+$0xFFFFFFFF] =	vst.msk vm0, v60;
	v11 =	vmul.f32 v61, v58  }
.LBB2_7:
0x2a3: {  	v12 =	vld [tilespmem:s20+$0x80];
	s16 =	sadd.s32 $0x200, s16;
	v13 =	vpop (erf);
	s17 =	sadd.s32 $0x4, s17  }
0x2a4: {  	v14 =	vld [tilespmem:s16+$0x80];
	v5 =	vmul.f32 v6, v5;
	v6 =	vadd.f32 v11, v9;
	[tilespmem:s17+$0x0] =	vst.msk vm0, v13  }
0x2a5: {  	v9 =	vld [tilespmem:s20+$0x90]  }
0x2a6: {  	v11 =	vld [tilespmem:s16+$0x90];
	v13 =	vmul.f32 v8, v7  }
0x2a7: {  	v8 =	vld [tilespmem:s20+$0xA0];
	v0 =	vmul.f32 v0, v10  }
0x2a8: {  	v10 =	vld [tilespmem:s16+$0xA0];
	v5 =	vadd.f32 v13, v5;
	v7, _, _ =	vpop (xrf2)  }
0x2a9: {  	v13 =	vld [tilespmem:s20+$0xB0];
	v0 =	vadd.f32 v1, v0;
	v1 =	vsub.f32 $0.0e+00, v7  }
0x2aa: {  	v7 =	vld [tilespmem:s16+$0xB0];
	v5 =	vadd.f32 v5, v6  }
0x2ab: {  	v6 =	vld [tilespmem:s20+$0xC0];
	v0 =	vadd.f32 v2, v0;
	v1 =	vmul.f32 $1.442695020e+00, v1  }
0x2ac: {  	v2 =	vld [tilespmem:s16+$0xC0];
	v4 =	vadd.f32 v5, v4  }
0x2ad: {  	v5 =	vld [tilespmem:s20+$0xD0];
	v0 =	vadd.f32 v3, v0;
	(erf) = vpow2.f32 v1  }
0x2ae: {  	v1 =	vld [tilespmem:s16+$0xD0]  }
0x2af: {  	v3 =	vld [tilespmem:s20+$0xE0];
	(xrf2) =	vadd.scan.msk.f32 $0xffff, v0  }
0x2b0: {  	v15 =	vld [tilespmem:s16+$0xE0]  }
0x2b1: {  	v16 =	vld [tilespmem:s20+$0xF0]  }
0x2b2: {  	s19 =	sadd.s32 $0x4, s19;
	v17 =	vld [tilespmem:s16+$0xF0];
	(xrf2) =	vadd.scan.msk.f32 $0xffff, v4  }
0x2b3: {  	p1 =	slt.u32 s19, $0x7C;
	v0 =	vld [tilespmem:s16+$0xFFFFFF00]  }
0x2b4: {  	v12 =	vmul.f32 v14, v12;
	v9 =	vmul.f32 v11, v9;
	v4 =	vld [tilespmem:s20+$0xFFFFFF10]  }
0x2b5: {  	v8 =	vmul.f32 v10, v8;
	v7 =	vmul.f32 v7, v13;
	v11 =	vld [tilespmem:s16+$0xFFFFFF10]  }
0x2b6: {  	v2 =	vmul.f32 v2, v6;
	v1 =	vmul.f32 v1, v5;
	v10 =	vld [tilespmem:s20+$0xFFFFFF20];
	v5 =	vpop (erf)  }
0x2b7: {  	v3 =	vmul.f32 v15, v3;
	v6 =	vld [tilespmem:s16+$0xFFFFFF20];
	v13 =	vmul.f32 v17, v16;
	v5 =	vadd.f32 $1.000000000e+00, v5  }
0x2b8: {  	v9 =	vadd.f32 v9, v12;
	v7 =	vadd.f32 v7, v8;
	v14 =	vld [tilespmem:s20+$0xFFFFFF30]  }
0x2b9: {  	v2 =	vadd.f32 v1, v2;
	v8 =	vld [tilespmem:s16+$0xFFFFFF30];
	v3 =	vadd.f32 v13, v3;
	v12, _, _ =	vpop (xrf2);
	(erf) = vrcp.f32 v5  }
0x2ba: {  	v1 =	vmul.f32 v11, v4;
	v4 =	vld [tilespmem:s20+$0xFFFFFF40];
	v5 =	vsub.f32 $0.0e+00, v12  }
0x2bb: {  	v7 =	vadd.f32 v7, v9;
	v11 =	vld [tilespmem:s16+$0xFFFFFF40];
	v2 =	vadd.f32 v3, v2  }
0x2bc: {  	v3 =	vmul.f32 v6, v10;
	v6 =	vld [tilespmem:s20+$0xFFFFFF50];
	v5 =	vmul.f32 $1.442695020e+00, v5;
	v9, _, _ =	vpop (xrf2)  }
0x2bd: {  	v10 =	vld [tilespmem:s16+$0xFFFFFF50];
	v2 =	vadd.f32 v2, v7;
	v7 =	vsub.f32 $0.0e+00, v9  }
0x2be: {  	v8 =	vmul.f32 v8, v14;
	v9 =	vld [tilespmem:s20+$0xFFFFFF60];
	(erf) = vpow2.f32 v5  }
0x2bf: {  	v5 =	vld [tilespmem:s16+$0xFFFFFF60];
	(xrf2) =	vadd.scan.msk.f32 $0xffff, v2;
	v7 =	vmul.f32 $1.442695020e+00, v7  }
0x2c0: {  	v4 =	vmul.f32 v11, v4;
	v11 =	vld [tilespmem:s20+$0xFFFFFF70];
	v2 =	vadd.f32 v8, v3  }
0x2c1: {  	v3 =	vld [tilespmem:s16+$0xFFFFFF70];
	(erf) = vpow2.f32 v7  }
0x2c2: {  	v6 =	vmul.f32 v10, v6;
	v7 =	vld [tilespmem:s20+$0xFFFFFF80];
	v8 =	vpop (erf)  }
0x2c3: {  	v10 =	vld [tilespmem:s16+$0xFFFFFF80];
	[tilespmem:s17+$0xFFFFFFFE] =	vst.msk vm0, v8  }
0x2c4: {  	v5 =	vmul.f32 v5, v9;
	v4 =	vadd.f32 v6, v4;
	v6 =	vld [tilespmem:s20+$0xFFFFFF90]  }
0x2c5: {  	v8 =	vld [tilespmem:s16+$0xFFFFFF90]  }
0x2c6: {  	v3 =	vmul.f32 v3, v11;
	v9 =	vld [tilespmem:s20+$0xFFFFFFA0]  }
0x2c7: {  	v11 =	vld [tilespmem:s16+$0xFFFFFFA0];
	v12 =	vpop (erf)  }
0x2c8: {  	v3 =	vadd.f32 v3, v5;
	v5 =	vmul.f32 v10, v7;
	v7 =	vld [tilespmem:s20+$0xFFFFFFB0];
	v10 =	vadd.f32 $1.000000000e+00, v12  }
0x2c9: {  	v12 =	vld [tilespmem:s16+$0xFFFFFFB0];
	v13, _, _ =	vpop (xrf2)  }
0x2ca: {  	v3 =	vadd.f32 v3, v4;
	v4 =	vmul.f32 v8, v6;
	v6 =	vld [tilespmem:s20+$0xFFFFFFC0];
	v8 =	vsub.f32 $0.0e+00, v13;
	v13 =	vpop (erf)  }
0x2cb: {  	v14 =	vld [tilespmem:s16+$0xFFFFFFC0];
	v13 =	vadd.f32 $1.000000000e+00, v13;
	(erf) = vrcp.f32 v10  }
0x2cc: {  	v9 =	vmul.f32 v11, v9;
	v10 =	vld [tilespmem:s20+$0xFFFFFFD0];
	v4 =	vadd.f32 v4, v5;
	v5 =	vmul.f32 $1.442695020e+00, v8  }
0x2cd: {  	v8 =	vld [tilespmem:s16+$0xFFFFFFD0];
	(erf) = vrcp.f32 v13  }
0x2ce: {  	v7 =	vmul.f32 v12, v7;
	v11 =	vld [tilespmem:s20+$0xFFFFFFE0];
	(erf) = vpow2.f32 v5  }
0x2cf: {  	v5 =	vld [tilespmem:s16+$0xFFFFFFE0]  }
0x2d0: {  	v6 =	vmul.f32 v14, v6;
	v12 =	vld [tilespmem:s20+$0xFFFFFFF0];
	v7 =	vadd.f32 v7, v9  }
0x2d1: {  	v9 =	vld [tilespmem:s16+$0xFFFFFFF0]  }
0x2d2: {  	v8 =	vmul.f32 v8, v10;
	v4 =	vadd.f32 v7, v4;
	v7 =	vld [tilespmem:s20+$0x0]  }
0x2d3: {  	v10 =	vld [tilespmem:s16+$0x0]  }
0x2d4: {  	v5 =	vmul.f32 v5, v11;
	v6 =	vadd.f32 v8, v6;
	v8 =	vld [tilespmem:s20+$0x10];
	v11 =	vpop (erf)  }
0x2d5: {  	v13 =	vld [tilespmem:s16+$0x10];
	[tilespmem:s17+$0xFFFFFFFD] =	vst.msk vm0, v11  }
0x2d6: {  	v9 =	vmul.f32 v9, v12;
	v11 =	vld [tilespmem:s20+$0x20];
	v12 =	vpop (erf)  }
0x2d7: {  	v14 =	vld [tilespmem:s16+$0x20];
	v15 =	vpop (erf);
	[tilespmem:s17+$0xFFFFFFFF] =	vst.msk vm0, v12  }
0x2d8: {  	v5 =	vadd.f32 v9, v5;
	v7 =	vmul.f32 v10, v7;
	v9 =	vld [tilespmem:s20+$0x30];
	v10 =	vadd.f32 $1.000000000e+00, v15  }
0x2d9: {  	v12 =	vld [tilespmem:s16+$0x30]  }
0x2da: {  	v5 =	vadd.f32 v5, v6;
	v6 =	vmul.f32 v13, v8;
	v8 =	vld [tilespmem:s20+$0x40];
	(erf) = vrcp.f32 v10  }
0x2db: {  	v10 =	vld [tilespmem:s16+$0x40]  }
0x2dc: {  	v4 =	vadd.f32 v5, v4;
	v11 =	vmul.f32 v14, v11;
	v13 =	vld [tilespmem:s20+$0x50];
	v14 =	vadd.f32 v6, v7  }
0x2dd: {  	v15 =	vld [tilespmem:s16+$0x50]  }
.Ltmp2:
0x2de: {  	v12 =	vmul.f32 v12, v9;
	v5 =	vld [tilespmem:s20+$0x60];
	(xrf2) =	vadd.scan.msk.f32 $0xffff, v4;
	(pc) =	sbr.rel @p1 .LBB2_7-.Ltmp2, $4  }
0x2df: {  	v6 =	vld [tilespmem:s16+$0x60]  }
0x2e0: {  	v9 =	vmul.f32 v10, v8;
	v7 =	vld [tilespmem:s20+$0x70];
	v4 =	vadd.f32 v12, v11  }
0x2e1: {  	v8 =	vld [tilespmem:s16+$0x70]  }
0x2e2: {  	v10 =	vld [tilespmem:s20+$0xFFFFFF00];
	v11 =	vmul.f32 v15, v13;
	v4 =	vadd.f32 v4, v14;
	s20 =	sadd.s32 $0x200, s20  }
0x2e3: {  	_ =	sdelay $0x3  }
0x2e4: {  	v0 =	vmul.f32 v0, v10  }
0x2e5: {  	v5 =	vmul.f32 v6, v5;
	v51 =	vmul.f32 v8, v7  }
0x2e6: {  	v0 =	vadd.f32 v1, v0  }
0x2e7: {  	v52 =	vadd.f32 v11, v9;
	v5 =	vadd.f32 v51, v5;
	v53, _, _ =	vpop (xrf2)  }
0x2e8: {  	v6 =	vsub.f32 $0.0e+00, v53;
	v0 =	vadd.f32 v2, v0  }
0x2e9: {  	v1 =	vadd.f32 v5, v52  }
0x2ea: {  	v54 =	vmul.f32 $1.442695020e+00, v6;
	v0 =	vadd.f32 v3, v0  }
0x2eb: {  	v1 =	vadd.f32 v1, v4  }
0x2ec: {  	(erf) = vpow2.f32 v54;
	(xrf2) =	vadd.scan.msk.f32 $0xffff, v0  }
0x2ed: {  	(xrf2) =	vadd.scan.msk.f32 $0xffff, v1;
	_ =	sdelay $0x6  }
0x2ee: {  	v55 =	vpop (erf)  }
0x2ef: {  	v56 =	vpop (erf)  }
0x2f0: {  	v57, _, _ =	vpop (xrf2)  }
0x2f1: {  	v2 =	vsub.f32 $0.0e+00, v57;
	v58, _, _ =	vpop (xrf2)  }
0x2f2: {  	v1 =	vadd.f32 $1.000000000e+00, v56;
	v3 =	vsub.f32 $0.0e+00, v58  }
0x2f3: {  	v2 =	vmul.f32 $1.442695020e+00, v2  }
0x2f4: {  	(erf) = vrcp.f32 v1;
	v59 =	vmul.f32 $1.442695020e+00, v3  }
0x2f5: {  	(erf) = vpow2.f32 v2  }
0x2f6: {  	(erf) = vpow2.f32 v59;
	_ =	sdelay $0x6  }
0x2f7: {  	v60 =	vpop (erf)  }
0x2f8: {  	v2 =	vpop (erf)  }
0x2f9: {  	v2 =	vadd.f32 $1.000000000e+00, v2;
	v61 =	vpop (erf)  }
0x2fa: {  	v3 =	vadd.f32 $1.000000000e+00, v61  }
0x2fb: {  	(erf) = vrcp.f32 v2  }
0x2fc: {  	(erf) = vrcp.f32 v3;
	_ =	sdelay $0x5  }
.Ltmp3:
0x2fd: {  	s16 =	sadd.s32 $0x4, s17;
	(pc) =	sbr.rel @p0 .LBB2_10-.Ltmp3, $4  }
0x2fe: {  	[tilespmem:s16+$0x0] =	vst.msk vm0, v55  }
0x2ff: {  	[tilespmem:s16+$0xFFFFFFFE] =	vst.msk vm0, v60;
	v62 =	vpop (erf)  }
0x300: {  	[tilespmem:s16+$0xFFFFFFFD] =	vst.msk vm0, v62;
	v63 =	vpop (erf)  }
0x301: {  	[tilespmem:s16+$0xFFFFFFFF] =	vst.msk vm0, v63  }
0x302: {  	s16 =	smul.u32 $0x180, s31;
	_ =	sdelay $0x1  }
0x303: {  	s17 =	sadd.s32 $0x280, s16  }
0x304: {  	[tilespmem:s25], [sflag:$0x3] =	stream.indirect.gather [hbm4b:s1+s10], $0x80, s17, s10, $0xb8;
	[tilespmem:$0x1F680] =	vst v63  }
0x305: {  	s20 =	sadd.s32 $0x2A00, s16  }
0x306: {  	[tilespmem:s28], [sflag:$0x3] =	stream.indirect.gather [hbm4b:s1+s10], $0x80, s20, s10, $0xb8;
	[tilespmem:$0x1F680] =	vst v63  }
.Ltmp4:
0x307: {  	_ = 	snop;
	(pc) =	sbr.rel .LBB2_2-.Ltmp4, $4  }
0x308: {  	s31 =	sadd.s32 $0x1, s31;
	s24 =	sadd.s32 $0x180, s24;
	s26 =	sadd.s32 $0x2C0, s16  }
0x309: {  	[tilespmem:s30], [sflag:$0x3] =	stream.indirect.gather [hbm4b:s1+s10], $0x80, s26, s10, $0xb8;
	[tilespmem:$0x1F680] =	vst v63  }
0x30a: {  	s18 =	sadd.s32 $0x180, s18;
	s29 =	sadd.s32 $0x180, s29;
	s16 =	sadd.s32 $0x2A40, s16  }
0x30b: {  	[tilespmem:s2], [sflag:$0x3] =	stream.indirect.gather [hbm4b:s1+s10], $0x80, s16, s10, $0xb8;
	[tilespmem:$0x1F680] =	vst v63  }
.LBB2_10:
0x30c: {  	s16 =	simm.s32 $0x2700  }
0x30d: {  	[tilespmem:s11], [sflag:$0x1] =	stream.indirect.gather [hbm4b:s1+s15], $0x80, s16, s15, $0xb8;
	[tilespmem:$0x1F680] =	vst v63  }
0x30e: {  	s20 =	simm.s32 $0x4E80  }
0x30f: {  	[tilespmem:s12], [sflag:$0x1] =	stream.indirect.gather [hbm4b:s1+s15], $0x80, s20, s15, $0xb8;
	[tilespmem:$0x1F680] =	vst v63  }
0x310: {  	s24 =	simm.s32 $0x2708;
	s17 =	simm.s32 $0x7A80  }
0x311: {  	[tilespmem:s17], [sflag:$0x1] =	stream.indirect.gather [hbm4b:s1+s15], $0x80, s24, s15, $0xb8;
	[tilespmem:$0x1F680] =	vst v63  }
0x312: {  	s26 =	simm.s32 $0x4E88  }
0x313: {  	[tilespmem:s21], [sflag:$0x1] =	stream.indirect.gather [hbm4b:s1+s15], $0x80, s26, s15, $0xb8;
	[tilespmem:$0x1F680] =	vst v63  }
0x314: {  	_ =	swait.ge [sflag:s0], $0x400  }
0x315: {  	[sflag:s0] =	ssyncset.done $0x0  }
0x316: {  	[sflag:s0] =	ssyncadd.s32 $0xFFFFFC00  }
0x317: {  	_ =	swait.ge [sflag:s0], $0x400  }
0x318: {  	[sflag:s0] =	ssyncset.done $0x0  }
0x319: {  	[sflag:s0] =	ssyncadd.s32 $0xFFFFFC00  }
0x31a: {  	_ =	swait.ge [sflag:s0], $0x400  }
0x31b: {  	[sflag:s0] =	ssyncset.done $0x0  }
0x31c: {  	[sflag:s0] =	ssyncadd.s32 $0xFFFFFC00  }
0x31d: {  	_ =	swait.ge [sflag:s0], $0x400  }
0x31e: {  	[sflag:s0] =	ssyncset.done $0x0  }
0x31f: {  	s29 =	simm.s32 $0x7780;
	[sflag:s0] =	ssyncadd.s32 $0xFFFFFC00  }
0x320: {  	s31 =	simm.s32 $0xB780;
	v0 =	vld [tilespmem:s29+$0x80]  }
0x321: {  	v1 =	vld [tilespmem:s31+$0x80]  }
0x322: {  	v2 =	vld [tilespmem:s29+$0x90]  }
0x323: {  	v3 =	vld [tilespmem:s31+$0x90]  }
0x324: {  	v4 =	vld [tilespmem:s29+$0xA0]  }
0x325: {  	v5 =	vld [tilespmem:s31+$0xA0]  }
0x326: {  	v6 =	vld [tilespmem:s29+$0xB0]  }
0x327: {  	v7 =	vld [tilespmem:s31+$0xB0]  }
0x328: {  	v8 =	vld [tilespmem:s29+$0xC0]  }
0x329: {  	v9 =	vld [tilespmem:s31+$0xC0]  }
0x32a: {  	v10 =	vld [tilespmem:s29+$0xD0]  }
0x32b: {  	v11 =	vld [tilespmem:s31+$0xD0]  }
0x32c: {  	v12 =	vld [tilespmem:s29+$0xE0]  }
0x32d: {  	v13 =	vld [tilespmem:s31+$0xE0]  }
0x32e: {  	v14 =	vld [tilespmem:s29+$0xF0]  }
0x32f: {  	v15 =	vld [tilespmem:s31+$0xF0]  }
0x330: {  	v16 =	vld [tilespmem:s31+$0xFFFFFF00]  }
0x331: {  	v17 =	vld [tilespmem:s29+$0xFFFFFF10]  }
0x332: {  	v18 =	vld [tilespmem:s31+$0xFFFFFF10]  }
0x333: {  	v19 =	vld [tilespmem:s29+$0xFFFFFF20]  }
0x334: {  	v20 =	vld [tilespmem:s31+$0xFFFFFF20]  }
0x335: {  	v21 =	vld [tilespmem:s29+$0xFFFFFF30]  }
0x336: {  	v22 =	vld [tilespmem:s31+$0xFFFFFF30]  }
0x337: {  	v23 =	vld [tilespmem:s29+$0xFFFFFF40]  }
0x338: {  	v24 =	vld [tilespmem:s31+$0xFFFFFF40]  }
0x339: {  	v25 =	vld [tilespmem:s29+$0xFFFFFF50]  }
0x33a: {  	v26 =	vld [tilespmem:s31+$0xFFFFFF50]  }
0x33b: {  	v27 =	vld [tilespmem:s29+$0xFFFFFF60]  }
0x33c: {  	v28 =	vld [tilespmem:s31+$0xFFFFFF60]  }
0x33d: {  	v29 =	vld [tilespmem:s29+$0xFFFFFF70]  }
0x33e: {  	v30 =	vld [tilespmem:s31+$0xFFFFFF70]  }
0x33f: {  	v31 =	vld [tilespmem:s29+$0xFFFFFF80]  }
0x340: {  	v32 =	vld [tilespmem:s31+$0xFFFFFF80]  }
0x341: {  	v33 =	vld [tilespmem:s29+$0xFFFFFF90]  }
0x342: {  	v34 =	vld [tilespmem:s31+$0xFFFFFF90]  }
0x343: {  	v35 =	vld [tilespmem:s29+$0xFFFFFFA0]  }
0x344: {  	v36 =	vld [tilespmem:s31+$0xFFFFFFA0]  }
0x345: {  	v37 =	vld [tilespmem:s29+$0xFFFFFFB0]  }
0x346: {  	v38 =	vld [tilespmem:s31+$0xFFFFFFB0]  }
0x347: {  	v39 =	vld [tilespmem:s29+$0xFFFFFFC0]  }
0x348: {  	v40 =	vld [tilespmem:s31+$0xFFFFFFC0]  }
0x349: {  	v41 =	vld [tilespmem:s29+$0xFFFFFFD0]  }
0x34a: {  	v42 =	vld [tilespmem:s31+$0xFFFFFFD0]  }
0x34b: {  	v43 =	vld [tilespmem:s29+$0xFFFFFFE0];
	v0 =	vmul.f32 v1, v0;
	v1 =	vmul.f32 v3, v2  }
0x34c: {  	v44 =	vld [tilespmem:s31+$0xFFFFFFE0];
	v3 =	vmul.f32 v5, v4;
	v4 =	vmul.f32 v7, v6  }
0x34d: {  	v45 =	vld [tilespmem:s29+$0xFFFFFFF0];
	v6 =	vmul.f32 v9, v8;
	v7 =	vmul.f32 v11, v10  }
0x34e: {  	v46 =	vld [tilespmem:s31+$0xFFFFFFF0];
	v9 =	vmul.f32 v13, v12;
	v10 =	vmul.f32 v15, v14  }
0x34f: {  	s19 =	simm.s32 $0x7980;
	v48 =	vld [tilespmem:s29+$0xFFFFFF00];
	v0 =	vadd.f32 v1, v0;
	v1 =	vadd.f32 v4, v3  }
0x350: {  	s16 =	simm.s32 $0xB980;
	v50 =	vld [tilespmem:s19+$0x80];
	v4 =	vadd.f32 v7, v6;
	v6 =	vadd.f32 v10, v9  }
0x351: {  	v53 =	vld [tilespmem:s16+$0x80]  }
0x352: {  	v54 =	vld [tilespmem:s19+$0x90];
	v0 =	vadd.f32 v1, v0;
	v1 =	vadd.f32 v6, v4  }
0x353: {  	v2 =	vld [tilespmem:s29+$0x0]  }
0x354: {  	v5 =	vld [tilespmem:s31+$0x0];
	v0 =	vadd.f32 v1, v0  }
0x355: {  	v8 =	vld [tilespmem:s29+$0x10]  }
0x356: {  	v11 =	vld [tilespmem:s31+$0x10];
	(xrf2) =	vadd.scan.msk.f32 $0xffff, v0  }
0x357: {  	v12 =	vld [tilespmem:s29+$0x60]  }
0x358: {  	v59 =	vmul.f32 v32, v31;
	v60 =	vmul.f32 v34, v33;
	v15 =	vld [tilespmem:s31+$0x60]  }
0x359: {  	v61 =	vmul.f32 v36, v35;
	v62 =	vmul.f32 v38, v37;
	v33 =	vld [tilespmem:s29+$0x70]  }
0x35a: {  	v63 =	vmul.f32 v40, v39;
	v42 =	vmul.f32 v42, v41;
	v36 =	vld [tilespmem:s31+$0x70]  }
0x35b: {  	v44 =	vmul.f32 v44, v43;
	v47 =	vmul.f32 v46, v45;
	v3 =	vld [tilespmem:s29+$0x20]  }
0x35c: {  	v7 =	vld [tilespmem:s31+$0x20];
	v13 =	vadd.f32 v60, v59;
	v49 =	vadd.f32 v62, v61  }
0x35d: {  	v9 =	vld [tilespmem:s29+$0x30];
	v51 =	vadd.f32 v42, v63;
	v52 =	vadd.f32 v47, v44  }
0x35e: {  	v17 =	vmul.f32 v18, v17;
	v19 =	vmul.f32 v20, v19;
	v10 =	vld [tilespmem:s29+$0x50]  }
0x35f: {  	v40 =	vmul.f32 v28, v27;
	v4 =	vld [tilespmem:s31+$0x30];
	v13 =	vadd.f32 v49, v13;
	v55 =	vadd.f32 v52, v51  }
0x360: {  	v41 =	vmul.f32 v30, v29;
	v21 =	vmul.f32 v22, v21;
	v6 =	vld [tilespmem:s29+$0x40];
	v57, _, _ =	vpop (xrf2)  }
0x361: {  	v61 =	vmul.f32 v24, v23;
	v1 =	vld [tilespmem:s31+$0x40];
	v13 =	vadd.f32 v55, v13;
	v59 =	vsub.f32 $0.0e+00, v57  }
0x362: {  	v63 =	vmul.f32 v26, v25;
	v2 =	vmul.f32 v5, v2;
	v0 =	vld [tilespmem:s31+$0x50]  }
0x363: {  	v56 =	vld [tilespmem:s16+$0x90];
	v8 =	vmul.f32 v11, v8;
	(xrf2) =	vadd.scan.msk.f32 $0xffff, v13;
	v18 =	vmul.f32 $1.442695020e+00, v59  }
0x364: {  	v58 =	vld [tilespmem:s19+$0xA0];
	v44 =	vadd.f32 v41, v40;
	v11 =	vmul.f32 v16, v48;
	v3 =	vmul.f32 v7, v3  }
0x365: {  	v34 =	vld [tilespmem:s16+$0xB0];
	v2 =	vadd.f32 v8, v2;
	v8 =	vmul.f32 v15, v12;
	(erf) = vpow2.f32 v18  }
0x366: {  	v43 =	vld [tilespmem:s16+$0xC0];
	v19 =	vadd.f32 v21, v19;
	v4 =	vmul.f32 v4, v9;
	v1 =	vmul.f32 v1, v6  }
0x367: {  	v45 =	vld [tilespmem:s16+$0xD0];
	v20 =	vadd.f32 v63, v61;
	v0 =	vmul.f32 v0, v10;
	v10 =	vmul.f32 v36, v33  }
0x368: {  	v60 =	vld [tilespmem:s16+$0xA0];
	v6 =	vadd.f32 v17, v11;
	v3 =	vadd.f32 v4, v3  }
0x369: {  	v62 =	vld [tilespmem:s19+$0xB0];
	v1 =	vadd.f32 v0, v1;
	v8 =	vadd.f32 v10, v8  }
0x36a: {  	v42 =	vld [tilespmem:s19+$0xC0];
	v20 =	vadd.f32 v44, v20;
	v4 =	vadd.f32 v19, v6  }
0x36b: {  	v5 =	vld [tilespmem:s19+$0xD0];
	v2 =	vadd.f32 v3, v2;
	v1 =	vadd.f32 v8, v1  }
0x36c: {  	v7 =	vld [tilespmem:s19+$0xE0];
	v4 =	vadd.f32 v20, v4  }
0x36d: {  	v9 =	vld [tilespmem:s16+$0xE0];
	v3, _, _ =	vpop (xrf2);
	v1 =	vadd.f32 v1, v2  }
0x36e: {  	v11 =	vld [tilespmem:s19+$0xF0];
	(xrf2) =	vadd.scan.msk.f32 $0xffff, v4;
	v3 =	vsub.f32 $0.0e+00, v3;
	v46 =	vpop (erf)  }
0x36f: {  	v47 =	vmul.f32 v53, v50;
	v6 =	vld [tilespmem:s16+$0xF0];
	(xrf2) =	vadd.scan.msk.f32 $0xffff, v1;
	v12 =	vadd.f32 $1.000000000e+00, v46  }
0x370: {  	v48 =	vmul.f32 v56, v54;
	v3 =	vmul.f32 $1.442695020e+00, v3  }
0x371: {  	v14 =	vmul.f32 v60, v58;
	(erf) = vrcp.f32 v12  }
0x372: {  	v53 =	vld [tilespmem:s16+$0xFFFFFF80];
	v13 =	vmul.f32 v34, v62;
	(erf) = vpow2.f32 v3  }
0x373: {  	v40 =	vld [tilespmem:s19+$0xFFFFFFF0];
	v5 =	vmul.f32 v45, v5;
	v7 =	vmul.f32 v9, v7  }
0x374: {  	v49 =	vld [tilespmem:s16+$0xFFFFFF40];
	v6 =	vmul.f32 v6, v11;
	v18 =	vmul.f32 v43, v42  }
0x375: {  	v61 =	vld [tilespmem:s19+$0xFFFFFFE0];
	v13 =	vadd.f32 v13, v14;
	v11 =	vadd.f32 v48, v47  }
0x376: {  	v63 =	vld [tilespmem:s16+$0xFFFFFFE0];
	v6 =	vadd.f32 v6, v7;
	v5 =	vadd.f32 v5, v18  }
0x377: {  	v16 =	vld [tilespmem:s16+$0xFFFFFF50]  }
0x378: {  	v54 =	vld [tilespmem:s19+$0xFFFFFF90];
	v11 =	vadd.f32 v13, v11;
	v5 =	vadd.f32 v6, v5;
	v7, _, _ =	vpop (xrf2)  }
0x379: {  	v56 =	vld [tilespmem:s16+$0xFFFFFFB0];
	v52, _, _ =	vpop (xrf2)  }
0x37a: {  	v55 =	vld [tilespmem:s16+$0xFFFFFF90];
	v5 =	vadd.f32 v5, v11;
	v17 =	vpop (erf)  }
0x37b: {  	v15 =	vld [tilespmem:s19+$0xFFFFFF70];
	v7 =	vsub.f32 $0.0e+00, v7;
	v50 =	vpop (erf)  }
0x37c: {  	v58 =	vld [tilespmem:s16+$0xFFFFFFC0];
	(xrf2) =	vadd.scan.msk.f32 $0xffff, v5;
	v11 =	vsub.f32 $0.0e+00, v52;
	v51 =	vadd.f32 $1.000000000e+00, v50  }
0x37d: {  	v60 =	vld [tilespmem:s16+$0xFFFFFFD0];
	v7 =	vmul.f32 $1.442695020e+00, v7  }
0x37e: {  	v45 =	vld [tilespmem:s16+$0x0];
	v5 =	vmul.f32 $1.442695020e+00, v11;
	(erf) = vrcp.f32 v51  }
0x37f: {  	v14 =	vld [tilespmem:s16+$0xFFFFFF60];
	(erf) = vpow2.f32 v7  }
0x380: {  	v9 =	vld [tilespmem:s19+$0xFFFFFF60];
	(erf) = vpow2.f32 v5  }
0x381: {  	v0 =	vld [tilespmem:s16+$0xFFFFFF00]  }
0x382: {  	v10 =	vld [tilespmem:s19+$0xFFFFFF10]  }
0x383: {  	v20 =	vld [tilespmem:s19+$0xFFFFFF50]  }
0x384: {  	v8 =	vld [tilespmem:s16+$0xFFFFFF10]  }
0x385: {  	v4 =	vld [tilespmem:s19+$0xFFFFFF20]  }
0x386: {  	v47 =	vld [tilespmem:s19+$0x20];
	v39, _, _ =	vpop (xrf2)  }
0x387: {  	v2 =	vld [tilespmem:s16+$0xFFFFFF20];
	v28 =	vpop (erf)  }
0x388: {  	v57 =	vld [tilespmem:s19+$0xFFFFFFC0];
	v62 =	vpop (erf)  }
0x389: {  	v42 =	vld [tilespmem:s16+$0xFFFFFFF0];
	v32 =	vsub.f32 $0.0e+00, v39;
	v30 =	vadd.f32 $1.000000000e+00, v62;
	v41 =	vpop (erf)  }
0x38a: {  	v18 =	vld [tilespmem:s16+$0xFFFFFF70];
	v34 =	vadd.f32 $1.000000000e+00, v41  }
0x38b: {  	v11 =	vld [tilespmem:s16+$0xFFFFFFA0];
	v44 =	vmul.f32 $1.442695020e+00, v32;
	(erf) = vrcp.f32 v30  }
0x38c: {  	v7 =	vld [tilespmem:s19+$0xFFFFFFA0];
	(erf) = vrcp.f32 v34  }
0x38d: {  	v5 =	vld [tilespmem:s19+$0xFFFFFFB0];
	(erf) = vpow2.f32 v44  }
0x38e: {  	v6 =	vld [tilespmem:s19+$0xFFFFFF80]  }
0x38f: {  	v59 =	vld [tilespmem:s19+$0xFFFFFFD0]  }
0x390: {  	v13 =	vmul.f32 v55, v54;
	v2 =	vmul.f32 v2, v4;
	v3 =	vld [tilespmem:s19+$0xFFFFFF40]  }
0x391: {  	v48 =	vmul.f32 v58, v57;
	v7 =	vmul.f32 v11, v7;
	v11 =	vld [tilespmem:s16+$0x20]  }
0x392: {  	v54 =	vld [tilespmem:s19+$0x40];
	v15 =	vmul.f32 v18, v15;
	v5 =	vmul.f32 v56, v5  }
0x393: {  	v1 =	vld [tilespmem:s16+$0xFFFFFF30];
	v6 =	vmul.f32 v53, v6;
	v52 =	vmul.f32 v42, v40  }
0x394: {  	v43 =	vld [tilespmem:s19+$0x0];
	v51 =	vmul.f32 v63, v61;
	v5 =	vadd.f32 v5, v7;
	v7 =	vmul.f32 v14, v9;
	v57 =	vpop (erf)  }
0x395: {  	v4 =	vld [tilespmem:s19+$0x10];
	v6 =	vadd.f32 v13, v6;
	v3 =	vmul.f32 v49, v3;
	v49 =	vmul.f32 v60, v59;
	v60 =	vpop (erf)  }
0x396: {  	v53 =	vld [tilespmem:s16+$0x30];
	v55 =	vadd.f32 v52, v51;
	v15 =	vadd.f32 v15, v7;
	v7 =	vmul.f32 v11, v47;
	v11 =	vpop (erf)  }
0x397: {  	v46 =	vld [tilespmem:s16+$0x10];
	v9 =	vadd.f32 v49, v48;
	v11 =	vadd.f32 $1.000000000e+00, v11  }
0x398: {  	v50 =	vld [tilespmem:s19+$0x30]  }
0x399: {  	v12 =	vld [tilespmem:s19+$0xFFFFFF30];
	v6 =	vadd.f32 v5, v6;
	v9 =	vadd.f32 v55, v9;
	(erf) = vrcp.f32 v11  }
0x39a: {  	v58 =	vld [tilespmem:s19+$0x50]  }
0x39b: {  	v61 =	vld [tilespmem:s16+$0x50];
	v9 =	vadd.f32 v9, v6  }
0x39c: {  	v16 =	vmul.f32 v16, v20;
	v4 =	vmul.f32 v46, v4;
	v56 =	vld [tilespmem:s16+$0x40]  }
0x39d: {  	s17 =	simm.s32 $0x7603;
	v59 =	vmul.f32 v45, v43;
	v62 =	vmul.f32 v53, v50;
	v5 =	vld [tilespmem:s19+$0x60];
	(xrf2) =	vadd.scan.msk.f32 $0xffff, v9  }
0x39e: {  	v12 =	vmul.f32 v1, v12;
	v3 =	vadd.f32 v16, v3;
	[tilespmem:s17+$0x0] =	vst.msk vm0, v17;
	v6 =	vld [tilespmem:s16+$0x60]  }
0x39f: {  	v1 =	vmul.f32 v8, v10;
	v8 =	vld [tilespmem:s16+$0x70];
	v4 =	vadd.f32 v4, v59;
	[tilespmem:s17+$0xFFFFFFFE] =	vst.msk vm0, v28;
	v63 =	vadd.f32 v62, v7  }
0x3a0: {  	v2 =	vadd.f32 v12, v2;
	v7 =	vld [tilespmem:s19+$0x70];
	v3 =	vadd.f32 v15, v3;
	[tilespmem:s17+$0xFFFFFFFD] =	vst.msk vm0, v57  }
0x3a1: {  	s18 =	simm.s32 $0x4;
	v10 =	vld [tilespmem:s19+$0xFFFFFF00];
	s19 =	simm.s32 $0x7B80;
	v9 =	vmul.f32 v56, v54;
	v4 =	vadd.f32 v63, v4;
	[tilespmem:s17+$0xFFFFFFFF] =	vst.msk vm0, v60;
	v11 =	vmul.f32 v61, v58  }
.LBB2_11:
0x3a2: {  	v12 =	vld [tilespmem:s19+$0x80];
	s16 =	sadd.s32 $0x200, s16;
	v13 =	vpop (erf);
	s17 =	sadd.s32 $0x4, s17  }
0x3a3: {  	v14 =	vld [tilespmem:s16+$0x80];
	v5 =	vmul.f32 v6, v5;
	v6 =	vadd.f32 v11, v9;
	[tilespmem:s17+$0x0] =	vst.msk vm0, v13  }
0x3a4: {  	v9 =	vld [tilespmem:s19+$0x90]  }
0x3a5: {  	v11 =	vld [tilespmem:s16+$0x90];
	v13 =	vmul.f32 v8, v7  }
0x3a6: {  	v8 =	vld [tilespmem:s19+$0xA0];
	v0 =	vmul.f32 v0, v10  }
0x3a7: {  	v10 =	vld [tilespmem:s16+$0xA0];
	v5 =	vadd.f32 v13, v5;
	v7, _, _ =	vpop (xrf2)  }
0x3a8: {  	v13 =	vld [tilespmem:s19+$0xB0];
	v0 =	vadd.f32 v1, v0;
	v1 =	vsub.f32 $0.0e+00, v7  }
0x3a9: {  	v7 =	vld [tilespmem:s16+$0xB0];
	v5 =	vadd.f32 v5, v6  }
0x3aa: {  	v6 =	vld [tilespmem:s19+$0xC0];
	v0 =	vadd.f32 v2, v0;
	v1 =	vmul.f32 $1.442695020e+00, v1  }
0x3ab: {  	v2 =	vld [tilespmem:s16+$0xC0];
	v4 =	vadd.f32 v5, v4  }
0x3ac: {  	v5 =	vld [tilespmem:s19+$0xD0];
	v0 =	vadd.f32 v3, v0;
	(erf) = vpow2.f32 v1  }
0x3ad: {  	v1 =	vld [tilespmem:s16+$0xD0]  }
0x3ae: {  	v3 =	vld [tilespmem:s19+$0xE0];
	(xrf2) =	vadd.scan.msk.f32 $0xffff, v0  }
0x3af: {  	v15 =	vld [tilespmem:s16+$0xE0]  }
0x3b0: {  	v16 =	vld [tilespmem:s19+$0xF0]  }
0x3b1: {  	s18 =	sadd.s32 $0x4, s18;
	v17 =	vld [tilespmem:s16+$0xF0];
	(xrf2) =	vadd.scan.msk.f32 $0xffff, v4  }
0x3b2: {  	p0 =	slt.u32 s18, $0xC;
	v0 =	vld [tilespmem:s16+$0xFFFFFF00]  }
0x3b3: {  	v12 =	vmul.f32 v14, v12;
	v9 =	vmul.f32 v11, v9;
	v4 =	vld [tilespmem:s19+$0xFFFFFF10]  }
0x3b4: {  	v8 =	vmul.f32 v10, v8;
	v7 =	vmul.f32 v7, v13;
	v11 =	vld [tilespmem:s16+$0xFFFFFF10]  }
0x3b5: {  	v2 =	vmul.f32 v2, v6;
	v1 =	vmul.f32 v1, v5;
	v10 =	vld [tilespmem:s19+$0xFFFFFF20];
	v5 =	vpop (erf)  }
0x3b6: {  	v3 =	vmul.f32 v15, v3;
	v6 =	vld [tilespmem:s16+$0xFFFFFF20];
	v13 =	vmul.f32 v17, v16;
	v5 =	vadd.f32 $1.000000000e+00, v5  }
0x3b7: {  	v9 =	vadd.f32 v9, v12;
	v7 =	vadd.f32 v7, v8;
	v14 =	vld [tilespmem:s19+$0xFFFFFF30]  }
0x3b8: {  	v2 =	vadd.f32 v1, v2;
	v8 =	vld [tilespmem:s16+$0xFFFFFF30];
	v3 =	vadd.f32 v13, v3;
	v12, _, _ =	vpop (xrf2);
	(erf) = vrcp.f32 v5  }
0x3b9: {  	v1 =	vmul.f32 v11, v4;
	v4 =	vld [tilespmem:s19+$0xFFFFFF40];
	v5 =	vsub.f32 $0.0e+00, v12  }
0x3ba: {  	v7 =	vadd.f32 v7, v9;
	v11 =	vld [tilespmem:s16+$0xFFFFFF40];
	v2 =	vadd.f32 v3, v2  }
0x3bb: {  	v3 =	vmul.f32 v6, v10;
	v6 =	vld [tilespmem:s19+$0xFFFFFF50];
	v5 =	vmul.f32 $1.442695020e+00, v5;
	v9, _, _ =	vpop (xrf2)  }
0x3bc: {  	v10 =	vld [tilespmem:s16+$0xFFFFFF50];
	v2 =	vadd.f32 v2, v7;
	v7 =	vsub.f32 $0.0e+00, v9  }
0x3bd: {  	v8 =	vmul.f32 v8, v14;
	v9 =	vld [tilespmem:s19+$0xFFFFFF60];
	(erf) = vpow2.f32 v5  }
0x3be: {  	v5 =	vld [tilespmem:s16+$0xFFFFFF60];
	(xrf2) =	vadd.scan.msk.f32 $0xffff, v2;
	v7 =	vmul.f32 $1.442695020e+00, v7  }
0x3bf: {  	v4 =	vmul.f32 v11, v4;
	v11 =	vld [tilespmem:s19+$0xFFFFFF70];
	v2 =	vadd.f32 v8, v3  }
0x3c0: {  	v3 =	vld [tilespmem:s16+$0xFFFFFF70];
	(erf) = vpow2.f32 v7  }
0x3c1: {  	v6 =	vmul.f32 v10, v6;
	v7 =	vld [tilespmem:s19+$0xFFFFFF80];
	v8 =	vpop (erf)  }
0x3c2: {  	v10 =	vld [tilespmem:s16+$0xFFFFFF80];
	[tilespmem:s17+$0xFFFFFFFE] =	vst.msk vm0, v8  }
0x3c3: {  	v5 =	vmul.f32 v5, v9;
	v4 =	vadd.f32 v6, v4;
	v6 =	vld [tilespmem:s19+$0xFFFFFF90]  }
0x3c4: {  	v8 =	vld [tilespmem:s16+$0xFFFFFF90]  }
0x3c5: {  	v3 =	vmul.f32 v3, v11;
	v9 =	vld [tilespmem:s19+$0xFFFFFFA0]  }
0x3c6: {  	v11 =	vld [tilespmem:s16+$0xFFFFFFA0];
	v12 =	vpop (erf)  }
0x3c7: {  	v3 =	vadd.f32 v3, v5;
	v5 =	vmul.f32 v10, v7;
	v7 =	vld [tilespmem:s19+$0xFFFFFFB0];
	v10 =	vadd.f32 $1.000000000e+00, v12  }
0x3c8: {  	v12 =	vld [tilespmem:s16+$0xFFFFFFB0];
	v13, _, _ =	vpop (xrf2)  }
0x3c9: {  	v3 =	vadd.f32 v3, v4;
	v4 =	vmul.f32 v8, v6;
	v6 =	vld [tilespmem:s19+$0xFFFFFFC0];
	v8 =	vsub.f32 $0.0e+00, v13;
	v13 =	vpop (erf)  }
0x3ca: {  	v14 =	vld [tilespmem:s16+$0xFFFFFFC0];
	v13 =	vadd.f32 $1.000000000e+00, v13;
	(erf) = vrcp.f32 v10  }
0x3cb: {  	v9 =	vmul.f32 v11, v9;
	v10 =	vld [tilespmem:s19+$0xFFFFFFD0];
	v4 =	vadd.f32 v4, v5;
	v5 =	vmul.f32 $1.442695020e+00, v8  }
0x3cc: {  	v8 =	vld [tilespmem:s16+$0xFFFFFFD0];
	(erf) = vrcp.f32 v13  }
0x3cd: {  	v7 =	vmul.f32 v12, v7;
	v11 =	vld [tilespmem:s19+$0xFFFFFFE0];
	(erf) = vpow2.f32 v5  }
0x3ce: {  	v5 =	vld [tilespmem:s16+$0xFFFFFFE0]  }
0x3cf: {  	v6 =	vmul.f32 v14, v6;
	v12 =	vld [tilespmem:s19+$0xFFFFFFF0];
	v7 =	vadd.f32 v7, v9  }
0x3d0: {  	v9 =	vld [tilespmem:s16+$0xFFFFFFF0]  }
0x3d1: {  	v8 =	vmul.f32 v8, v10;
	v4 =	vadd.f32 v7, v4;
	v7 =	vld [tilespmem:s19+$0x0]  }
0x3d2: {  	v10 =	vld [tilespmem:s16+$0x0]  }
0x3d3: {  	v5 =	vmul.f32 v5, v11;
	v6 =	vadd.f32 v8, v6;
	v8 =	vld [tilespmem:s19+$0x10];
	v11 =	vpop (erf)  }
0x3d4: {  	v13 =	vld [tilespmem:s16+$0x10];
	[tilespmem:s17+$0xFFFFFFFD] =	vst.msk vm0, v11  }
0x3d5: {  	v9 =	vmul.f32 v9, v12;
	v11 =	vld [tilespmem:s19+$0x20];
	v12 =	vpop (erf)  }
0x3d6: {  	v14 =	vld [tilespmem:s16+$0x20];
	v15 =	vpop (erf);
	[tilespmem:s17+$0xFFFFFFFF] =	vst.msk vm0, v12  }
0x3d7: {  	v5 =	vadd.f32 v9, v5;
	v7 =	vmul.f32 v10, v7;
	v9 =	vld [tilespmem:s19+$0x30];
	v10 =	vadd.f32 $1.000000000e+00, v15  }
0x3d8: {  	v12 =	vld [tilespmem:s16+$0x30]  }
0x3d9: {  	v5 =	vadd.f32 v5, v6;
	v6 =	vmul.f32 v13, v8;
	v8 =	vld [tilespmem:s19+$0x40];
	(erf) = vrcp.f32 v10  }
0x3da: {  	v10 =	vld [tilespmem:s16+$0x40]  }
0x3db: {  	v4 =	vadd.f32 v5, v4;
	v11 =	vmul.f32 v14, v11;
	v13 =	vld [tilespmem:s19+$0x50];
	v14 =	vadd.f32 v6, v7  }
0x3dc: {  	v15 =	vld [tilespmem:s16+$0x50]  }
.Ltmp5:
0x3dd: {  	v12 =	vmul.f32 v12, v9;
	v5 =	vld [tilespmem:s19+$0x60];
	(xrf2) =	vadd.scan.msk.f32 $0xffff, v4;
	(pc) =	sbr.rel @p0 .LBB2_11-.Ltmp5, $4  }
0x3de: {  	v6 =	vld [tilespmem:s16+$0x60]  }
0x3df: {  	v9 =	vmul.f32 v10, v8;
	v7 =	vld [tilespmem:s19+$0x70];
	v4 =	vadd.f32 v12, v11  }
0x3e0: {  	v8 =	vld [tilespmem:s16+$0x70]  }
0x3e1: {  	v10 =	vld [tilespmem:s19+$0xFFFFFF00];
	v11 =	vmul.f32 v15, v13;
	v4 =	vadd.f32 v4, v14;
	s19 =	sadd.s32 $0x200, s19  }
0x3e2: {  	_ =	sdelay $0x3  }
0x3e3: {  	v0 =	vmul.f32 v0, v10  }
0x3e4: {  	v5 =	vmul.f32 v6, v5;
	v51 =	vmul.f32 v8, v7  }
0x3e5: {  	v0 =	vadd.f32 v1, v0  }
0x3e6: {  	v52 =	vadd.f32 v11, v9;
	v5 =	vadd.f32 v51, v5;
	v53, _, _ =	vpop (xrf2)  }
0x3e7: {  	v6 =	vsub.f32 $0.0e+00, v53;
	v0 =	vadd.f32 v2, v0  }
0x3e8: {  	v1 =	vadd.f32 v5, v52  }
0x3e9: {  	v54 =	vmul.f32 $1.442695020e+00, v6;
	v0 =	vadd.f32 v3, v0  }
0x3ea: {  	v1 =	vadd.f32 v1, v4  }
0x3eb: {  	(erf) = vpow2.f32 v54;
	(xrf2) =	vadd.scan.msk.f32 $0xffff, v0  }
0x3ec: {  	(xrf2) =	vadd.scan.msk.f32 $0xffff, v1;
	_ =	sdelay $0x6  }
0x3ed: {  	v55 =	vpop (erf)  }
0x3ee: {  	v56 =	vpop (erf)  }
0x3ef: {  	v57, _, _ =	vpop (xrf2)  }
0x3f0: {  	v2 =	vsub.f32 $0.0e+00, v57;
	v58, _, _ =	vpop (xrf2)  }
0x3f1: {  	v1 =	vadd.f32 $1.000000000e+00, v56;
	v3 =	vsub.f32 $0.0e+00, v58  }
0x3f2: {  	v2 =	vmul.f32 $1.442695020e+00, v2  }
0x3f3: {  	(erf) = vrcp.f32 v1;
	v59 =	vmul.f32 $1.442695020e+00, v3  }
0x3f4: {  	(erf) = vpow2.f32 v2  }
0x3f5: {  	(erf) = vpow2.f32 v59;
	_ =	sdelay $0x6  }
0x3f6: {  	v60 =	vpop (erf)  }
0x3f7: {  	v2 =	vpop (erf)  }
0x3f8: {  	v2 =	vadd.f32 $1.000000000e+00, v2;
	v61 =	vpop (erf)  }
0x3f9: {  	v3 =	vadd.f32 $1.000000000e+00, v61  }
0x3fa: {  	(erf) = vrcp.f32 v2  }
0x3fb: {  	(erf) = vrcp.f32 v3;
	_ =	sdelay $0x5  }
0x3fc: {  	s16 =	sadd.s32 $0x4, s17  }
0x3fd: {  	[tilespmem:s16+$0x0] =	vst.msk vm0, v55  }
0x3fe: {  	s23 =	sadd.s32 $0x1, s23;
	[tilespmem:s16+$0xFFFFFFFE] =	vst.msk vm0, v60;
	v62 =	vpop (erf)  }
0x3ff: {  	p0 =	sne.s32 s23, s7;
	[tilespmem:s16+$0xFFFFFFFD] =	vst.msk vm0, v62;
	v63 =	vpop (erf)  }
.Ltmp6:
0x400: {  	[tilespmem:s16+$0xFFFFFFFF] =	vst.msk vm0, v63;
	(pc) =	sbr.rel @p0 .LBB2_1-.Ltmp6, $4  }
0x401: {  	[hbm4b:s6+s3] =	stream.linear.scatter [tilespmem:s22], [sflag:$0x4], $0x2710, $0x38;
	[tilespmem:$0x1F680] =	vst v63  }
0x402: {  	_ =	swait.ge [sflag:s8], $0x2710  }
0x403: {  	[sflag:s8] =	ssyncset.done $0x0  }
0x404: {  	[sflag:s8] =	ssyncadd.s32 $0xFFFFD8F0  }
0x405: {  	_ =	sfence.sel $0x180000  }
0x406: {  	[bflag:$0x0] =	sbarrier.arrive $0xFFFF  }
0x407: {  	_ =	strace $0x90000047  }
0x408: {  	s0 =	stileid.u32;
	[bflag:$0x2] =	sbarrier.arrive $0xFFFF  }
0x409: {  	p0 =	sne.s32 s0, $0x0;
	s0 =	rddreg [dreg:$0x3]  }
0x40a: {  	s0 =	sadd.s32 @!p0 $0x100000, s0  }
0x40b: {  	[sflag:s0] =	ssyncadd.tile.s32 @!p0 $0x1;
	_ =	shalt  }
.Lfunc_end2:
_tile_overlayer_lowered:
.L_overlay_start_2:
0x40c: {  	(tag) =	ssettag $0x2  }
0x40d: {  	s0 =	rddreg [dreg:$0x0];
	s2 =	stileid.u32  }
0x40e: {  	s1 =	rddreg [dreg:$0x1];
	p0 =	sne.s32 s2, $0x0  }
0x40f: {  	s3 =	rddreg [dreg:$0x2];
	[bflag:$0x3] =	sbarrier.arrive $0xFFFF;
	s2 =	simm.s32 @!p0 $0x1C04  }
0x410: {  	[timem:s3], [sflag:s2] =	dma.local @!p0 [hbm:s0], s1  }
0x411: {  	s0 =	simm.s32 @!p0 $0x4  }
0x412: {  	_ =	swait.ge @!p0 [sflag:s0], s1  }
0x413: {  	s1 =	ssub.s32 @!p0 $0x0, s1;
	[sflag:s0] =	ssyncset.done @!p0 $0x0  }
0x414: {  	[sflag:s0] =	ssyncadd.s32 @!p0 s1  }
0x415: {  	[bflag:$0x3] =	sbarrier.arrive $0xFFFF  }
0x416: {  	_ =	shalt  }

</sc_bundles>
